<compile_context>
chip_gen: v7x
topology: tpu7x:2x2x1
jax: 0.10.2.dev20260603
libtpu: 0.0.44.dev20260713+nightly
codegen_flags: <defaults>
</compile_context>

<pallas_src>
import functools

import jax
import jax.numpy as jnp
from jax import lax
from jax.experimental import pallas as pl
from jax.experimental.pallas import tpu as pltpu
from jax.experimental.pallas import tpu_sc as plsc

NC = 2
NS = 16
NW = NC * NS
L = 16

CHUNK = 16384
_MAGIC = 12582912.0


def _pwl_body(x_hbm, bp_hbm, ss_hbm, sv_hbm, is_hbm, iv_hbm, out_hbm,
              in0, in1, out0, out1, bp_v, ss_v, sv_v, is_v, iv_v,
              qs_seg, qi_seg, qs_lut, qi_lut,
              sem_i0, sem_i1, sem_o0, sem_o1, n_chunks: int, per_w: int):
    wid = lax.axis_index("s") * NC + lax.axis_index("c")
    base = wid * per_w

    pltpu.sync_copy(bp_hbm, bp_v)
    pltpu.sync_copy(ss_hbm, ss_v)
    pltpu.sync_copy(sv_hbm, sv_v)
    pltpu.sync_copy(is_hbm, is_v)
    pltpu.sync_copy(iv_hbm, iv_v)

    def exp2_int(e_f32):
        e = e_f32.astype(jnp.int32)
        return lax.bitcast_convert_type(jnp.left_shift(e + 127, 23), jnp.float32)

    for h in range(2):
        sl = pl.ds(h * L, L)
        qs_seg[sl] = sv_v[sl] * exp2_int(ss_v[sl] - 7.0)
        qi_seg[sl] = iv_v[sl] * exp2_int(is_v[sl] - 7.0)

    bp_vec = bp_v[...]
    lanes = lax.iota(jnp.int32, L)
    bps = [jnp.sum(jnp.where(lanes == j, bp_vec, 0.0)) for j in range(16)]
    one = jnp.full((L,), 1, jnp.int32)
    zero = jnp.full((L,), 0, jnp.int32)
    for v in range(256 // L):
        fip_f = (lanes + (v * L - 128)).astype(jnp.float32)
        idx = zero
        for j in range(16):
            idx = idx + jnp.where(fip_f >= bps[j], one, zero)
        sl = pl.ds(v * L, L)
        qs_lut[sl] = plsc.load_gather(qs_seg, [idx])
        qi_lut[sl] = plsc.load_gather(qi_seg, [idx])

    ins = (in0, in1)
    outs = (out0, out1)
    sem_i = (sem_i0, sem_i1)
    sem_o = (sem_o0, sem_o1)

    def in_slice(k):
        return x_hbm.at[pl.ds(base + k * CHUNK, CHUNK)]

    def out_slice(k):
        return out_hbm.at[pl.ds(base + k * CHUNK, CHUNK)]

    for b in range(2):
        pltpu.async_copy(in_slice(b), ins[b], sem_i[b])

    def compute(in_b, out_b):
        @plsc.parallel_loop(0, CHUNK, step=L, unroll=8)
        def _(off):
            xv = in_b[pl.ds(off, L)]
            xi32 = lax.bitcast_convert_type(xv, jnp.int32)
            m = lax.bitwise_and(xi32, jnp.int32(0x7F800000))
            mc = jnp.clip(m, jnp.int32(0x3F000000), jnp.int32(0x42800000))
            scale = lax.bitcast_convert_type(jnp.int32(-2113929216) - mc,
                                             jnp.float32)
            inv = lax.bitcast_convert_type(mc - jnp.int32(0x03000000),
                                           jnp.float32)
            v = xv * scale
            r = (v + _MAGIC) - _MAGIC
            r = jnp.clip(r, -128.0, 127.0)
            scale2 = lax.bitcast_convert_type(
                jnp.minimum(mc - jnp.int32(0x01000000), jnp.int32(0x3F800000)),
                jnp.float32)
            key = (r * scale2 + 128.0).astype(jnp.int32)
            qs = plsc.load_gather(qs_lut, [key])
            qi = plsc.load_gather(qi_lut, [key])
            out_b[pl.ds(off, L)] = (r * inv) * qs + qi

    @pl.loop(0, n_chunks, step=2)
    def _(g):
        for b in range(2):
            k = g + b
            pltpu.make_async_copy(in_slice(k), ins[b], sem_i[b]).wait()

            @pl.when(k >= 2)
            def _():
                pltpu.make_async_copy(outs[b], out_slice(k - 2), sem_o[b]).wait()

            compute(ins[b], outs[b])
            pltpu.async_copy(outs[b], out_slice(k), sem_o[b])

            @pl.when(k + 2 < n_chunks)
            def _():
                pltpu.async_copy(in_slice(k + 2), ins[b], sem_i[b])

    for b in range(2):
        pltpu.make_async_copy(outs[b], out_slice(n_chunks - 2 + b), sem_o[b]).wait()


def kernel(x, breakpoint_fip, slope_scale, slope_value, intercept_scale,
           intercept_value):
    orig_shape = x.shape
    rows = x.shape[0] * x.shape[1]
    cols = x.shape[2]
    xf = (x.reshape(rows // 8, 8, cols // 128, 128)
           .transpose(0, 2, 1, 3)
           .reshape(-1))
    n = xf.shape[0]
    assert n % (NW * CHUNK) == 0
    per_w = n // NW
    n_chunks = per_w // CHUNK
    assert n_chunks % 2 == 0

    pad = lambda t: jnp.zeros((2 * L,), jnp.float32).at[:t.shape[0]].set(t)
    ss = pad(slope_scale)
    sv = pad(slope_value)
    isc = pad(intercept_scale)
    iv = pad(intercept_value)

    mesh = plsc.VectorSubcoreMesh(core_axis_name="c", subcore_axis_name="s")
    f = pl.kernel(
        functools.partial(_pwl_body, n_chunks=n_chunks, per_w=per_w),
        out_type=jax.ShapeDtypeStruct((n,), jnp.float32),
        mesh=mesh,
        compiler_params=pltpu.CompilerParams(needs_layout_passes=False),
        scratch_types=[
            pltpu.VMEM((CHUNK,), jnp.float32),
            pltpu.VMEM((CHUNK,), jnp.float32),
            pltpu.VMEM((CHUNK,), jnp.float32),
            pltpu.VMEM((CHUNK,), jnp.float32),
            pltpu.VMEM((L,), jnp.float32),
            pltpu.VMEM((2 * L,), jnp.float32),
            pltpu.VMEM((2 * L,), jnp.float32),
            pltpu.VMEM((2 * L,), jnp.float32),
            pltpu.VMEM((2 * L,), jnp.float32),
            pltpu.VMEM((2 * L,), jnp.float32),
            pltpu.VMEM((2 * L,), jnp.float32),
            pltpu.VMEM((256,), jnp.float32),
            pltpu.VMEM((256,), jnp.float32),
            pltpu.SemaphoreType.DMA,
            pltpu.SemaphoreType.DMA,
            pltpu.SemaphoreType.DMA,
            pltpu.SemaphoreType.DMA,
        ],
    )
    out = f(xf, breakpoint_fip, ss, sv, isc, iv)
    return (out.reshape(rows // 8, cols // 128, 8, 128)
               .transpose(0, 2, 1, 3)
               .reshape(orig_shape))

# --- scband reference (transcript-rebuilt; emitter-appended) ---
"""Pipeline reference for scband-gade-lut-pwl-17772574671526 (READ-ONLY COPY).

The authoritative reference and input builder live on the scoring server;
editing this copy changes nothing except your own understanding.
"""

import jax, jax.numpy as jnp
import numpy as np


def _gelu(v):
    return 0.5 * v * (1.0 + np.tanh(np.sqrt(2.0 / np.pi) * (v + 0.044715 * v ** 3)))


def _build_pwl_params():
    # Emulates the pretrained JSON for pwl_type='gelu': 16 breakpoints, 17 segments
    bp = np.linspace(-4.0, 4.0, 16)
    g = _gelu(bp)
    slopes = np.zeros(17, dtype=np.float64)
    intercepts = np.zeros(17, dtype=np.float64)
    slopes[0] = 0.0
    intercepts[0] = g[0]
    for i in range(1, 16):
        s = (g[i] - g[i - 1]) / (bp[i] - bp[i - 1])
        slopes[i] = s
        intercepts[i] = g[i - 1] - s * bp[i - 1]
    slopes[16] = 1.0
    intercepts[16] = 0.0
    # __init__ quantization logic (dff=True)
    breakpoint_fip = np.clip(np.round(bp * 2.0 ** 4), -128, 127)
    eps = 1e-12
    slope_scale = np.floor(np.clip(1.0 + np.log2(np.abs(slopes) + eps), 0.0, 7.0))
    intercept_scale = np.floor(np.clip(1.0 + np.log2(np.abs(intercepts) + eps), 0.0, 7.0))
    slope_value = np.clip(np.round(slopes * 2.0 ** (7.0 - slope_scale)), -128, 127)
    intercept_value = np.clip(np.round(intercepts * 2.0 ** (7.0 - intercept_scale)), -128, 127)
    return (jnp.asarray(breakpoint_fip, jnp.float32),
            jnp.asarray(slope_scale, jnp.float32),
            jnp.asarray(slope_value, jnp.float32),
            jnp.asarray(intercept_scale, jnp.float32),
            jnp.asarray(intercept_value, jnp.float32))


def setup_inputs(seed: int = 0) -> dict:
    key = jax.random.key(seed)
    x = jax.random.normal(key, (2, 8192, 2048), dtype=jnp.float32) * 2.0
    bp_fip, ss, sv, iscale, iv = _build_pwl_params()
    return {"x": x, "breakpoint_fip": bp_fip, "slope_scale": ss,
            "slope_value": sv, "intercept_scale": iscale, "intercept_value": iv}


def reference(x, breakpoint_fip, slope_scale, slope_value, intercept_scale, intercept_value):
    # dff == True path
    x_scale = jnp.floor(jnp.clip(1.0 + jnp.log2(jnp.abs(x)), 0.0, 7.0))
    x_value = jnp.clip(jnp.round(x * 2.0 ** (7.0 - x_scale)), -128.0, 127.0)
    x_scale_comp = jnp.clip(x_scale, 0.0, 3.0)
    x_fip = jnp.clip(jnp.floor(x_value / 2.0 ** 7 * 2.0 ** (x_scale_comp + 4.0)), -128.0, 127.0)
    satur_cond = x_scale_comp > 3.0
    pos_satur = (jnp.sign(x_value) == 1.0) & satur_cond
    neg_satur = (jnp.sign(x_value) == -1.0) & satur_cond
    # torch.bucketize(x, boundaries, right=True) == searchsorted(boundaries, x, side='right')
    indices = jnp.searchsorted(breakpoint_fip, x_fip, side='right')
    n_seg = slope_value.shape[0]
    indices = jnp.where(pos_satur, n_seg - 1, indices)
    indices = jnp.where(neg_satur, 0, indices)
    slope_scale_idxd = jnp.take(slope_scale, indices)
    slope_value_idxd = jnp.take(slope_value, indices)
    intercept_scale_idxd = jnp.take(intercept_scale, indices)
    intercept_value_idxd = jnp.take(intercept_value, indices)
    mult_scale = x_scale + slope_scale_idxd
    mult_value = x_value * slope_value_idxd
    scale_sub = 7.0 + intercept_scale_idxd - mult_scale
    add_value = mult_value + intercept_value_idxd * 2.0 ** scale_sub
    out = add_value / 2.0 ** (14.0 - mult_scale)
    return out

if __name__ == "__main__":
    import jax
    _d = setup_inputs()
    print(jax.jit(kernel)(*tuple(_d.values())))

</pallas_src>

<mosaic_0001>
#map = affine_map<(d0, d1) -> (0)>
module attributes {stable_mosaic.version = 14 : i64} {
  func.func @_pwl_body(%arg0: i32, %arg1: i32, %arg2: memref<33554432xf32, #tpu.memory_space<hbm>>, %arg3: memref<16xf32, #tpu.memory_space<hbm>>, %arg4: memref<32xf32, #tpu.memory_space<hbm>>, %arg5: memref<32xf32, #tpu.memory_space<hbm>>, %arg6: memref<32xf32, #tpu.memory_space<hbm>>, %arg7: memref<32xf32, #tpu.memory_space<hbm>>, %arg8: memref<33554432xf32, #tpu.memory_space<hbm>>, %arg9: memref<16384xf32, #tpu.memory_space<vmem>>, %arg10: memref<16384xf32, #tpu.memory_space<vmem>>, %arg11: memref<16384xf32, #tpu.memory_space<vmem>>, %arg12: memref<16384xf32, #tpu.memory_space<vmem>>, %arg13: memref<16xf32, #tpu.memory_space<vmem>>, %arg14: memref<32xf32, #tpu.memory_space<vmem>>, %arg15: memref<32xf32, #tpu.memory_space<vmem>>, %arg16: memref<32xf32, #tpu.memory_space<vmem>>, %arg17: memref<32xf32, #tpu.memory_space<vmem>>, %arg18: memref<32xf32, #tpu.memory_space<vmem>>, %arg19: memref<32xf32, #tpu.memory_space<vmem>>, %arg20: memref<256xf32, #tpu.memory_space<vmem>>, %arg21: memref<256xf32, #tpu.memory_space<vmem>>, %arg22: memref<!tpu.dma_semaphore, #tpu.memory_space<semaphore_mem>>, %arg23: memref<!tpu.dma_semaphore, #tpu.memory_space<semaphore_mem>>, %arg24: memref<!tpu.dma_semaphore, #tpu.memory_space<semaphore_mem>>, %arg25: memref<!tpu.dma_semaphore, #tpu.memory_space<semaphore_mem>>) attributes {dimension_semantics = [#tpu.dimension_semantics<core_parallel>, #tpu.dimension_semantics<subcore_parallel>], iteration_bounds = array<i64: 2, 16>, scalar_prefetch = 0 : i64, scratch_operands = 17 : i64, tpu.core_type = #tpu.core_type<sc_vector_subcore>, window_params = [{transform_indices = #map}, {transform_indices = #map}, {transform_indices = #map}, {transform_indices = #map}, {transform_indices = #map}, {transform_indices = #map}, {transform_indices = #map}]} {
    %mul3A = arith.constant 2 : i32
    %mul3A_0 = arith.muli %arg1, %mul3A : i32
    %add3A = arith.addi %mul3A_0, %arg0 : i32
    %mul3A_1 = arith.constant 1048576 : i32
    %mul3A_2 = arith.muli %add3A, %mul3A_1 : i32
    "tpu.region"() ({
      %run_scoped3A = tpu.sem_alloc : memref<!tpu.dma_semaphore, #tpu.memory_space<semaphore_mem>>
      tpu.enqueue_dma source(%arg3 : memref<16xf32, #tpu.memory_space<hbm>>) target(%arg13 : memref<16xf32, #tpu.memory_space<vmem>>) target_semaphore(%run_scoped3A : memref<!tpu.dma_semaphore, #tpu.memory_space<semaphore_mem>>)
      tpu.wait_dma2 semaphore(%run_scoped3A : memref<!tpu.dma_semaphore, #tpu.memory_space<semaphore_mem>>) src(%arg3 : memref<16xf32, #tpu.memory_space<hbm>>) dst(%arg13 : memref<16xf32, #tpu.memory_space<vmem>>)
      tpu.yield
    }) : () -> ()
    "tpu.region"() ({
      %run_scoped3A = tpu.sem_alloc : memref<!tpu.dma_semaphore, #tpu.memory_space<semaphore_mem>>
      tpu.enqueue_dma source(%arg4 : memref<32xf32, #tpu.memory_space<hbm>>) target(%arg14 : memref<32xf32, #tpu.memory_space<vmem>>) target_semaphore(%run_scoped3A : memref<!tpu.dma_semaphore, #tpu.memory_space<semaphore_mem>>)
      tpu.wait_dma2 semaphore(%run_scoped3A : memref<!tpu.dma_semaphore, #tpu.memory_space<semaphore_mem>>) src(%arg4 : memref<32xf32, #tpu.memory_space<hbm>>) dst(%arg14 : memref<32xf32, #tpu.memory_space<vmem>>)
      tpu.yield
    }) : () -> ()
    "tpu.region"() ({
      %run_scoped3A = tpu.sem_alloc : memref<!tpu.dma_semaphore, #tpu.memory_space<semaphore_mem>>
      tpu.enqueue_dma source(%arg5 : memref<32xf32, #tpu.memory_space<hbm>>) target(%arg15 : memref<32xf32, #tpu.memory_space<vmem>>) target_semaphore(%run_scoped3A : memref<!tpu.dma_semaphore, #tpu.memory_space<semaphore_mem>>)
      tpu.wait_dma2 semaphore(%run_scoped3A : memref<!tpu.dma_semaphore, #tpu.memory_space<semaphore_mem>>) src(%arg5 : memref<32xf32, #tpu.memory_space<hbm>>) dst(%arg15 : memref<32xf32, #tpu.memory_space<vmem>>)
      tpu.yield
    }) : () -> ()
    "tpu.region"() ({
      %run_scoped3A = tpu.sem_alloc : memref<!tpu.dma_semaphore, #tpu.memory_space<semaphore_mem>>
      tpu.enqueue_dma source(%arg6 : memref<32xf32, #tpu.memory_space<hbm>>) target(%arg16 : memref<32xf32, #tpu.memory_space<vmem>>) target_semaphore(%run_scoped3A : memref<!tpu.dma_semaphore, #tpu.memory_space<semaphore_mem>>)
      tpu.wait_dma2 semaphore(%run_scoped3A : memref<!tpu.dma_semaphore, #tpu.memory_space<semaphore_mem>>) src(%arg6 : memref<32xf32, #tpu.memory_space<hbm>>) dst(%arg16 : memref<32xf32, #tpu.memory_space<vmem>>)
      tpu.yield
    }) : () -> ()
    "tpu.region"() ({
      %run_scoped3A = tpu.sem_alloc : memref<!tpu.dma_semaphore, #tpu.memory_space<semaphore_mem>>
      tpu.enqueue_dma source(%arg7 : memref<32xf32, #tpu.memory_space<hbm>>) target(%arg17 : memref<32xf32, #tpu.memory_space<vmem>>) target_semaphore(%run_scoped3A : memref<!tpu.dma_semaphore, #tpu.memory_space<semaphore_mem>>)
      tpu.wait_dma2 semaphore(%run_scoped3A : memref<!tpu.dma_semaphore, #tpu.memory_space<semaphore_mem>>) src(%arg7 : memref<32xf32, #tpu.memory_space<hbm>>) dst(%arg17 : memref<32xf32, #tpu.memory_space<vmem>>)
      tpu.yield
    }) : () -> ()
    %get3A = arith.constant 0 : index
    %get3A_3 = tpu.vector_load %arg15[%get3A] {strides = array<i32>} : memref<32xf32, #tpu.memory_space<vmem>>, vector<16xf32>,
    %get3A_4 = arith.constant 0 : index
    %get3A_5 = tpu.vector_load %arg14[%get3A_4] {strides = array<i32>} : memref<32xf32, #tpu.memory_space<vmem>>, vector<16xf32>,
    %sub3A = arith.constant 7.000000e+00 : f32
    %sub3A_6 = vector.broadcast %sub3A : f32 to vector<16xf32>
    %sub3A_7 = arith.subf %get3A_5, %sub3A_6 : vector<16xf32>
    %convert_element_type3A = arith.fptosi %sub3A_7 : vector<16xf32> to vector<16xi32>
    %add3A_8 = arith.constant 127 : i32
    %add3A_9 = vector.broadcast %add3A_8 : i32 to vector<16xi32>
    %add3A_10 = arith.addi %convert_element_type3A, %add3A_9 : vector<16xi32>
    %shift_left3A = arith.constant 23 : i32
    %shift_left3A_11 = vector.broadcast %shift_left3A : i32 to vector<16xi32>
    %shift_left3A_12 = arith.shli %add3A_10, %shift_left3A_11 : vector<16xi32>
    %bitcast_convert_type3A = tpu.bitcast %shift_left3A_12 : vector<16xi32> -> vector<16xf32>
    %mul3A_13 = arith.mulf %get3A_3, %bitcast_convert_type3A : vector<16xf32>
    %swap3A = arith.constant 0 : index
    %swap3A_14 = tpu.vector_load %arg18[%swap3A] {strides = array<i32>} : memref<32xf32, #tpu.memory_space<vmem>>, vector<16xf32>,
    tpu.vector_store %arg18[%swap3A], %mul3A_13 {strides = array<i32>} : memref<32xf32, #tpu.memory_space<vmem>>, vector<16xf32>,
    %get3A_15 = arith.constant 0 : index
    %get3A_16 = tpu.vector_load %arg17[%get3A_15] {strides = array<i32>} : memref<32xf32, #tpu.memory_space<vmem>>, vector<16xf32>,
    %get3A_17 = arith.constant 0 : index
    %get3A_18 = tpu.vector_load %arg16[%get3A_17] {strides = array<i32>} : memref<32xf32, #tpu.memory_space<vmem>>, vector<16xf32>,
    %sub3A_19 = arith.constant 7.000000e+00 : f32
    %sub3A_20 = vector.broadcast %sub3A_19 : f32 to vector<16xf32>
    %sub3A_21 = arith.subf %get3A_18, %sub3A_20 : vector<16xf32>
    %convert_element_type3A_22 = arith.fptosi %sub3A_21 : vector<16xf32> to vector<16xi32>
    %add3A_23 = arith.constant 127 : i32
    %add3A_24 = vector.broadcast %add3A_23 : i32 to vector<16xi32>
    %add3A_25 = arith.addi %convert_element_type3A_22, %add3A_24 : vector<16xi32>
    %shift_left3A_26 = arith.constant 23 : i32
    %shift_left3A_27 = vector.broadcast %shift_left3A_26 : i32 to vector<16xi32>
    %shift_left3A_28 = arith.shli %add3A_25, %shift_left3A_27 : vector<16xi32>
    %bitcast_convert_type3A_29 = tpu.bitcast %shift_left3A_28 : vector<16xi32> -> vector<16xf32>
    %mul3A_30 = arith.mulf %get3A_16, %bitcast_convert_type3A_29 : vector<16xf32>
    %swap3A_31 = arith.constant 0 : index
    %swap3A_32 = tpu.vector_load %arg19[%swap3A_31] {strides = array<i32>} : memref<32xf32, #tpu.memory_space<vmem>>, vector<16xf32>,
    tpu.vector_store %arg19[%swap3A_31], %mul3A_30 {strides = array<i32>} : memref<32xf32, #tpu.memory_space<vmem>>, vector<16xf32>,
    %get3A_33 = arith.constant 16 : index
    %get3A_34 = tpu.vector_load %arg15[%get3A_33] {strides = array<i32>} : memref<32xf32, #tpu.memory_space<vmem>>, vector<16xf32>,
    %get3A_35 = arith.constant 16 : index
    %get3A_36 = tpu.vector_load %arg14[%get3A_35] {strides = array<i32>} : memref<32xf32, #tpu.memory_space<vmem>>, vector<16xf32>,
    %sub3A_37 = arith.constant 7.000000e+00 : f32
    %sub3A_38 = vector.broadcast %sub3A_37 : f32 to vector<16xf32>
    %sub3A_39 = arith.subf %get3A_36, %sub3A_38 : vector<16xf32>
    %convert_element_type3A_40 = arith.fptosi %sub3A_39 : vector<16xf32> to vector<16xi32>
    %add3A_41 = arith.constant 127 : i32
    %add3A_42 = vector.broadcast %add3A_41 : i32 to vector<16xi32>
    %add3A_43 = arith.addi %convert_element_type3A_40, %add3A_42 : vector<16xi32>
    %shift_left3A_44 = arith.constant 23 : i32
    %shift_left3A_45 = vector.broadcast %shift_left3A_44 : i32 to vector<16xi32>
    %shift_left3A_46 = arith.shli %add3A_43, %shift_left3A_45 : vector<16xi32>
    %bitcast_convert_type3A_47 = tpu.bitcast %shift_left3A_46 : vector<16xi32> -> vector<16xf32>
    %mul3A_48 = arith.mulf %get3A_34, %bitcast_convert_type3A_47 : vector<16xf32>
    %swap3A_49 = arith.constant 16 : index
    %swap3A_50 = tpu.vector_load %arg18[%swap3A_49] {strides = array<i32>} : memref<32xf32, #tpu.memory_space<vmem>>, vector<16xf32>,
    tpu.vector_store %arg18[%swap3A_49], %mul3A_48 {strides = array<i32>} : memref<32xf32, #tpu.memory_space<vmem>>, vector<16xf32>,
    %get3A_51 = arith.constant 16 : index
    %get3A_52 = tpu.vector_load %arg17[%get3A_51] {strides = array<i32>} : memref<32xf32, #tpu.memory_space<vmem>>, vector<16xf32>,
    %get3A_53 = arith.constant 16 : index
    %get3A_54 = tpu.vector_load %arg16[%get3A_53] {strides = array<i32>} : memref<32xf32, #tpu.memory_space<vmem>>, vector<16xf32>,
    %sub3A_55 = arith.constant 7.000000e+00 : f32
    %sub3A_56 = vector.broadcast %sub3A_55 : f32 to vector<16xf32>
    %sub3A_57 = arith.subf %get3A_54, %sub3A_56 : vector<16xf32>
    %convert_element_type3A_58 = arith.fptosi %sub3A_57 : vector<16xf32> to vector<16xi32>
    %add3A_59 = arith.constant 127 : i32
    %add3A_60 = vector.broadcast %add3A_59 : i32 to vector<16xi32>
    %add3A_61 = arith.addi %convert_element_type3A_58, %add3A_60 : vector<16xi32>
    %shift_left3A_62 = arith.constant 23 : i32
    %shift_left3A_63 = vector.broadcast %shift_left3A_62 : i32 to vector<16xi32>
    %shift_left3A_64 = arith.shli %add3A_61, %shift_left3A_63 : vector<16xi32>
    %bitcast_convert_type3A_65 = tpu.bitcast %shift_left3A_64 : vector<16xi32> -> vector<16xf32>
    %mul3A_66 = arith.mulf %get3A_52, %bitcast_convert_type3A_65 : vector<16xf32>
    %swap3A_67 = arith.constant 16 : index
    %swap3A_68 = tpu.vector_load %arg19[%swap3A_67] {strides = array<i32>} : memref<32xf32, #tpu.memory_space<vmem>>, vector<16xf32>,
    tpu.vector_store %arg19[%swap3A_67], %mul3A_66 {strides = array<i32>} : memref<32xf32, #tpu.memory_space<vmem>>, vector<16xf32>,
    %get3A_69 = arith.constant 0 : index
    %get3A_70 = tpu.vector_load %arg13[%get3A_69] {strides = array<i32>} : memref<16xf32, #tpu.memory_space<vmem>>, vector<16xf32>,
    %iota3A = tpu.iota {dimensions = array<i32: 0>} : vector<16xi32>
    %eq3A = arith.constant 0 : i32
    %eq3A_71 = vector.broadcast %eq3A : i32 to vector<16xi32>
    %eq3A_72 = arith.cmpi eq, %iota3A, %eq3A_71 : vector<16xi32>
    %jit3A = arith.constant 0.000000e+00 : f32
    %broadcast_in_dim3A = vector.broadcast %jit3A : f32 to vector<16xf32>
    %select_n3A = arith.select %eq3A_72, %get3A_70, %broadcast_in_dim3A : vector<16xi1>, vector<16xf32>
    %reduce_sum3A = arith.constant true
    %reduce_sum3A_73 = vector.broadcast %reduce_sum3A : i1 to vector<16xi1>
    %reduce_sum3A_74 = tpu.scan <sum>, %select_n3A masked %reduce_sum3A_73 : vector<16xf32>, vector<16xi1> -> vector<16xf32>
    %reduce_sum3A_75 = vector.extract %reduce_sum3A_74[15] : f32 from vector<16xf32>
    %eq3A_76 = arith.constant 1 : i32
    %eq3A_77 = vector.broadcast %eq3A_76 : i32 to vector<16xi32>
    %eq3A_78 = arith.cmpi eq, %iota3A, %eq3A_77 : vector<16xi32>
    %jit3A_79 = arith.constant 0.000000e+00 : f32
    %broadcast_in_dim3A_80 = vector.broadcast %jit3A_79 : f32 to vector<16xf32>
    %select_n3A_81 = arith.select %eq3A_78, %get3A_70, %broadcast_in_dim3A_80 : vector<16xi1>, vector<16xf32>
    %reduce_sum3A_82 = arith.constant true
    %reduce_sum3A_83 = vector.broadcast %reduce_sum3A_82 : i1 to vector<16xi1>
    %reduce_sum3A_84 = tpu.scan <sum>, %select_n3A_81 masked %reduce_sum3A_83 : vector<16xf32>, vector<16xi1> -> vector<16xf32>
    %reduce_sum3A_85 = vector.extract %reduce_sum3A_84[15] : f32 from vector<16xf32>
    %eq3A_86 = arith.constant 2 : i32
    %eq3A_87 = vector.broadcast %eq3A_86 : i32 to vector<16xi32>
    %eq3A_88 = arith.cmpi eq, %iota3A, %eq3A_87 : vector<16xi32>
    %jit3A_89 = arith.constant 0.000000e+00 : f32
    %broadcast_in_dim3A_90 = vector.broadcast %jit3A_89 : f32 to vector<16xf32>
    %select_n3A_91 = arith.select %eq3A_88, %get3A_70, %broadcast_in_dim3A_90 : vector<16xi1>, vector<16xf32>
    %reduce_sum3A_92 = arith.constant true
    %reduce_sum3A_93 = vector.broadcast %reduce_sum3A_92 : i1 to vector<16xi1>
    %reduce_sum3A_94 = tpu.scan <sum>, %select_n3A_91 masked %reduce_sum3A_93 : vector<16xf32>, vector<16xi1> -> vector<16xf32>
    %reduce_sum3A_95 = vector.extract %reduce_sum3A_94[15] : f32 from vector<16xf32>
    %eq3A_96 = arith.constant 3 : i32
    %eq3A_97 = vector.broadcast %eq3A_96 : i32 to vector<16xi32>
    %eq3A_98 = arith.cmpi eq, %iota3A, %eq3A_97 : vector<16xi32>
    %jit3A_99 = arith.constant 0.000000e+00 : f32
    %broadcast_in_dim3A_100 = vector.broadcast %jit3A_99 : f32 to vector<16xf32>
    %select_n3A_101 = arith.select %eq3A_98, %get3A_70, %broadcast_in_dim3A_100 : vector<16xi1>, vector<16xf32>
    %reduce_sum3A_102 = arith.constant true
    %reduce_sum3A_103 = vector.broadcast %reduce_sum3A_102 : i1 to vector<16xi1>
    %reduce_sum3A_104 = tpu.scan <sum>, %select_n3A_101 masked %reduce_sum3A_103 : vector<16xf32>, vector<16xi1> -> vector<16xf32>
    %reduce_sum3A_105 = vector.extract %reduce_sum3A_104[15] : f32 from vector<16xf32>
    %eq3A_106 = arith.constant 4 : i32
    %eq3A_107 = vector.broadcast %eq3A_106 : i32 to vector<16xi32>
    %eq3A_108 = arith.cmpi eq, %iota3A, %eq3A_107 : vector<16xi32>
    %jit3A_109 = arith.constant 0.000000e+00 : f32
    %broadcast_in_dim3A_110 = vector.broadcast %jit3A_109 : f32 to vector<16xf32>
    %select_n3A_111 = arith.select %eq3A_108, %get3A_70, %broadcast_in_dim3A_110 : vector<16xi1>, vector<16xf32>
    %reduce_sum3A_112 = arith.constant true
    %reduce_sum3A_113 = vector.broadcast %reduce_sum3A_112 : i1 to vector<16xi1>
    %reduce_sum3A_114 = tpu.scan <sum>, %select_n3A_111 masked %reduce_sum3A_113 : vector<16xf32>, vector<16xi1> -> vector<16xf32>
    %reduce_sum3A_115 = vector.extract %reduce_sum3A_114[15] : f32 from vector<16xf32>
    %eq3A_116 = arith.constant 5 : i32
    %eq3A_117 = vector.broadcast %eq3A_116 : i32 to vector<16xi32>
    %eq3A_118 = arith.cmpi eq, %iota3A, %eq3A_117 : vector<16xi32>
    %jit3A_119 = arith.constant 0.000000e+00 : f32
    %broadcast_in_dim3A_120 = vector.broadcast %jit3A_119 : f32 to vector<16xf32>
    %select_n3A_121 = arith.select %eq3A_118, %get3A_70, %broadcast_in_dim3A_120 : vector<16xi1>, vector<16xf32>
    %reduce_sum3A_122 = arith.constant true
    %reduce_sum3A_123 = vector.broadcast %reduce_sum3A_122 : i1 to vector<16xi1>
    %reduce_sum3A_124 = tpu.scan <sum>, %select_n3A_121 masked %reduce_sum3A_123 : vector<16xf32>, vector<16xi1> -> vector<16xf32>
    %reduce_sum3A_125 = vector.extract %reduce_sum3A_124[15] : f32 from vector<16xf32>
    %eq3A_126 = arith.constant 6 : i32
    %eq3A_127 = vector.broadcast %eq3A_126 : i32 to vector<16xi32>
    %eq3A_128 = arith.cmpi eq, %iota3A, %eq3A_127 : vector<16xi32>
    %jit3A_129 = arith.constant 0.000000e+00 : f32
    %broadcast_in_dim3A_130 = vector.broadcast %jit3A_129 : f32 to vector<16xf32>
    %select_n3A_131 = arith.select %eq3A_128, %get3A_70, %broadcast_in_dim3A_130 : vector<16xi1>, vector<16xf32>
    %reduce_sum3A_132 = arith.constant true
    %reduce_sum3A_133 = vector.broadcast %reduce_sum3A_132 : i1 to vector<16xi1>
    %reduce_sum3A_134 = tpu.scan <sum>, %select_n3A_131 masked %reduce_sum3A_133 : vector<16xf32>, vector<16xi1> -> vector<16xf32>
    %reduce_sum3A_135 = vector.extract %reduce_sum3A_134[15] : f32 from vector<16xf32>
    %eq3A_136 = arith.constant 7 : i32
    %eq3A_137 = vector.broadcast %eq3A_136 : i32 to vector<16xi32>
    %eq3A_138 = arith.cmpi eq, %iota3A, %eq3A_137 : vector<16xi32>
    %jit3A_139 = arith.constant 0.000000e+00 : f32
    %broadcast_in_dim3A_140 = vector.broadcast %jit3A_139 : f32 to vector<16xf32>
    %select_n3A_141 = arith.select %eq3A_138, %get3A_70, %broadcast_in_dim3A_140 : vector<16xi1>, vector<16xf32>
    %reduce_sum3A_142 = arith.constant true
    %reduce_sum3A_143 = vector.broadcast %reduce_sum3A_142 : i1 to vector<16xi1>
    %reduce_sum3A_144 = tpu.scan <sum>, %select_n3A_141 masked %reduce_sum3A_143 : vector<16xf32>, vector<16xi1> -> vector<16xf32>
    %reduce_sum3A_145 = vector.extract %reduce_sum3A_144[15] : f32 from vector<16xf32>
    %eq3A_146 = arith.constant 8 : i32
    %eq3A_147 = vector.broadcast %eq3A_146 : i32 to vector<16xi32>
    %eq3A_148 = arith.cmpi eq, %iota3A, %eq3A_147 : vector<16xi32>
    %jit3A_149 = arith.constant 0.000000e+00 : f32
    %broadcast_in_dim3A_150 = vector.broadcast %jit3A_149 : f32 to vector<16xf32>
    %select_n3A_151 = arith.select %eq3A_148, %get3A_70, %broadcast_in_dim3A_150 : vector<16xi1>, vector<16xf32>
    %reduce_sum3A_152 = arith.constant true
    %reduce_sum3A_153 = vector.broadcast %reduce_sum3A_152 : i1 to vector<16xi1>
    %reduce_sum3A_154 = tpu.scan <sum>, %select_n3A_151 masked %reduce_sum3A_153 : vector<16xf32>, vector<16xi1> -> vector<16xf32>
    %reduce_sum3A_155 = vector.extract %reduce_sum3A_154[15] : f32 from vector<16xf32>
    %eq3A_156 = arith.constant 9 : i32
    %eq3A_157 = vector.broadcast %eq3A_156 : i32 to vector<16xi32>
    %eq3A_158 = arith.cmpi eq, %iota3A, %eq3A_157 : vector<16xi32>
    %jit3A_159 = arith.constant 0.000000e+00 : f32
    %broadcast_in_dim3A_160 = vector.broadcast %jit3A_159 : f32 to vector<16xf32>
    %select_n3A_161 = arith.select %eq3A_158, %get3A_70, %broadcast_in_dim3A_160 : vector<16xi1>, vector<16xf32>
    %reduce_sum3A_162 = arith.constant true
    %reduce_sum3A_163 = vector.broadcast %reduce_sum3A_162 : i1 to vector<16xi1>
    %reduce_sum3A_164 = tpu.scan <sum>, %select_n3A_161 masked %reduce_sum3A_163 : vector<16xf32>, vector<16xi1> -> vector<16xf32>
    %reduce_sum3A_165 = vector.extract %reduce_sum3A_164[15] : f32 from vector<16xf32>
    %eq3A_166 = arith.constant 10 : i32
    %eq3A_167 = vector.broadcast %eq3A_166 : i32 to vector<16xi32>
    %eq3A_168 = arith.cmpi eq, %iota3A, %eq3A_167 : vector<16xi32>
    %jit3A_169 = arith.constant 0.000000e+00 : f32
    %broadcast_in_dim3A_170 = vector.broadcast %jit3A_169 : f32 to vector<16xf32>
    %select_n3A_171 = arith.select %eq3A_168, %get3A_70, %broadcast_in_dim3A_170 : vector<16xi1>, vector<16xf32>
    %reduce_sum3A_172 = arith.constant true
    %reduce_sum3A_173 = vector.broadcast %reduce_sum3A_172 : i1 to vector<16xi1>
    %reduce_sum3A_174 = tpu.scan <sum>, %select_n3A_171 masked %reduce_sum3A_173 : vector<16xf32>, vector<16xi1> -> vector<16xf32>
    %reduce_sum3A_175 = vector.extract %reduce_sum3A_174[15] : f32 from vector<16xf32>
    %eq3A_176 = arith.constant 11 : i32
    %eq3A_177 = vector.broadcast %eq3A_176 : i32 to vector<16xi32>
    %eq3A_178 = arith.cmpi eq, %iota3A, %eq3A_177 : vector<16xi32>
    %jit3A_179 = arith.constant 0.000000e+00 : f32
    %broadcast_in_dim3A_180 = vector.broadcast %jit3A_179 : f32 to vector<16xf32>
    %select_n3A_181 = arith.select %eq3A_178, %get3A_70, %broadcast_in_dim3A_180 : vector<16xi1>, vector<16xf32>
    %reduce_sum3A_182 = arith.constant true
    %reduce_sum3A_183 = vector.broadcast %reduce_sum3A_182 : i1 to vector<16xi1>
    %reduce_sum3A_184 = tpu.scan <sum>, %select_n3A_181 masked %reduce_sum3A_183 : vector<16xf32>, vector<16xi1> -> vector<16xf32>
    %reduce_sum3A_185 = vector.extract %reduce_sum3A_184[15] : f32 from vector<16xf32>
    %eq3A_186 = arith.constant 12 : i32
    %eq3A_187 = vector.broadcast %eq3A_186 : i32 to vector<16xi32>
    %eq3A_188 = arith.cmpi eq, %iota3A, %eq3A_187 : vector<16xi32>
    %jit3A_189 = arith.constant 0.000000e+00 : f32
    %broadcast_in_dim3A_190 = vector.broadcast %jit3A_189 : f32 to vector<16xf32>
    %select_n3A_191 = arith.select %eq3A_188, %get3A_70, %broadcast_in_dim3A_190 : vector<16xi1>, vector<16xf32>
    %reduce_sum3A_192 = arith.constant true
    %reduce_sum3A_193 = vector.broadcast %reduce_sum3A_192 : i1 to vector<16xi1>
    %reduce_sum3A_194 = tpu.scan <sum>, %select_n3A_191 masked %reduce_sum3A_193 : vector<16xf32>, vector<16xi1> -> vector<16xf32>
    %reduce_sum3A_195 = vector.extract %reduce_sum3A_194[15] : f32 from vector<16xf32>
    %eq3A_196 = arith.constant 13 : i32
    %eq3A_197 = vector.broadcast %eq3A_196 : i32 to vector<16xi32>
    %eq3A_198 = arith.cmpi eq, %iota3A, %eq3A_197 : vector<16xi32>
    %jit3A_199 = arith.constant 0.000000e+00 : f32
    %broadcast_in_dim3A_200 = vector.broadcast %jit3A_199 : f32 to vector<16xf32>
    %select_n3A_201 = arith.select %eq3A_198, %get3A_70, %broadcast_in_dim3A_200 : vector<16xi1>, vector<16xf32>
    %reduce_sum3A_202 = arith.constant true
    %reduce_sum3A_203 = vector.broadcast %reduce_sum3A_202 : i1 to vector<16xi1>
    %reduce_sum3A_204 = tpu.scan <sum>, %select_n3A_201 masked %reduce_sum3A_203 : vector<16xf32>, vector<16xi1> -> vector<16xf32>
    %reduce_sum3A_205 = vector.extract %reduce_sum3A_204[15] : f32 from vector<16xf32>
    %eq3A_206 = arith.constant 14 : i32
    %eq3A_207 = vector.broadcast %eq3A_206 : i32 to vector<16xi32>
    %eq3A_208 = arith.cmpi eq, %iota3A, %eq3A_207 : vector<16xi32>
    %jit3A_209 = arith.constant 0.000000e+00 : f32
    %broadcast_in_dim3A_210 = vector.broadcast %jit3A_209 : f32 to vector<16xf32>
    %select_n3A_211 = arith.select %eq3A_208, %get3A_70, %broadcast_in_dim3A_210 : vector<16xi1>, vector<16xf32>
    %reduce_sum3A_212 = arith.constant true
    %reduce_sum3A_213 = vector.broadcast %reduce_sum3A_212 : i1 to vector<16xi1>
    %reduce_sum3A_214 = tpu.scan <sum>, %select_n3A_211 masked %reduce_sum3A_213 : vector<16xf32>, vector<16xi1> -> vector<16xf32>
    %reduce_sum3A_215 = vector.extract %reduce_sum3A_214[15] : f32 from vector<16xf32>
    %eq3A_216 = arith.constant 15 : i32
    %eq3A_217 = vector.broadcast %eq3A_216 : i32 to vector<16xi32>
    %eq3A_218 = arith.cmpi eq, %iota3A, %eq3A_217 : vector<16xi32>
    %jit3A_219 = arith.constant 0.000000e+00 : f32
    %broadcast_in_dim3A_220 = vector.broadcast %jit3A_219 : f32 to vector<16xf32>
    %select_n3A_221 = arith.select %eq3A_218, %get3A_70, %broadcast_in_dim3A_220 : vector<16xi1>, vector<16xf32>
    %reduce_sum3A_222 = arith.constant true
    %reduce_sum3A_223 = vector.broadcast %reduce_sum3A_222 : i1 to vector<16xi1>
    %reduce_sum3A_224 = tpu.scan <sum>, %select_n3A_221 masked %reduce_sum3A_223 : vector<16xf32>, vector<16xi1> -> vector<16xf32>
    %reduce_sum3A_225 = vector.extract %reduce_sum3A_224[15] : f32 from vector<16xf32>
    %broadcast_in_dim3A_226 = arith.constant 1 : i32
    %broadcast_in_dim3A_227 = vector.broadcast %broadcast_in_dim3A_226 : i32 to vector<16xi32>
    %broadcast_in_dim3A_228 = arith.constant 0 : i32
    %broadcast_in_dim3A_229 = vector.broadcast %broadcast_in_dim3A_228 : i32 to vector<16xi32>
    %add3A_230 = arith.constant -128 : i32
    %add3A_231 = vector.broadcast %add3A_230 : i32 to vector<16xi32>
    %add3A_232 = arith.addi %iota3A, %add3A_231 : vector<16xi32>
    %convert_element_type3A_233 = arith.sitofp %add3A_232 : vector<16xi32> to vector<16xf32>
    %ge3A = vector.broadcast %reduce_sum3A_75 : f32 to vector<16xf32>
    %ge3A_234 = arith.cmpf oge, %convert_element_type3A_233, %ge3A : vector<16xf32>
    %select_n3A_235 = arith.select %ge3A_234, %broadcast_in_dim3A_227, %broadcast_in_dim3A_229 : vector<16xi1>, vector<16xi32>
    %add3A_236 = arith.addi %broadcast_in_dim3A_229, %select_n3A_235 : vector<16xi32>
    %ge3A_237 = vector.broadcast %reduce_sum3A_85 : f32 to vector<16xf32>
    %ge3A_238 = arith.cmpf oge, %convert_element_type3A_233, %ge3A_237 : vector<16xf32>
    %select_n3A_239 = arith.select %ge3A_238, %broadcast_in_dim3A_227, %broadcast_in_dim3A_229 : vector<16xi1>, vector<16xi32>
    %add3A_240 = arith.addi %add3A_236, %select_n3A_239 : vector<16xi32>
    %ge3A_241 = vector.broadcast %reduce_sum3A_95 : f32 to vector<16xf32>
    %ge3A_242 = arith.cmpf oge, %convert_element_type3A_233, %ge3A_241 : vector<16xf32>
    %select_n3A_243 = arith.select %ge3A_242, %broadcast_in_dim3A_227, %broadcast_in_dim3A_229 : vector<16xi1>, vector<16xi32>
    %add3A_244 = arith.addi %add3A_240, %select_n3A_243 : vector<16xi32>
    %ge3A_245 = vector.broadcast %reduce_sum3A_105 : f32 to vector<16xf32>
    %ge3A_246 = arith.cmpf oge, %convert_element_type3A_233, %ge3A_245 : vector<16xf32>
    %select_n3A_247 = arith.select %ge3A_246, %broadcast_in_dim3A_227, %broadcast_in_dim3A_229 : vector<16xi1>, vector<16xi32>
    %add3A_248 = arith.addi %add3A_244, %select_n3A_247 : vector<16xi32>
    %ge3A_249 = vector.broadcast %reduce_sum3A_115 : f32 to vector<16xf32>
    %ge3A_250 = arith.cmpf oge, %convert_element_type3A_233, %ge3A_249 : vector<16xf32>
    %select_n3A_251 = arith.select %ge3A_250, %broadcast_in_dim3A_227, %broadcast_in_dim3A_229 : vector<16xi1>, vector<16xi32>
    %add3A_252 = arith.addi %add3A_248, %select_n3A_251 : vector<16xi32>
    %ge3A_253 = vector.broadcast %reduce_sum3A_125 : f32 to vector<16xf32>
    %ge3A_254 = arith.cmpf oge, %convert_element_type3A_233, %ge3A_253 : vector<16xf32>
    %select_n3A_255 = arith.select %ge3A_254, %broadcast_in_dim3A_227, %broadcast_in_dim3A_229 : vector<16xi1>, vector<16xi32>
    %add3A_256 = arith.addi %add3A_252, %select_n3A_255 : vector<16xi32>
    %ge3A_257 = vector.broadcast %reduce_sum3A_135 : f32 to vector<16xf32>
    %ge3A_258 = arith.cmpf oge, %convert_element_type3A_233, %ge3A_257 : vector<16xf32>
    %select_n3A_259 = arith.select %ge3A_258, %broadcast_in_dim3A_227, %broadcast_in_dim3A_229 : vector<16xi1>, vector<16xi32>
    %add3A_260 = arith.addi %add3A_256, %select_n3A_259 : vector<16xi32>
    %ge3A_261 = vector.broadcast %reduce_sum3A_145 : f32 to vector<16xf32>
    %ge3A_262 = arith.cmpf oge, %convert_element_type3A_233, %ge3A_261 : vector<16xf32>
    %select_n3A_263 = arith.select %ge3A_262, %broadcast_in_dim3A_227, %broadcast_in_dim3A_229 : vector<16xi1>, vector<16xi32>
    %add3A_264 = arith.addi %add3A_260, %select_n3A_263 : vector<16xi32>
    %ge3A_265 = vector.broadcast %reduce_sum3A_155 : f32 to vector<16xf32>
    %ge3A_266 = arith.cmpf oge, %convert_element_type3A_233, %ge3A_265 : vector<16xf32>
    %select_n3A_267 = arith.select %ge3A_266, %broadcast_in_dim3A_227, %broadcast_in_dim3A_229 : vector<16xi1>, vector<16xi32>
    %add3A_268 = arith.addi %add3A_264, %select_n3A_267 : vector<16xi32>
    %ge3A_269 = vector.broadcast %reduce_sum3A_165 : f32 to vector<16xf32>
    %ge3A_270 = arith.cmpf oge, %convert_element_type3A_233, %ge3A_269 : vector<16xf32>
    %select_n3A_271 = arith.select %ge3A_270, %broadcast_in_dim3A_227, %broadcast_in_dim3A_229 : vector<16xi1>, vector<16xi32>
    %add3A_272 = arith.addi %add3A_268, %select_n3A_271 : vector<16xi32>
    %ge3A_273 = vector.broadcast %reduce_sum3A_175 : f32 to vector<16xf32>
    %ge3A_274 = arith.cmpf oge, %convert_element_type3A_233, %ge3A_273 : vector<16xf32>
    %select_n3A_275 = arith.select %ge3A_274, %broadcast_in_dim3A_227, %broadcast_in_dim3A_229 : vector<16xi1>, vector<16xi32>
    %add3A_276 = arith.addi %add3A_272, %select_n3A_275 : vector<16xi32>
    %ge3A_277 = vector.broadcast %reduce_sum3A_185 : f32 to vector<16xf32>
    %ge3A_278 = arith.cmpf oge, %convert_element_type3A_233, %ge3A_277 : vector<16xf32>
    %select_n3A_279 = arith.select %ge3A_278, %broadcast_in_dim3A_227, %broadcast_in_dim3A_229 : vector<16xi1>, vector<16xi32>
    %add3A_280 = arith.addi %add3A_276, %select_n3A_279 : vector<16xi32>
    %ge3A_281 = vector.broadcast %reduce_sum3A_195 : f32 to vector<16xf32>
    %ge3A_282 = arith.cmpf oge, %convert_element_type3A_233, %ge3A_281 : vector<16xf32>
    %select_n3A_283 = arith.select %ge3A_282, %broadcast_in_dim3A_227, %broadcast_in_dim3A_229 : vector<16xi1>, vector<16xi32>
    %add3A_284 = arith.addi %add3A_280, %select_n3A_283 : vector<16xi32>
    %ge3A_285 = vector.broadcast %reduce_sum3A_205 : f32 to vector<16xf32>
    %ge3A_286 = arith.cmpf oge, %convert_element_type3A_233, %ge3A_285 : vector<16xf32>
    %select_n3A_287 = arith.select %ge3A_286, %broadcast_in_dim3A_227, %broadcast_in_dim3A_229 : vector<16xi1>, vector<16xi32>
    %add3A_288 = arith.addi %add3A_284, %select_n3A_287 : vector<16xi32>
    %ge3A_289 = vector.broadcast %reduce_sum3A_215 : f32 to vector<16xf32>
    %ge3A_290 = arith.cmpf oge, %convert_element_type3A_233, %ge3A_289 : vector<16xf32>
    %select_n3A_291 = arith.select %ge3A_290, %broadcast_in_dim3A_227, %broadcast_in_dim3A_229 : vector<16xi1>, vector<16xi32>
    %add3A_292 = arith.addi %add3A_288, %select_n3A_291 : vector<16xi32>
    %ge3A_293 = vector.broadcast %reduce_sum3A_225 : f32 to vector<16xf32>
    %ge3A_294 = arith.cmpf oge, %convert_element_type3A_233, %ge3A_293 : vector<16xf32>
    %select_n3A_295 = arith.select %ge3A_294, %broadcast_in_dim3A_227, %broadcast_in_dim3A_229 : vector<16xi1>, vector<16xi32>
    %add3A_296 = arith.addi %add3A_292, %select_n3A_295 : vector<16xi32>
    %gather3A = tpu.vector_load_idx %arg18[%add3A_296] : memref<32xf32, #tpu.memory_space<vmem>>[vector<16xi32>], vector<16xf32>,
    %swap3A_297 = arith.constant 0 : index
    %swap3A_298 = tpu.vector_load %arg20[%swap3A_297] {strides = array<i32>} : memref<256xf32, #tpu.memory_space<vmem>>, vector<16xf32>,
    tpu.vector_store %arg20[%swap3A_297], %gather3A {strides = array<i32>} : memref<256xf32, #tpu.memory_space<vmem>>, vector<16xf32>,
    %gather3A_299 = tpu.vector_load_idx %arg19[%add3A_296] : memref<32xf32, #tpu.memory_space<vmem>>[vector<16xi32>], vector<16xf32>,
    %swap3A_300 = arith.constant 0 : index
    %swap3A_301 = tpu.vector_load %arg21[%swap3A_300] {strides = array<i32>} : memref<256xf32, #tpu.memory_space<vmem>>, vector<16xf32>,
    tpu.vector_store %arg21[%swap3A_300], %gather3A_299 {strides = array<i32>} : memref<256xf32, #tpu.memory_space<vmem>>, vector<16xf32>,
    %add3A_302 = arith.constant -112 : i32
    %add3A_303 = vector.broadcast %add3A_302 : i32 to vector<16xi32>
    %add3A_304 = arith.addi %iota3A, %add3A_303 : vector<16xi32>
    %convert_element_type3A_305 = arith.sitofp %add3A_304 : vector<16xi32> to vector<16xf32>
    %ge3A_306 = vector.broadcast %reduce_sum3A_75 : f32 to vector<16xf32>
    %ge3A_307 = arith.cmpf oge, %convert_element_type3A_305, %ge3A_306 : vector<16xf32>
    %select_n3A_308 = arith.select %ge3A_307, %broadcast_in_dim3A_227, %broadcast_in_dim3A_229 : vector<16xi1>, vector<16xi32>
    %add3A_309 = arith.addi %broadcast_in_dim3A_229, %select_n3A_308 : vector<16xi32>
    %ge3A_310 = vector.broadcast %reduce_sum3A_85 : f32 to vector<16xf32>
    %ge3A_311 = arith.cmpf oge, %convert_element_type3A_305, %ge3A_310 : vector<16xf32>
    %select_n3A_312 = arith.select %ge3A_311, %broadcast_in_dim3A_227, %broadcast_in_dim3A_229 : vector<16xi1>, vector<16xi32>
    %add3A_313 = arith.addi %add3A_309, %select_n3A_312 : vector<16xi32>
    %ge3A_314 = vector.broadcast %reduce_sum3A_95 : f32 to vector<16xf32>
    %ge3A_315 = arith.cmpf oge, %convert_element_type3A_305, %ge3A_314 : vector<16xf32>
    %select_n3A_316 = arith.select %ge3A_315, %broadcast_in_dim3A_227, %broadcast_in_dim3A_229 : vector<16xi1>, vector<16xi32>
    %add3A_317 = arith.addi %add3A_313, %select_n3A_316 : vector<16xi32>
    %ge3A_318 = vector.broadcast %reduce_sum3A_105 : f32 to vector<16xf32>
    %ge3A_319 = arith.cmpf oge, %convert_element_type3A_305, %ge3A_318 : vector<16xf32>
    %select_n3A_320 = arith.select %ge3A_319, %broadcast_in_dim3A_227, %broadcast_in_dim3A_229 : vector<16xi1>, vector<16xi32>
    %add3A_321 = arith.addi %add3A_317, %select_n3A_320 : vector<16xi32>
    %ge3A_322 = vector.broadcast %reduce_sum3A_115 : f32 to vector<16xf32>
    %ge3A_323 = arith.cmpf oge, %convert_element_type3A_305, %ge3A_322 : vector<16xf32>
    %select_n3A_324 = arith.select %ge3A_323, %broadcast_in_dim3A_227, %broadcast_in_dim3A_229 : vector<16xi1>, vector<16xi32>
    %add3A_325 = arith.addi %add3A_321, %select_n3A_324 : vector<16xi32>
    %ge3A_326 = vector.broadcast %reduce_sum3A_125 : f32 to vector<16xf32>
    %ge3A_327 = arith.cmpf oge, %convert_element_type3A_305, %ge3A_326 : vector<16xf32>
    %select_n3A_328 = arith.select %ge3A_327, %broadcast_in_dim3A_227, %broadcast_in_dim3A_229 : vector<16xi1>, vector<16xi32>
    %add3A_329 = arith.addi %add3A_325, %select_n3A_328 : vector<16xi32>
    %ge3A_330 = vector.broadcast %reduce_sum3A_135 : f32 to vector<16xf32>
    %ge3A_331 = arith.cmpf oge, %convert_element_type3A_305, %ge3A_330 : vector<16xf32>
    %select_n3A_332 = arith.select %ge3A_331, %broadcast_in_dim3A_227, %broadcast_in_dim3A_229 : vector<16xi1>, vector<16xi32>
    %add3A_333 = arith.addi %add3A_329, %select_n3A_332 : vector<16xi32>
    %ge3A_334 = vector.broadcast %reduce_sum3A_145 : f32 to vector<16xf32>
    %ge3A_335 = arith.cmpf oge, %convert_element_type3A_305, %ge3A_334 : vector<16xf32>
    %select_n3A_336 = arith.select %ge3A_335, %broadcast_in_dim3A_227, %broadcast_in_dim3A_229 : vector<16xi1>, vector<16xi32>
    %add3A_337 = arith.addi %add3A_333, %select_n3A_336 : vector<16xi32>
    %ge3A_338 = vector.broadcast %reduce_sum3A_155 : f32 to vector<16xf32>
    %ge3A_339 = arith.cmpf oge, %convert_element_type3A_305, %ge3A_338 : vector<16xf32>
    %select_n3A_340 = arith.select %ge3A_339, %broadcast_in_dim3A_227, %broadcast_in_dim3A_229 : vector<16xi1>, vector<16xi32>
    %add3A_341 = arith.addi %add3A_337, %select_n3A_340 : vector<16xi32>
    %ge3A_342 = vector.broadcast %reduce_sum3A_165 : f32 to vector<16xf32>
    %ge3A_343 = arith.cmpf oge, %convert_element_type3A_305, %ge3A_342 : vector<16xf32>
    %select_n3A_344 = arith.select %ge3A_343, %broadcast_in_dim3A_227, %broadcast_in_dim3A_229 : vector<16xi1>, vector<16xi32>
    %add3A_345 = arith.addi %add3A_341, %select_n3A_344 : vector<16xi32>
    %ge3A_346 = vector.broadcast %reduce_sum3A_175 : f32 to vector<16xf32>
    %ge3A_347 = arith.cmpf oge, %convert_element_type3A_305, %ge3A_346 : vector<16xf32>
    %select_n3A_348 = arith.select %ge3A_347, %broadcast_in_dim3A_227, %broadcast_in_dim3A_229 : vector<16xi1>, vector<16xi32>
    %add3A_349 = arith.addi %add3A_345, %select_n3A_348 : vector<16xi32>
    %ge3A_350 = vector.broadcast %reduce_sum3A_185 : f32 to vector<16xf32>
    %ge3A_351 = arith.cmpf oge, %convert_element_type3A_305, %ge3A_350 : vector<16xf32>
    %select_n3A_352 = arith.select %ge3A_351, %broadcast_in_dim3A_227, %broadcast_in_dim3A_229 : vector<16xi1>, vector<16xi32>
    %add3A_353 = arith.addi %add3A_349, %select_n3A_352 : vector<16xi32>
    %ge3A_354 = vector.broadcast %reduce_sum3A_195 : f32 to vector<16xf32>
    %ge3A_355 = arith.cmpf oge, %convert_element_type3A_305, %ge3A_354 : vector<16xf32>
    %select_n3A_356 = arith.select %ge3A_355, %broadcast_in_dim3A_227, %broadcast_in_dim3A_229 : vector<16xi1>, vector<16xi32>
    %add3A_357 = arith.addi %add3A_353, %select_n3A_356 : vector<16xi32>
    %ge3A_358 = vector.broadcast %reduce_sum3A_205 : f32 to vector<16xf32>
    %ge3A_359 = arith.cmpf oge, %convert_element_type3A_305, %ge3A_358 : vector<16xf32>
    %select_n3A_360 = arith.select %ge3A_359, %broadcast_in_dim3A_227, %broadcast_in_dim3A_229 : vector<16xi1>, vector<16xi32>
    %add3A_361 = arith.addi %add3A_357, %select_n3A_360 : vector<16xi32>
    %ge3A_362 = vector.broadcast %reduce_sum3A_215 : f32 to vector<16xf32>
    %ge3A_363 = arith.cmpf oge, %convert_element_type3A_305, %ge3A_362 : vector<16xf32>
    %select_n3A_364 = arith.select %ge3A_363, %broadcast_in_dim3A_227, %broadcast_in_dim3A_229 : vector<16xi1>, vector<16xi32>
    %add3A_365 = arith.addi %add3A_361, %select_n3A_364 : vector<16xi32>
    %ge3A_366 = vector.broadcast %reduce_sum3A_225 : f32 to vector<16xf32>
    %ge3A_367 = arith.cmpf oge, %convert_element_type3A_305, %ge3A_366 : vector<16xf32>
    %select_n3A_368 = arith.select %ge3A_367, %broadcast_in_dim3A_227, %broadcast_in_dim3A_229 : vector<16xi1>, vector<16xi32>
    %add3A_369 = arith.addi %add3A_365, %select_n3A_368 : vector<16xi32>
    %gather3A_370 = tpu.vector_load_idx %arg18[%add3A_369] : memref<32xf32, #tpu.memory_space<vmem>>[vector<16xi32>], vector<16xf32>,
    %swap3A_371 = arith.constant 16 : index
    %swap3A_372 = tpu.vector_load %arg20[%swap3A_371] {strides = array<i32>} : memref<256xf32, #tpu.memory_space<vmem>>, vector<16xf32>,
    tpu.vector_store %arg20[%swap3A_371], %gather3A_370 {strides = array<i32>} : memref<256xf32, #tpu.memory_space<vmem>>, vector<16xf32>,
    %gather3A_373 = tpu.vector_load_idx %arg19[%add3A_369] : memref<32xf32, #tpu.memory_space<vmem>>[vector<16xi32>], vector<16xf32>,
    %swap3A_374 = arith.constant 16 : index
    %swap3A_375 = tpu.vector_load %arg21[%swap3A_374] {strides = array<i32>} : memref<256xf32, #tpu.memory_space<vmem>>, vector<16xf32>,
    tpu.vector_store %arg21[%swap3A_374], %gather3A_373 {strides = array<i32>} : memref<256xf32, #tpu.memory_space<vmem>>, vector<16xf32>,
    %add3A_376 = arith.constant -96 : i32
    %add3A_377 = vector.broadcast %add3A_376 : i32 to vector<16xi32>
    %add3A_378 = arith.addi %iota3A, %add3A_377 : vector<16xi32>
    %convert_element_type3A_379 = arith.sitofp %add3A_378 : vector<16xi32> to vector<16xf32>
    %ge3A_380 = vector.broadcast %reduce_sum3A_75 : f32 to vector<16xf32>
    %ge3A_381 = arith.cmpf oge, %convert_element_type3A_379, %ge3A_380 : vector<16xf32>
    %select_n3A_382 = arith.select %ge3A_381, %broadcast_in_dim3A_227, %broadcast_in_dim3A_229 : vector<16xi1>, vector<16xi32>
    %add3A_383 = arith.addi %broadcast_in_dim3A_229, %select_n3A_382 : vector<16xi32>
    %ge3A_384 = vector.broadcast %reduce_sum3A_85 : f32 to vector<16xf32>
    %ge3A_385 = arith.cmpf oge, %convert_element_type3A_379, %ge3A_384 : vector<16xf32>
    %select_n3A_386 = arith.select %ge3A_385, %broadcast_in_dim3A_227, %broadcast_in_dim3A_229 : vector<16xi1>, vector<16xi32>
    %add3A_387 = arith.addi %add3A_383, %select_n3A_386 : vector<16xi32>
    %ge3A_388 = vector.broadcast %reduce_sum3A_95 : f32 to vector<16xf32>
    %ge3A_389 = arith.cmpf oge, %convert_element_type3A_379, %ge3A_388 : vector<16xf32>
    %select_n3A_390 = arith.select %ge3A_389, %broadcast_in_dim3A_227, %broadcast_in_dim3A_229 : vector<16xi1>, vector<16xi32>
    %add3A_391 = arith.addi %add3A_387, %select_n3A_390 : vector<16xi32>
    %ge3A_392 = vector.broadcast %reduce_sum3A_105 : f32 to vector<16xf32>
    %ge3A_393 = arith.cmpf oge, %convert_element_type3A_379, %ge3A_392 : vector<16xf32>
    %select_n3A_394 = arith.select %ge3A_393, %broadcast_in_dim3A_227, %broadcast_in_dim3A_229 : vector<16xi1>, vector<16xi32>
    %add3A_395 = arith.addi %add3A_391, %select_n3A_394 : vector<16xi32>
    %ge3A_396 = vector.broadcast %reduce_sum3A_115 : f32 to vector<16xf32>
    %ge3A_397 = arith.cmpf oge, %convert_element_type3A_379, %ge3A_396 : vector<16xf32>
    %select_n3A_398 = arith.select %ge3A_397, %broadcast_in_dim3A_227, %broadcast_in_dim3A_229 : vector<16xi1>, vector<16xi32>
    %add3A_399 = arith.addi %add3A_395, %select_n3A_398 : vector<16xi32>
    %ge3A_400 = vector.broadcast %reduce_sum3A_125 : f32 to vector<16xf32>
    %ge3A_401 = arith.cmpf oge, %convert_element_type3A_379, %ge3A_400 : vector<16xf32>
    %select_n3A_402 = arith.select %ge3A_401, %broadcast_in_dim3A_227, %broadcast_in_dim3A_229 : vector<16xi1>, vector<16xi32>
    %add3A_403 = arith.addi %add3A_399, %select_n3A_402 : vector<16xi32>
    %ge3A_404 = vector.broadcast %reduce_sum3A_135 : f32 to vector<16xf32>
    %ge3A_405 = arith.cmpf oge, %convert_element_type3A_379, %ge3A_404 : vector<16xf32>
    %select_n3A_406 = arith.select %ge3A_405, %broadcast_in_dim3A_227, %broadcast_in_dim3A_229 : vector<16xi1>, vector<16xi32>
    %add3A_407 = arith.addi %add3A_403, %select_n3A_406 : vector<16xi32>
    %ge3A_408 = vector.broadcast %reduce_sum3A_145 : f32 to vector<16xf32>
    %ge3A_409 = arith.cmpf oge, %convert_element_type3A_379, %ge3A_408 : vector<16xf32>
    %select_n3A_410 = arith.select %ge3A_409, %broadcast_in_dim3A_227, %broadcast_in_dim3A_229 : vector<16xi1>, vector<16xi32>
    %add3A_411 = arith.addi %add3A_407, %select_n3A_410 : vector<16xi32>
    %ge3A_412 = vector.broadcast %reduce_sum3A_155 : f32 to vector<16xf32>
    %ge3A_413 = arith.cmpf oge, %convert_element_type3A_379, %ge3A_412 : vector<16xf32>
    %select_n3A_414 = arith.select %ge3A_413, %broadcast_in_dim3A_227, %broadcast_in_dim3A_229 : vector<16xi1>, vector<16xi32>
    %add3A_415 = arith.addi %add3A_411, %select_n3A_414 : vector<16xi32>
    %ge3A_416 = vector.broadcast %reduce_sum3A_165 : f32 to vector<16xf32>
    %ge3A_417 = arith.cmpf oge, %convert_element_type3A_379, %ge3A_416 : vector<16xf32>
    %select_n3A_418 = arith.select %ge3A_417, %broadcast_in_dim3A_227, %broadcast_in_dim3A_229 : vector<16xi1>, vector<16xi32>
    %add3A_419 = arith.addi %add3A_415, %select_n3A_418 : vector<16xi32>
    %ge3A_420 = vector.broadcast %reduce_sum3A_175 : f32 to vector<16xf32>
    %ge3A_421 = arith.cmpf oge, %convert_element_type3A_379, %ge3A_420 : vector<16xf32>
    %select_n3A_422 = arith.select %ge3A_421, %broadcast_in_dim3A_227, %broadcast_in_dim3A_229 : vector<16xi1>, vector<16xi32>
    %add3A_423 = arith.addi %add3A_419, %select_n3A_422 : vector<16xi32>
    %ge3A_424 = vector.broadcast %reduce_sum3A_185 : f32 to vector<16xf32>
    %ge3A_425 = arith.cmpf oge, %convert_element_type3A_379, %ge3A_424 : vector<16xf32>
    %select_n3A_426 = arith.select %ge3A_425, %broadcast_in_dim3A_227, %broadcast_in_dim3A_229 : vector<16xi1>, vector<16xi32>
    %add3A_427 = arith.addi %add3A_423, %select_n3A_426 : vector<16xi32>
    %ge3A_428 = vector.broadcast %reduce_sum3A_195 : f32 to vector<16xf32>
    %ge3A_429 = arith.cmpf oge, %convert_element_type3A_379, %ge3A_428 : vector<16xf32>
    %select_n3A_430 = arith.select %ge3A_429, %broadcast_in_dim3A_227, %broadcast_in_dim3A_229 : vector<16xi1>, vector<16xi32>
    %add3A_431 = arith.addi %add3A_427, %select_n3A_430 : vector<16xi32>
    %ge3A_432 = vector.broadcast %reduce_sum3A_205 : f32 to vector<16xf32>
    %ge3A_433 = arith.cmpf oge, %convert_element_type3A_379, %ge3A_432 : vector<16xf32>
    %select_n3A_434 = arith.select %ge3A_433, %broadcast_in_dim3A_227, %broadcast_in_dim3A_229 : vector<16xi1>, vector<16xi32>
    %add3A_435 = arith.addi %add3A_431, %select_n3A_434 : vector<16xi32>
    %ge3A_436 = vector.broadcast %reduce_sum3A_215 : f32 to vector<16xf32>
    %ge3A_437 = arith.cmpf oge, %convert_element_type3A_379, %ge3A_436 : vector<16xf32>
    %select_n3A_438 = arith.select %ge3A_437, %broadcast_in_dim3A_227, %broadcast_in_dim3A_229 : vector<16xi1>, vector<16xi32>
    %add3A_439 = arith.addi %add3A_435, %select_n3A_438 : vector<16xi32>
    %ge3A_440 = vector.broadcast %reduce_sum3A_225 : f32 to vector<16xf32>
    %ge3A_441 = arith.cmpf oge, %convert_element_type3A_379, %ge3A_440 : vector<16xf32>
    %select_n3A_442 = arith.select %ge3A_441, %broadcast_in_dim3A_227, %broadcast_in_dim3A_229 : vector<16xi1>, vector<16xi32>
    %add3A_443 = arith.addi %add3A_439, %select_n3A_442 : vector<16xi32>
    %gather3A_444 = tpu.vector_load_idx %arg18[%add3A_443] : memref<32xf32, #tpu.memory_space<vmem>>[vector<16xi32>], vector<16xf32>,
    %swap3A_445 = arith.constant 32 : index
    %swap3A_446 = tpu.vector_load %arg20[%swap3A_445] {strides = array<i32>} : memref<256xf32, #tpu.memory_space<vmem>>, vector<16xf32>,
    tpu.vector_store %arg20[%swap3A_445], %gather3A_444 {strides = array<i32>} : memref<256xf32, #tpu.memory_space<vmem>>, vector<16xf32>,
    %gather3A_447 = tpu.vector_load_idx %arg19[%add3A_443] : memref<32xf32, #tpu.memory_space<vmem>>[vector<16xi32>], vector<16xf32>,
    %swap3A_448 = arith.constant 32 : index
    %swap3A_449 = tpu.vector_load %arg21[%swap3A_448] {strides = array<i32>} : memref<256xf32, #tpu.memory_space<vmem>>, vector<16xf32>,
    tpu.vector_store %arg21[%swap3A_448], %gather3A_447 {strides = array<i32>} : memref<256xf32, #tpu.memory_space<vmem>>, vector<16xf32>,
    %add3A_450 = arith.constant -80 : i32
    %add3A_451 = vector.broadcast %add3A_450 : i32 to vector<16xi32>
    %add3A_452 = arith.addi %iota3A, %add3A_451 : vector<16xi32>
    %convert_element_type3A_453 = arith.sitofp %add3A_452 : vector<16xi32> to vector<16xf32>
    %ge3A_454 = vector.broadcast %reduce_sum3A_75 : f32 to vector<16xf32>
    %ge3A_455 = arith.cmpf oge, %convert_element_type3A_453, %ge3A_454 : vector<16xf32>
    %select_n3A_456 = arith.select %ge3A_455, %broadcast_in_dim3A_227, %broadcast_in_dim3A_229 : vector<16xi1>, vector<16xi32>
    %add3A_457 = arith.addi %broadcast_in_dim3A_229, %select_n3A_456 : vector<16xi32>
    %ge3A_458 = vector.broadcast %reduce_sum3A_85 : f32 to vector<16xf32>
    %ge3A_459 = arith.cmpf oge, %convert_element_type3A_453, %ge3A_458 : vector<16xf32>
    %select_n3A_460 = arith.select %ge3A_459, %broadcast_in_dim3A_227, %broadcast_in_dim3A_229 : vector<16xi1>, vector<16xi32>
    %add3A_461 = arith.addi %add3A_457, %select_n3A_460 : vector<16xi32>
    %ge3A_462 = vector.broadcast %reduce_sum3A_95 : f32 to vector<16xf32>
    %ge3A_463 = arith.cmpf oge, %convert_element_type3A_453, %ge3A_462 : vector<16xf32>
    %select_n3A_464 = arith.select %ge3A_463, %broadcast_in_dim3A_227, %broadcast_in_dim3A_229 : vector<16xi1>, vector<16xi32>
    %add3A_465 = arith.addi %add3A_461, %select_n3A_464 : vector<16xi32>
    %ge3A_466 = vector.broadcast %reduce_sum3A_105 : f32 to vector<16xf32>
    %ge3A_467 = arith.cmpf oge, %convert_element_type3A_453, %ge3A_466 : vector<16xf32>
    %select_n3A_468 = arith.select %ge3A_467, %broadcast_in_dim3A_227, %broadcast_in_dim3A_229 : vector<16xi1>, vector<16xi32>
    %add3A_469 = arith.addi %add3A_465, %select_n3A_468 : vector<16xi32>
    %ge3A_470 = vector.broadcast %reduce_sum3A_115 : f32 to vector<16xf32>
    %ge3A_471 = arith.cmpf oge, %convert_element_type3A_453, %ge3A_470 : vector<16xf32>
    %select_n3A_472 = arith.select %ge3A_471, %broadcast_in_dim3A_227, %broadcast_in_dim3A_229 : vector<16xi1>, vector<16xi32>
    %add3A_473 = arith.addi %add3A_469, %select_n3A_472 : vector<16xi32>
    %ge3A_474 = vector.broadcast %reduce_sum3A_125 : f32 to vector<16xf32>
    %ge3A_475 = arith.cmpf oge, %convert_element_type3A_453, %ge3A_474 : vector<16xf32>
    %select_n3A_476 = arith.select %ge3A_475, %broadcast_in_dim3A_227, %broadcast_in_dim3A_229 : vector<16xi1>, vector<16xi32>
    %add3A_477 = arith.addi %add3A_473, %select_n3A_476 : vector<16xi32>
    %ge3A_478 = vector.broadcast %reduce_sum3A_135 : f32 to vector<16xf32>
    %ge3A_479 = arith.cmpf oge, %convert_element_type3A_453, %ge3A_478 : vector<16xf32>
    %select_n3A_480 = arith.select %ge3A_479, %broadcast_in_dim3A_227, %broadcast_in_dim3A_229 : vector<16xi1>, vector<16xi32>
    %add3A_481 = arith.addi %add3A_477, %select_n3A_480 : vector<16xi32>
    %ge3A_482 = vector.broadcast %reduce_sum3A_145 : f32 to vector<16xf32>
    %ge3A_483 = arith.cmpf oge, %convert_element_type3A_453, %ge3A_482 : vector<16xf32>
    %select_n3A_484 = arith.select %ge3A_483, %broadcast_in_dim3A_227, %broadcast_in_dim3A_229 : vector<16xi1>, vector<16xi32>
    %add3A_485 = arith.addi %add3A_481, %select_n3A_484 : vector<16xi32>
    %ge3A_486 = vector.broadcast %reduce_sum3A_155 : f32 to vector<16xf32>
    %ge3A_487 = arith.cmpf oge, %convert_element_type3A_453, %ge3A_486 : vector<16xf32>
    %select_n3A_488 = arith.select %ge3A_487, %broadcast_in_dim3A_227, %broadcast_in_dim3A_229 : vector<16xi1>, vector<16xi32>
    %add3A_489 = arith.addi %add3A_485, %select_n3A_488 : vector<16xi32>
    %ge3A_490 = vector.broadcast %reduce_sum3A_165 : f32 to vector<16xf32>
    %ge3A_491 = arith.cmpf oge, %convert_element_type3A_453, %ge3A_490 : vector<16xf32>
    %select_n3A_492 = arith.select %ge3A_491, %broadcast_in_dim3A_227, %broadcast_in_dim3A_229 : vector<16xi1>, vector<16xi32>
    %add3A_493 = arith.addi %add3A_489, %select_n3A_492 : vector<16xi32>
    %ge3A_494 = vector.broadcast %reduce_sum3A_175 : f32 to vector<16xf32>
    %ge3A_495 = arith.cmpf oge, %convert_element_type3A_453, %ge3A_494 : vector<16xf32>
    %select_n3A_496 = arith.select %ge3A_495, %broadcast_in_dim3A_227, %broadcast_in_dim3A_229 : vector<16xi1>, vector<16xi32>
    %add3A_497 = arith.addi %add3A_493, %select_n3A_496 : vector<16xi32>
    %ge3A_498 = vector.broadcast %reduce_sum3A_185 : f32 to vector<16xf32>
    %ge3A_499 = arith.cmpf oge, %convert_element_type3A_453, %ge3A_498 : vector<16xf32>
    %select_n3A_500 = arith.select %ge3A_499, %broadcast_in_dim3A_227, %broadcast_in_dim3A_229 : vector<16xi1>, vector<16xi32>
    %add3A_501 = arith.addi %add3A_497, %select_n3A_500 : vector<16xi32>
    %ge3A_502 = vector.broadcast %reduce_sum3A_195 : f32 to vector<16xf32>
    %ge3A_503 = arith.cmpf oge, %convert_element_type3A_453, %ge3A_502 : vector<16xf32>
    %select_n3A_504 = arith.select %ge3A_503, %broadcast_in_dim3A_227, %broadcast_in_dim3A_229 : vector<16xi1>, vector<16xi32>
    %add3A_505 = arith.addi %add3A_501, %select_n3A_504 : vector<16xi32>
    %ge3A_506 = vector.broadcast %reduce_sum3A_205 : f32 to vector<16xf32>
    %ge3A_507 = arith.cmpf oge, %convert_element_type3A_453, %ge3A_506 : vector<16xf32>
    %select_n3A_508 = arith.select %ge3A_507, %broadcast_in_dim3A_227, %broadcast_in_dim3A_229 : vector<16xi1>, vector<16xi32>
    %add3A_509 = arith.addi %add3A_505, %select_n3A_508 : vector<16xi32>
    %ge3A_510 = vector.broadcast %reduce_sum3A_215 : f32 to vector<16xf32>
    %ge3A_511 = arith.cmpf oge, %convert_element_type3A_453, %ge3A_510 : vector<16xf32>
    %select_n3A_512 = arith.select %ge3A_511, %broadcast_in_dim3A_227, %broadcast_in_dim3A_229 : vector<16xi1>, vector<16xi32>
    %add3A_513 = arith.addi %add3A_509, %select_n3A_512 : vector<16xi32>
    %ge3A_514 = vector.broadcast %reduce_sum3A_225 : f32 to vector<16xf32>
    %ge3A_515 = arith.cmpf oge, %convert_element_type3A_453, %ge3A_514 : vector<16xf32>
    %select_n3A_516 = arith.select %ge3A_515, %broadcast_in_dim3A_227, %broadcast_in_dim3A_229 : vector<16xi1>, vector<16xi32>
    %add3A_517 = arith.addi %add3A_513, %select_n3A_516 : vector<16xi32>
    %gather3A_518 = tpu.vector_load_idx %arg18[%add3A_517] : memref<32xf32, #tpu.memory_space<vmem>>[vector<16xi32>], vector<16xf32>,
    %swap3A_519 = arith.constant 48 : index
    %swap3A_520 = tpu.vector_load %arg20[%swap3A_519] {strides = array<i32>} : memref<256xf32, #tpu.memory_space<vmem>>, vector<16xf32>,
    tpu.vector_store %arg20[%swap3A_519], %gather3A_518 {strides = array<i32>} : memref<256xf32, #tpu.memory_space<vmem>>, vector<16xf32>,
    %gather3A_521 = tpu.vector_load_idx %arg19[%add3A_517] : memref<32xf32, #tpu.memory_space<vmem>>[vector<16xi32>], vector<16xf32>,
    %swap3A_522 = arith.constant 48 : index
    %swap3A_523 = tpu.vector_load %arg21[%swap3A_522] {strides = array<i32>} : memref<256xf32, #tpu.memory_space<vmem>>, vector<16xf32>,
    tpu.vector_store %arg21[%swap3A_522], %gather3A_521 {strides = array<i32>} : memref<256xf32, #tpu.memory_space<vmem>>, vector<16xf32>,
    %add3A_524 = arith.constant -64 : i32
    %add3A_525 = vector.broadcast %add3A_524 : i32 to vector<16xi32>
    %add3A_526 = arith.addi %iota3A, %add3A_525 : vector<16xi32>
    %convert_element_type3A_527 = arith.sitofp %add3A_526 : vector<16xi32> to vector<16xf32>
    %ge3A_528 = vector.broadcast %reduce_sum3A_75 : f32 to vector<16xf32>
    %ge3A_529 = arith.cmpf oge, %convert_element_type3A_527, %ge3A_528 : vector<16xf32>
    %select_n3A_530 = arith.select %ge3A_529, %broadcast_in_dim3A_227, %broadcast_in_dim3A_229 : vector<16xi1>, vector<16xi32>
    %add3A_531 = arith.addi %broadcast_in_dim3A_229, %select_n3A_530 : vector<16xi32>
    %ge3A_532 = vector.broadcast %reduce_sum3A_85 : f32 to vector<16xf32>
    %ge3A_533 = arith.cmpf oge, %convert_element_type3A_527, %ge3A_532 : vector<16xf32>
    %select_n3A_534 = arith.select %ge3A_533, %broadcast_in_dim3A_227, %broadcast_in_dim3A_229 : vector<16xi1>, vector<16xi32>
    %add3A_535 = arith.addi %add3A_531, %select_n3A_534 : vector<16xi32>
    %ge3A_536 = vector.broadcast %reduce_sum3A_95 : f32 to vector<16xf32>
    %ge3A_537 = arith.cmpf oge, %convert_element_type3A_527, %ge3A_536 : vector<16xf32>
    %select_n3A_538 = arith.select %ge3A_537, %broadcast_in_dim3A_227, %broadcast_in_dim3A_229 : vector<16xi1>, vector<16xi32>
    %add3A_539 = arith.addi %add3A_535, %select_n3A_538 : vector<16xi32>
    %ge3A_540 = vector.broadcast %reduce_sum3A_105 : f32 to vector<16xf32>
    %ge3A_541 = arith.cmpf oge, %convert_element_type3A_527, %ge3A_540 : vector<16xf32>
    %select_n3A_542 = arith.select %ge3A_541, %broadcast_in_dim3A_227, %broadcast_in_dim3A_229 : vector<16xi1>, vector<16xi32>
    %add3A_543 = arith.addi %add3A_539, %select_n3A_542 : vector<16xi32>
    %ge3A_544 = vector.broadcast %reduce_sum3A_115 : f32 to vector<16xf32>
    %ge3A_545 = arith.cmpf oge, %convert_element_type3A_527, %ge3A_544 : vector<16xf32>
    %select_n3A_546 = arith.select %ge3A_545, %broadcast_in_dim3A_227, %broadcast_in_dim3A_229 : vector<16xi1>, vector<16xi32>
    %add3A_547 = arith.addi %add3A_543, %select_n3A_546 : vector<16xi32>
    %ge3A_548 = vector.broadcast %reduce_sum3A_125 : f32 to vector<16xf32>
    %ge3A_549 = arith.cmpf oge, %convert_element_type3A_527, %ge3A_548 : vector<16xf32>
    %select_n3A_550 = arith.select %ge3A_549, %broadcast_in_dim3A_227, %broadcast_in_dim3A_229 : vector<16xi1>, vector<16xi32>
    %add3A_551 = arith.addi %add3A_547, %select_n3A_550 : vector<16xi32>
    %ge3A_552 = vector.broadcast %reduce_sum3A_135 : f32 to vector<16xf32>
    %ge3A_553 = arith.cmpf oge, %convert_element_type3A_527, %ge3A_552 : vector<16xf32>
    %select_n3A_554 = arith.select %ge3A_553, %broadcast_in_dim3A_227, %broadcast_in_dim3A_229 : vector<16xi1>, vector<16xi32>
    %add3A_555 = arith.addi %add3A_551, %select_n3A_554 : vector<16xi32>
    %ge3A_556 = vector.broadcast %reduce_sum3A_145 : f32 to vector<16xf32>
    %ge3A_557 = arith.cmpf oge, %convert_element_type3A_527, %ge3A_556 : vector<16xf32>
    %select_n3A_558 = arith.select %ge3A_557, %broadcast_in_dim3A_227, %broadcast_in_dim3A_229 : vector<16xi1>, vector<16xi32>
    %add3A_559 = arith.addi %add3A_555, %select_n3A_558 : vector<16xi32>
    %ge3A_560 = vector.broadcast %reduce_sum3A_155 : f32 to vector<16xf32>
    %ge3A_561 = arith.cmpf oge, %convert_element_type3A_527, %ge3A_560 : vector<16xf32>
    %select_n3A_562 = arith.select %ge3A_561, %broadcast_in_dim3A_227, %broadcast_in_dim3A_229 : vector<16xi1>, vector<16xi32>
    %add3A_563 = arith.addi %add3A_559, %select_n3A_562 : vector<16xi32>
    %ge3A_564 = vector.broadcast %reduce_sum3A_165 : f32 to vector<16xf32>
    %ge3A_565 = arith.cmpf oge, %convert_element_type3A_527, %ge3A_564 : vector<16xf32>
    %select_n3A_566 = arith.select %ge3A_565, %broadcast_in_dim3A_227, %broadcast_in_dim3A_229 : vector<16xi1>, vector<16xi32>
    %add3A_567 = arith.addi %add3A_563, %select_n3A_566 : vector<16xi32>
    %ge3A_568 = vector.broadcast %reduce_sum3A_175 : f32 to vector<16xf32>
    %ge3A_569 = arith.cmpf oge, %convert_element_type3A_527, %ge3A_568 : vector<16xf32>
    %select_n3A_570 = arith.select %ge3A_569, %broadcast_in_dim3A_227, %broadcast_in_dim3A_229 : vector<16xi1>, vector<16xi32>
    %add3A_571 = arith.addi %add3A_567, %select_n3A_570 : vector<16xi32>
    %ge3A_572 = vector.broadcast %reduce_sum3A_185 : f32 to vector<16xf32>
    %ge3A_573 = arith.cmpf oge, %convert_element_type3A_527, %ge3A_572 : vector<16xf32>
    %select_n3A_574 = arith.select %ge3A_573, %broadcast_in_dim3A_227, %broadcast_in_dim3A_229 : vector<16xi1>, vector<16xi32>
    %add3A_575 = arith.addi %add3A_571, %select_n3A_574 : vector<16xi32>
    %ge3A_576 = vector.broadcast %reduce_sum3A_195 : f32 to vector<16xf32>
    %ge3A_577 = arith.cmpf oge, %convert_element_type3A_527, %ge3A_576 : vector<16xf32>
    %select_n3A_578 = arith.select %ge3A_577, %broadcast_in_dim3A_227, %broadcast_in_dim3A_229 : vector<16xi1>, vector<16xi32>
    %add3A_579 = arith.addi %add3A_575, %select_n3A_578 : vector<16xi32>
    %ge3A_580 = vector.broadcast %reduce_sum3A_205 : f32 to vector<16xf32>
    %ge3A_581 = arith.cmpf oge, %convert_element_type3A_527, %ge3A_580 : vector<16xf32>
    %select_n3A_582 = arith.select %ge3A_581, %broadcast_in_dim3A_227, %broadcast_in_dim3A_229 : vector<16xi1>, vector<16xi32>
    %add3A_583 = arith.addi %add3A_579, %select_n3A_582 : vector<16xi32>
    %ge3A_584 = vector.broadcast %reduce_sum3A_215 : f32 to vector<16xf32>
    %ge3A_585 = arith.cmpf oge, %convert_element_type3A_527, %ge3A_584 : vector<16xf32>
    %select_n3A_586 = arith.select %ge3A_585, %broadcast_in_dim3A_227, %broadcast_in_dim3A_229 : vector<16xi1>, vector<16xi32>
    %add3A_587 = arith.addi %add3A_583, %select_n3A_586 : vector<16xi32>
    %ge3A_588 = vector.broadcast %reduce_sum3A_225 : f32 to vector<16xf32>
    %ge3A_589 = arith.cmpf oge, %convert_element_type3A_527, %ge3A_588 : vector<16xf32>
    %select_n3A_590 = arith.select %ge3A_589, %broadcast_in_dim3A_227, %broadcast_in_dim3A_229 : vector<16xi1>, vector<16xi32>
    %add3A_591 = arith.addi %add3A_587, %select_n3A_590 : vector<16xi32>
    %gather3A_592 = tpu.vector_load_idx %arg18[%add3A_591] : memref<32xf32, #tpu.memory_space<vmem>>[vector<16xi32>], vector<16xf32>,
    %swap3A_593 = arith.constant 64 : index
    %swap3A_594 = tpu.vector_load %arg20[%swap3A_593] {strides = array<i32>} : memref<256xf32, #tpu.memory_space<vmem>>, vector<16xf32>,
    tpu.vector_store %arg20[%swap3A_593], %gather3A_592 {strides = array<i32>} : memref<256xf32, #tpu.memory_space<vmem>>, vector<16xf32>,
    %gather3A_595 = tpu.vector_load_idx %arg19[%add3A_591] : memref<32xf32, #tpu.memory_space<vmem>>[vector<16xi32>], vector<16xf32>,
    %swap3A_596 = arith.constant 64 : index
    %swap3A_597 = tpu.vector_load %arg21[%swap3A_596] {strides = array<i32>} : memref<256xf32, #tpu.memory_space<vmem>>, vector<16xf32>,
    tpu.vector_store %arg21[%swap3A_596], %gather3A_595 {strides = array<i32>} : memref<256xf32, #tpu.memory_space<vmem>>, vector<16xf32>,
    %add3A_598 = arith.constant -48 : i32
    %add3A_599 = vector.broadcast %add3A_598 : i32 to vector<16xi32>
    %add3A_600 = arith.addi %iota3A, %add3A_599 : vector<16xi32>
    %convert_element_type3A_601 = arith.sitofp %add3A_600 : vector<16xi32> to vector<16xf32>
    %ge3A_602 = vector.broadcast %reduce_sum3A_75 : f32 to vector<16xf32>
    %ge3A_603 = arith.cmpf oge, %convert_element_type3A_601, %ge3A_602 : vector<16xf32>
    %select_n3A_604 = arith.select %ge3A_603, %broadcast_in_dim3A_227, %broadcast_in_dim3A_229 : vector<16xi1>, vector<16xi32>
    %add3A_605 = arith.addi %broadcast_in_dim3A_229, %select_n3A_604 : vector<16xi32>
    %ge3A_606 = vector.broadcast %reduce_sum3A_85 : f32 to vector<16xf32>
    %ge3A_607 = arith.cmpf oge, %convert_element_type3A_601, %ge3A_606 : vector<16xf32>
    %select_n3A_608 = arith.select %ge3A_607, %broadcast_in_dim3A_227, %broadcast_in_dim3A_229 : vector<16xi1>, vector<16xi32>
    %add3A_609 = arith.addi %add3A_605, %select_n3A_608 : vector<16xi32>
    %ge3A_610 = vector.broadcast %reduce_sum3A_95 : f32 to vector<16xf32>
    %ge3A_611 = arith.cmpf oge, %convert_element_type3A_601, %ge3A_610 : vector<16xf32>
    %select_n3A_612 = arith.select %ge3A_611, %broadcast_in_dim3A_227, %broadcast_in_dim3A_229 : vector<16xi1>, vector<16xi32>
    %add3A_613 = arith.addi %add3A_609, %select_n3A_612 : vector<16xi32>
    %ge3A_614 = vector.broadcast %reduce_sum3A_105 : f32 to vector<16xf32>
    %ge3A_615 = arith.cmpf oge, %convert_element_type3A_601, %ge3A_614 : vector<16xf32>
    %select_n3A_616 = arith.select %ge3A_615, %broadcast_in_dim3A_227, %broadcast_in_dim3A_229 : vector<16xi1>, vector<16xi32>
    %add3A_617 = arith.addi %add3A_613, %select_n3A_616 : vector<16xi32>
    %ge3A_618 = vector.broadcast %reduce_sum3A_115 : f32 to vector<16xf32>
    %ge3A_619 = arith.cmpf oge, %convert_element_type3A_601, %ge3A_618 : vector<16xf32>
    %select_n3A_620 = arith.select %ge3A_619, %broadcast_in_dim3A_227, %broadcast_in_dim3A_229 : vector<16xi1>, vector<16xi32>
    %add3A_621 = arith.addi %add3A_617, %select_n3A_620 : vector<16xi32>
    %ge3A_622 = vector.broadcast %reduce_sum3A_125 : f32 to vector<16xf32>
    %ge3A_623 = arith.cmpf oge, %convert_element_type3A_601, %ge3A_622 : vector<16xf32>
    %select_n3A_624 = arith.select %ge3A_623, %broadcast_in_dim3A_227, %broadcast_in_dim3A_229 : vector<16xi1>, vector<16xi32>
    %add3A_625 = arith.addi %add3A_621, %select_n3A_624 : vector<16xi32>
    %ge3A_626 = vector.broadcast %reduce_sum3A_135 : f32 to vector<16xf32>
    %ge3A_627 = arith.cmpf oge, %convert_element_type3A_601, %ge3A_626 : vector<16xf32>
    %select_n3A_628 = arith.select %ge3A_627, %broadcast_in_dim3A_227, %broadcast_in_dim3A_229 : vector<16xi1>, vector<16xi32>
    %add3A_629 = arith.addi %add3A_625, %select_n3A_628 : vector<16xi32>
    %ge3A_630 = vector.broadcast %reduce_sum3A_145 : f32 to vector<16xf32>
    %ge3A_631 = arith.cmpf oge, %convert_element_type3A_601, %ge3A_630 : vector<16xf32>
    %select_n3A_632 = arith.select %ge3A_631, %broadcast_in_dim3A_227, %broadcast_in_dim3A_229 : vector<16xi1>, vector<16xi32>
    %add3A_633 = arith.addi %add3A_629, %select_n3A_632 : vector<16xi32>
    %ge3A_634 = vector.broadcast %reduce_sum3A_155 : f32 to vector<16xf32>
    %ge3A_635 = arith.cmpf oge, %convert_element_type3A_601, %ge3A_634 : vector<16xf32>
    %select_n3A_636 = arith.select %ge3A_635, %broadcast_in_dim3A_227, %broadcast_in_dim3A_229 : vector<16xi1>, vector<16xi32>
    %add3A_637 = arith.addi %add3A_633, %select_n3A_636 : vector<16xi32>
    %ge3A_638 = vector.broadcast %reduce_sum3A_165 : f32 to vector<16xf32>
    %ge3A_639 = arith.cmpf oge, %convert_element_type3A_601, %ge3A_638 : vector<16xf32>
    %select_n3A_640 = arith.select %ge3A_639, %broadcast_in_dim3A_227, %broadcast_in_dim3A_229 : vector<16xi1>, vector<16xi32>
    %add3A_641 = arith.addi %add3A_637, %select_n3A_640 : vector<16xi32>
    %ge3A_642 = vector.broadcast %reduce_sum3A_175 : f32 to vector<16xf32>
    %ge3A_643 = arith.cmpf oge, %convert_element_type3A_601, %ge3A_642 : vector<16xf32>
    %select_n3A_644 = arith.select %ge3A_643, %broadcast_in_dim3A_227, %broadcast_in_dim3A_229 : vector<16xi1>, vector<16xi32>
    %add3A_645 = arith.addi %add3A_641, %select_n3A_644 : vector<16xi32>
    %ge3A_646 = vector.broadcast %reduce_sum3A_185 : f32 to vector<16xf32>
    %ge3A_647 = arith.cmpf oge, %convert_element_type3A_601, %ge3A_646 : vector<16xf32>
    %select_n3A_648 = arith.select %ge3A_647, %broadcast_in_dim3A_227, %broadcast_in_dim3A_229 : vector<16xi1>, vector<16xi32>
    %add3A_649 = arith.addi %add3A_645, %select_n3A_648 : vector<16xi32>
    %ge3A_650 = vector.broadcast %reduce_sum3A_195 : f32 to vector<16xf32>
    %ge3A_651 = arith.cmpf oge, %convert_element_type3A_601, %ge3A_650 : vector<16xf32>
    %select_n3A_652 = arith.select %ge3A_651, %broadcast_in_dim3A_227, %broadcast_in_dim3A_229 : vector<16xi1>, vector<16xi32>
    %add3A_653 = arith.addi %add3A_649, %select_n3A_652 : vector<16xi32>
    %ge3A_654 = vector.broadcast %reduce_sum3A_205 : f32 to vector<16xf32>
    %ge3A_655 = arith.cmpf oge, %convert_element_type3A_601, %ge3A_654 : vector<16xf32>
    %select_n3A_656 = arith.select %ge3A_655, %broadcast_in_dim3A_227, %broadcast_in_dim3A_229 : vector<16xi1>, vector<16xi32>
    %add3A_657 = arith.addi %add3A_653, %select_n3A_656 : vector<16xi32>
    %ge3A_658 = vector.broadcast %reduce_sum3A_215 : f32 to vector<16xf32>
    %ge3A_659 = arith.cmpf oge, %convert_element_type3A_601, %ge3A_658 : vector<16xf32>
    %select_n3A_660 = arith.select %ge3A_659, %broadcast_in_dim3A_227, %broadcast_in_dim3A_229 : vector<16xi1>, vector<16xi32>
    %add3A_661 = arith.addi %add3A_657, %select_n3A_660 : vector<16xi32>
    %ge3A_662 = vector.broadcast %reduce_sum3A_225 : f32 to vector<16xf32>
    %ge3A_663 = arith.cmpf oge, %convert_element_type3A_601, %ge3A_662 : vector<16xf32>
    %select_n3A_664 = arith.select %ge3A_663, %broadcast_in_dim3A_227, %broadcast_in_dim3A_229 : vector<16xi1>, vector<16xi32>
    %add3A_665 = arith.addi %add3A_661, %select_n3A_664 : vector<16xi32>
    %gather3A_666 = tpu.vector_load_idx %arg18[%add3A_665] : memref<32xf32, #tpu.memory_space<vmem>>[vector<16xi32>], vector<16xf32>,
    %swap3A_667 = arith.constant 80 : index
    %swap3A_668 = tpu.vector_load %arg20[%swap3A_667] {strides = array<i32>} : memref<256xf32, #tpu.memory_space<vmem>>, vector<16xf32>,
    tpu.vector_store %arg20[%swap3A_667], %gather3A_666 {strides = array<i32>} : memref<256xf32, #tpu.memory_space<vmem>>, vector<16xf32>,
    %gather3A_669 = tpu.vector_load_idx %arg19[%add3A_665] : memref<32xf32, #tpu.memory_space<vmem>>[vector<16xi32>], vector<16xf32>,
    %swap3A_670 = arith.constant 80 : index
    %swap3A_671 = tpu.vector_load %arg21[%swap3A_670] {strides = array<i32>} : memref<256xf32, #tpu.memory_space<vmem>>, vector<16xf32>,
    tpu.vector_store %arg21[%swap3A_670], %gather3A_669 {strides = array<i32>} : memref<256xf32, #tpu.memory_space<vmem>>, vector<16xf32>,
    %add3A_672 = arith.constant -32 : i32
    %add3A_673 = vector.broadcast %add3A_672 : i32 to vector<16xi32>
    %add3A_674 = arith.addi %iota3A, %add3A_673 : vector<16xi32>
    %convert_element_type3A_675 = arith.sitofp %add3A_674 : vector<16xi32> to vector<16xf32>
    %ge3A_676 = vector.broadcast %reduce_sum3A_75 : f32 to vector<16xf32>
    %ge3A_677 = arith.cmpf oge, %convert_element_type3A_675, %ge3A_676 : vector<16xf32>
    %select_n3A_678 = arith.select %ge3A_677, %broadcast_in_dim3A_227, %broadcast_in_dim3A_229 : vector<16xi1>, vector<16xi32>
    %add3A_679 = arith.addi %broadcast_in_dim3A_229, %select_n3A_678 : vector<16xi32>
    %ge3A_680 = vector.broadcast %reduce_sum3A_85 : f32 to vector<16xf32>
    %ge3A_681 = arith.cmpf oge, %convert_element_type3A_675, %ge3A_680 : vector<16xf32>
    %select_n3A_682 = arith.select %ge3A_681, %broadcast_in_dim3A_227, %broadcast_in_dim3A_229 : vector<16xi1>, vector<16xi32>
    %add3A_683 = arith.addi %add3A_679, %select_n3A_682 : vector<16xi32>
    %ge3A_684 = vector.broadcast %reduce_sum3A_95 : f32 to vector<16xf32>
    %ge3A_685 = arith.cmpf oge, %convert_element_type3A_675, %ge3A_684 : vector<16xf32>
    %select_n3A_686 = arith.select %ge3A_685, %broadcast_in_dim3A_227, %broadcast_in_dim3A_229 : vector<16xi1>, vector<16xi32>
    %add3A_687 = arith.addi %add3A_683, %select_n3A_686 : vector<16xi32>
    %ge3A_688 = vector.broadcast %reduce_sum3A_105 : f32 to vector<16xf32>
    %ge3A_689 = arith.cmpf oge, %convert_element_type3A_675, %ge3A_688 : vector<16xf32>
    %select_n3A_690 = arith.select %ge3A_689, %broadcast_in_dim3A_227, %broadcast_in_dim3A_229 : vector<16xi1>, vector<16xi32>
    %add3A_691 = arith.addi %add3A_687, %select_n3A_690 : vector<16xi32>
    %ge3A_692 = vector.broadcast %reduce_sum3A_115 : f32 to vector<16xf32>
    %ge3A_693 = arith.cmpf oge, %convert_element_type3A_675, %ge3A_692 : vector<16xf32>
    %select_n3A_694 = arith.select %ge3A_693, %broadcast_in_dim3A_227, %broadcast_in_dim3A_229 : vector<16xi1>, vector<16xi32>
    %add3A_695 = arith.addi %add3A_691, %select_n3A_694 : vector<16xi32>
    %ge3A_696 = vector.broadcast %reduce_sum3A_125 : f32 to vector<16xf32>
    %ge3A_697 = arith.cmpf oge, %convert_element_type3A_675, %ge3A_696 : vector<16xf32>
    %select_n3A_698 = arith.select %ge3A_697, %broadcast_in_dim3A_227, %broadcast_in_dim3A_229 : vector<16xi1>, vector<16xi32>
    %add3A_699 = arith.addi %add3A_695, %select_n3A_698 : vector<16xi32>
    %ge3A_700 = vector.broadcast %reduce_sum3A_135 : f32 to vector<16xf32>
    %ge3A_701 = arith.cmpf oge, %convert_element_type3A_675, %ge3A_700 : vector<16xf32>
    %select_n3A_702 = arith.select %ge3A_701, %broadcast_in_dim3A_227, %broadcast_in_dim3A_229 : vector<16xi1>, vector<16xi32>
    %add3A_703 = arith.addi %add3A_699, %select_n3A_702 : vector<16xi32>
    %ge3A_704 = vector.broadcast %reduce_sum3A_145 : f32 to vector<16xf32>
    %ge3A_705 = arith.cmpf oge, %convert_element_type3A_675, %ge3A_704 : vector<16xf32>
    %select_n3A_706 = arith.select %ge3A_705, %broadcast_in_dim3A_227, %broadcast_in_dim3A_229 : vector<16xi1>, vector<16xi32>
    %add3A_707 = arith.addi %add3A_703, %select_n3A_706 : vector<16xi32>
    %ge3A_708 = vector.broadcast %reduce_sum3A_155 : f32 to vector<16xf32>
    %ge3A_709 = arith.cmpf oge, %convert_element_type3A_675, %ge3A_708 : vector<16xf32>
    %select_n3A_710 = arith.select %ge3A_709, %broadcast_in_dim3A_227, %broadcast_in_dim3A_229 : vector<16xi1>, vector<16xi32>
    %add3A_711 = arith.addi %add3A_707, %select_n3A_710 : vector<16xi32>
    %ge3A_712 = vector.broadcast %reduce_sum3A_165 : f32 to vector<16xf32>
    %ge3A_713 = arith.cmpf oge, %convert_element_type3A_675, %ge3A_712 : vector<16xf32>
    %select_n3A_714 = arith.select %ge3A_713, %broadcast_in_dim3A_227, %broadcast_in_dim3A_229 : vector<16xi1>, vector<16xi32>
    %add3A_715 = arith.addi %add3A_711, %select_n3A_714 : vector<16xi32>
    %ge3A_716 = vector.broadcast %reduce_sum3A_175 : f32 to vector<16xf32>
    %ge3A_717 = arith.cmpf oge, %convert_element_type3A_675, %ge3A_716 : vector<16xf32>
    %select_n3A_718 = arith.select %ge3A_717, %broadcast_in_dim3A_227, %broadcast_in_dim3A_229 : vector<16xi1>, vector<16xi32>
    %add3A_719 = arith.addi %add3A_715, %select_n3A_718 : vector<16xi32>
    %ge3A_720 = vector.broadcast %reduce_sum3A_185 : f32 to vector<16xf32>
    %ge3A_721 = arith.cmpf oge, %convert_element_type3A_675, %ge3A_720 : vector<16xf32>
    %select_n3A_722 = arith.select %ge3A_721, %broadcast_in_dim3A_227, %broadcast_in_dim3A_229 : vector<16xi1>, vector<16xi32>
    %add3A_723 = arith.addi %add3A_719, %select_n3A_722 : vector<16xi32>
    %ge3A_724 = vector.broadcast %reduce_sum3A_195 : f32 to vector<16xf32>
    %ge3A_725 = arith.cmpf oge, %convert_element_type3A_675, %ge3A_724 : vector<16xf32>
    %select_n3A_726 = arith.select %ge3A_725, %broadcast_in_dim3A_227, %broadcast_in_dim3A_229 : vector<16xi1>, vector<16xi32>
    %add3A_727 = arith.addi %add3A_723, %select_n3A_726 : vector<16xi32>
    %ge3A_728 = vector.broadcast %reduce_sum3A_205 : f32 to vector<16xf32>
    %ge3A_729 = arith.cmpf oge, %convert_element_type3A_675, %ge3A_728 : vector<16xf32>
    %select_n3A_730 = arith.select %ge3A_729, %broadcast_in_dim3A_227, %broadcast_in_dim3A_229 : vector<16xi1>, vector<16xi32>
    %add3A_731 = arith.addi %add3A_727, %select_n3A_730 : vector<16xi32>
    %ge3A_732 = vector.broadcast %reduce_sum3A_215 : f32 to vector<16xf32>
    %ge3A_733 = arith.cmpf oge, %convert_element_type3A_675, %ge3A_732 : vector<16xf32>
    %select_n3A_734 = arith.select %ge3A_733, %broadcast_in_dim3A_227, %broadcast_in_dim3A_229 : vector<16xi1>, vector<16xi32>
    %add3A_735 = arith.addi %add3A_731, %select_n3A_734 : vector<16xi32>
    %ge3A_736 = vector.broadcast %reduce_sum3A_225 : f32 to vector<16xf32>
    %ge3A_737 = arith.cmpf oge, %convert_element_type3A_675, %ge3A_736 : vector<16xf32>
    %select_n3A_738 = arith.select %ge3A_737, %broadcast_in_dim3A_227, %broadcast_in_dim3A_229 : vector<16xi1>, vector<16xi32>
    %add3A_739 = arith.addi %add3A_735, %select_n3A_738 : vector<16xi32>
    %gather3A_740 = tpu.vector_load_idx %arg18[%add3A_739] : memref<32xf32, #tpu.memory_space<vmem>>[vector<16xi32>], vector<16xf32>,
    %swap3A_741 = arith.constant 96 : index
    %swap3A_742 = tpu.vector_load %arg20[%swap3A_741] {strides = array<i32>} : memref<256xf32, #tpu.memory_space<vmem>>, vector<16xf32>,
    tpu.vector_store %arg20[%swap3A_741], %gather3A_740 {strides = array<i32>} : memref<256xf32, #tpu.memory_space<vmem>>, vector<16xf32>,
    %gather3A_743 = tpu.vector_load_idx %arg19[%add3A_739] : memref<32xf32, #tpu.memory_space<vmem>>[vector<16xi32>], vector<16xf32>,
    %swap3A_744 = arith.constant 96 : index
    %swap3A_745 = tpu.vector_load %arg21[%swap3A_744] {strides = array<i32>} : memref<256xf32, #tpu.memory_space<vmem>>, vector<16xf32>,
    tpu.vector_store %arg21[%swap3A_744], %gather3A_743 {strides = array<i32>} : memref<256xf32, #tpu.memory_space<vmem>>, vector<16xf32>,
    %add3A_746 = arith.constant -16 : i32
    %add3A_747 = vector.broadcast %add3A_746 : i32 to vector<16xi32>
    %add3A_748 = arith.addi %iota3A, %add3A_747 : vector<16xi32>
    %convert_element_type3A_749 = arith.sitofp %add3A_748 : vector<16xi32> to vector<16xf32>
    %ge3A_750 = vector.broadcast %reduce_sum3A_75 : f32 to vector<16xf32>
    %ge3A_751 = arith.cmpf oge, %convert_element_type3A_749, %ge3A_750 : vector<16xf32>
    %select_n3A_752 = arith.select %ge3A_751, %broadcast_in_dim3A_227, %broadcast_in_dim3A_229 : vector<16xi1>, vector<16xi32>
    %add3A_753 = arith.addi %broadcast_in_dim3A_229, %select_n3A_752 : vector<16xi32>
    %ge3A_754 = vector.broadcast %reduce_sum3A_85 : f32 to vector<16xf32>
    %ge3A_755 = arith.cmpf oge, %convert_element_type3A_749, %ge3A_754 : vector<16xf32>
    %select_n3A_756 = arith.select %ge3A_755, %broadcast_in_dim3A_227, %broadcast_in_dim3A_229 : vector<16xi1>, vector<16xi32>
    %add3A_757 = arith.addi %add3A_753, %select_n3A_756 : vector<16xi32>
    %ge3A_758 = vector.broadcast %reduce_sum3A_95 : f32 to vector<16xf32>
    %ge3A_759 = arith.cmpf oge, %convert_element_type3A_749, %ge3A_758 : vector<16xf32>
    %select_n3A_760 = arith.select %ge3A_759, %broadcast_in_dim3A_227, %broadcast_in_dim3A_229 : vector<16xi1>, vector<16xi32>
    %add3A_761 = arith.addi %add3A_757, %select_n3A_760 : vector<16xi32>
    %ge3A_762 = vector.broadcast %reduce_sum3A_105 : f32 to vector<16xf32>
    %ge3A_763 = arith.cmpf oge, %convert_element_type3A_749, %ge3A_762 : vector<16xf32>
    %select_n3A_764 = arith.select %ge3A_763, %broadcast_in_dim3A_227, %broadcast_in_dim3A_229 : vector<16xi1>, vector<16xi32>
    %add3A_765 = arith.addi %add3A_761, %select_n3A_764 : vector<16xi32>
    %ge3A_766 = vector.broadcast %reduce_sum3A_115 : f32 to vector<16xf32>
    %ge3A_767 = arith.cmpf oge, %convert_element_type3A_749, %ge3A_766 : vector<16xf32>
    %select_n3A_768 = arith.select %ge3A_767, %broadcast_in_dim3A_227, %broadcast_in_dim3A_229 : vector<16xi1>, vector<16xi32>
    %add3A_769 = arith.addi %add3A_765, %select_n3A_768 : vector<16xi32>
    %ge3A_770 = vector.broadcast %reduce_sum3A_125 : f32 to vector<16xf32>
    %ge3A_771 = arith.cmpf oge, %convert_element_type3A_749, %ge3A_770 : vector<16xf32>
    %select_n3A_772 = arith.select %ge3A_771, %broadcast_in_dim3A_227, %broadcast_in_dim3A_229 : vector<16xi1>, vector<16xi32>
    %add3A_773 = arith.addi %add3A_769, %select_n3A_772 : vector<16xi32>
    %ge3A_774 = vector.broadcast %reduce_sum3A_135 : f32 to vector<16xf32>
    %ge3A_775 = arith.cmpf oge, %convert_element_type3A_749, %ge3A_774 : vector<16xf32>
    %select_n3A_776 = arith.select %ge3A_775, %broadcast_in_dim3A_227, %broadcast_in_dim3A_229 : vector<16xi1>, vector<16xi32>
    %add3A_777 = arith.addi %add3A_773, %select_n3A_776 : vector<16xi32>
    %ge3A_778 = vector.broadcast %reduce_sum3A_145 : f32 to vector<16xf32>
    %ge3A_779 = arith.cmpf oge, %convert_element_type3A_749, %ge3A_778 : vector<16xf32>
    %select_n3A_780 = arith.select %ge3A_779, %broadcast_in_dim3A_227, %broadcast_in_dim3A_229 : vector<16xi1>, vector<16xi32>
    %add3A_781 = arith.addi %add3A_777, %select_n3A_780 : vector<16xi32>
    %ge3A_782 = vector.broadcast %reduce_sum3A_155 : f32 to vector<16xf32>
    %ge3A_783 = arith.cmpf oge, %convert_element_type3A_749, %ge3A_782 : vector<16xf32>
    %select_n3A_784 = arith.select %ge3A_783, %broadcast_in_dim3A_227, %broadcast_in_dim3A_229 : vector<16xi1>, vector<16xi32>
    %add3A_785 = arith.addi %add3A_781, %select_n3A_784 : vector<16xi32>
    %ge3A_786 = vector.broadcast %reduce_sum3A_165 : f32 to vector<16xf32>
    %ge3A_787 = arith.cmpf oge, %convert_element_type3A_749, %ge3A_786 : vector<16xf32>
    %select_n3A_788 = arith.select %ge3A_787, %broadcast_in_dim3A_227, %broadcast_in_dim3A_229 : vector<16xi1>, vector<16xi32>
    %add3A_789 = arith.addi %add3A_785, %select_n3A_788 : vector<16xi32>
    %ge3A_790 = vector.broadcast %reduce_sum3A_175 : f32 to vector<16xf32>
    %ge3A_791 = arith.cmpf oge, %convert_element_type3A_749, %ge3A_790 : vector<16xf32>
    %select_n3A_792 = arith.select %ge3A_791, %broadcast_in_dim3A_227, %broadcast_in_dim3A_229 : vector<16xi1>, vector<16xi32>
    %add3A_793 = arith.addi %add3A_789, %select_n3A_792 : vector<16xi32>
    %ge3A_794 = vector.broadcast %reduce_sum3A_185 : f32 to vector<16xf32>
    %ge3A_795 = arith.cmpf oge, %convert_element_type3A_749, %ge3A_794 : vector<16xf32>
    %select_n3A_796 = arith.select %ge3A_795, %broadcast_in_dim3A_227, %broadcast_in_dim3A_229 : vector<16xi1>, vector<16xi32>
    %add3A_797 = arith.addi %add3A_793, %select_n3A_796 : vector<16xi32>
    %ge3A_798 = vector.broadcast %reduce_sum3A_195 : f32 to vector<16xf32>
    %ge3A_799 = arith.cmpf oge, %convert_element_type3A_749, %ge3A_798 : vector<16xf32>
    %select_n3A_800 = arith.select %ge3A_799, %broadcast_in_dim3A_227, %broadcast_in_dim3A_229 : vector<16xi1>, vector<16xi32>
    %add3A_801 = arith.addi %add3A_797, %select_n3A_800 : vector<16xi32>
    %ge3A_802 = vector.broadcast %reduce_sum3A_205 : f32 to vector<16xf32>
    %ge3A_803 = arith.cmpf oge, %convert_element_type3A_749, %ge3A_802 : vector<16xf32>
    %select_n3A_804 = arith.select %ge3A_803, %broadcast_in_dim3A_227, %broadcast_in_dim3A_229 : vector<16xi1>, vector<16xi32>
    %add3A_805 = arith.addi %add3A_801, %select_n3A_804 : vector<16xi32>
    %ge3A_806 = vector.broadcast %reduce_sum3A_215 : f32 to vector<16xf32>
    %ge3A_807 = arith.cmpf oge, %convert_element_type3A_749, %ge3A_806 : vector<16xf32>
    %select_n3A_808 = arith.select %ge3A_807, %broadcast_in_dim3A_227, %broadcast_in_dim3A_229 : vector<16xi1>, vector<16xi32>
    %add3A_809 = arith.addi %add3A_805, %select_n3A_808 : vector<16xi32>
    %ge3A_810 = vector.broadcast %reduce_sum3A_225 : f32 to vector<16xf32>
    %ge3A_811 = arith.cmpf oge, %convert_element_type3A_749, %ge3A_810 : vector<16xf32>
    %select_n3A_812 = arith.select %ge3A_811, %broadcast_in_dim3A_227, %broadcast_in_dim3A_229 : vector<16xi1>, vector<16xi32>
    %add3A_813 = arith.addi %add3A_809, %select_n3A_812 : vector<16xi32>
    %gather3A_814 = tpu.vector_load_idx %arg18[%add3A_813] : memref<32xf32, #tpu.memory_space<vmem>>[vector<16xi32>], vector<16xf32>,
    %swap3A_815 = arith.constant 112 : index
    %swap3A_816 = tpu.vector_load %arg20[%swap3A_815] {strides = array<i32>} : memref<256xf32, #tpu.memory_space<vmem>>, vector<16xf32>,
    tpu.vector_store %arg20[%swap3A_815], %gather3A_814 {strides = array<i32>} : memref<256xf32, #tpu.memory_space<vmem>>, vector<16xf32>,
    %gather3A_817 = tpu.vector_load_idx %arg19[%add3A_813] : memref<32xf32, #tpu.memory_space<vmem>>[vector<16xi32>], vector<16xf32>,
    %swap3A_818 = arith.constant 112 : index
    %swap3A_819 = tpu.vector_load %arg21[%swap3A_818] {strides = array<i32>} : memref<256xf32, #tpu.memory_space<vmem>>, vector<16xf32>,
    tpu.vector_store %arg21[%swap3A_818], %gather3A_817 {strides = array<i32>} : memref<256xf32, #tpu.memory_space<vmem>>, vector<16xf32>,
    %add3A_820 = arith.constant 0 : i32
    %add3A_821 = vector.broadcast %add3A_820 : i32 to vector<16xi32>
    %add3A_822 = arith.addi %iota3A, %add3A_821 : vector<16xi32>
    %convert_element_type3A_823 = arith.sitofp %add3A_822 : vector<16xi32> to vector<16xf32>
    %ge3A_824 = vector.broadcast %reduce_sum3A_75 : f32 to vector<16xf32>
    %ge3A_825 = arith.cmpf oge, %convert_element_type3A_823, %ge3A_824 : vector<16xf32>
    %select_n3A_826 = arith.select %ge3A_825, %broadcast_in_dim3A_227, %broadcast_in_dim3A_229 : vector<16xi1>, vector<16xi32>
    %add3A_827 = arith.addi %broadcast_in_dim3A_229, %select_n3A_826 : vector<16xi32>
    %ge3A_828 = vector.broadcast %reduce_sum3A_85 : f32 to vector<16xf32>
    %ge3A_829 = arith.cmpf oge, %convert_element_type3A_823, %ge3A_828 : vector<16xf32>
    %select_n3A_830 = arith.select %ge3A_829, %broadcast_in_dim3A_227, %broadcast_in_dim3A_229 : vector<16xi1>, vector<16xi32>
    %add3A_831 = arith.addi %add3A_827, %select_n3A_830 : vector<16xi32>
    %ge3A_832 = vector.broadcast %reduce_sum3A_95 : f32 to vector<16xf32>
    %ge3A_833 = arith.cmpf oge, %convert_element_type3A_823, %ge3A_832 : vector<16xf32>
    %select_n3A_834 = arith.select %ge3A_833, %broadcast_in_dim3A_227, %broadcast_in_dim3A_229 : vector<16xi1>, vector<16xi32>
    %add3A_835 = arith.addi %add3A_831, %select_n3A_834 : vector<16xi32>
    %ge3A_836 = vector.broadcast %reduce_sum3A_105 : f32 to vector<16xf32>
    %ge3A_837 = arith.cmpf oge, %convert_element_type3A_823, %ge3A_836 : vector<16xf32>
    %select_n3A_838 = arith.select %ge3A_837, %broadcast_in_dim3A_227, %broadcast_in_dim3A_229 : vector<16xi1>, vector<16xi32>
    %add3A_839 = arith.addi %add3A_835, %select_n3A_838 : vector<16xi32>
    %ge3A_840 = vector.broadcast %reduce_sum3A_115 : f32 to vector<16xf32>
    %ge3A_841 = arith.cmpf oge, %convert_element_type3A_823, %ge3A_840 : vector<16xf32>
    %select_n3A_842 = arith.select %ge3A_841, %broadcast_in_dim3A_227, %broadcast_in_dim3A_229 : vector<16xi1>, vector<16xi32>
    %add3A_843 = arith.addi %add3A_839, %select_n3A_842 : vector<16xi32>
    %ge3A_844 = vector.broadcast %reduce_sum3A_125 : f32 to vector<16xf32>
    %ge3A_845 = arith.cmpf oge, %convert_element_type3A_823, %ge3A_844 : vector<16xf32>
    %select_n3A_846 = arith.select %ge3A_845, %broadcast_in_dim3A_227, %broadcast_in_dim3A_229 : vector<16xi1>, vector<16xi32>
    %add3A_847 = arith.addi %add3A_843, %select_n3A_846 : vector<16xi32>
    %ge3A_848 = vector.broadcast %reduce_sum3A_135 : f32 to vector<16xf32>
    %ge3A_849 = arith.cmpf oge, %convert_element_type3A_823, %ge3A_848 : vector<16xf32>
    %select_n3A_850 = arith.select %ge3A_849, %broadcast_in_dim3A_227, %broadcast_in_dim3A_229 : vector<16xi1>, vector<16xi32>
    %add3A_851 = arith.addi %add3A_847, %select_n3A_850 : vector<16xi32>
    %ge3A_852 = vector.broadcast %reduce_sum3A_145 : f32 to vector<16xf32>
    %ge3A_853 = arith.cmpf oge, %convert_element_type3A_823, %ge3A_852 : vector<16xf32>
    %select_n3A_854 = arith.select %ge3A_853, %broadcast_in_dim3A_227, %broadcast_in_dim3A_229 : vector<16xi1>, vector<16xi32>
    %add3A_855 = arith.addi %add3A_851, %select_n3A_854 : vector<16xi32>
    %ge3A_856 = vector.broadcast %reduce_sum3A_155 : f32 to vector<16xf32>
    %ge3A_857 = arith.cmpf oge, %convert_element_type3A_823, %ge3A_856 : vector<16xf32>
    %select_n3A_858 = arith.select %ge3A_857, %broadcast_in_dim3A_227, %broadcast_in_dim3A_229 : vector<16xi1>, vector<16xi32>
    %add3A_859 = arith.addi %add3A_855, %select_n3A_858 : vector<16xi32>
    %ge3A_860 = vector.broadcast %reduce_sum3A_165 : f32 to vector<16xf32>
    %ge3A_861 = arith.cmpf oge, %convert_element_type3A_823, %ge3A_860 : vector<16xf32>
    %select_n3A_862 = arith.select %ge3A_861, %broadcast_in_dim3A_227, %broadcast_in_dim3A_229 : vector<16xi1>, vector<16xi32>
    %add3A_863 = arith.addi %add3A_859, %select_n3A_862 : vector<16xi32>
    %ge3A_864 = vector.broadcast %reduce_sum3A_175 : f32 to vector<16xf32>
    %ge3A_865 = arith.cmpf oge, %convert_element_type3A_823, %ge3A_864 : vector<16xf32>
    %select_n3A_866 = arith.select %ge3A_865, %broadcast_in_dim3A_227, %broadcast_in_dim3A_229 : vector<16xi1>, vector<16xi32>
    %add3A_867 = arith.addi %add3A_863, %select_n3A_866 : vector<16xi32>
    %ge3A_868 = vector.broadcast %reduce_sum3A_185 : f32 to vector<16xf32>
    %ge3A_869 = arith.cmpf oge, %convert_element_type3A_823, %ge3A_868 : vector<16xf32>
    %select_n3A_870 = arith.select %ge3A_869, %broadcast_in_dim3A_227, %broadcast_in_dim3A_229 : vector<16xi1>, vector<16xi32>
    %add3A_871 = arith.addi %add3A_867, %select_n3A_870 : vector<16xi32>
    %ge3A_872 = vector.broadcast %reduce_sum3A_195 : f32 to vector<16xf32>
    %ge3A_873 = arith.cmpf oge, %convert_element_type3A_823, %ge3A_872 : vector<16xf32>
    %select_n3A_874 = arith.select %ge3A_873, %broadcast_in_dim3A_227, %broadcast_in_dim3A_229 : vector<16xi1>, vector<16xi32>
    %add3A_875 = arith.addi %add3A_871, %select_n3A_874 : vector<16xi32>
    %ge3A_876 = vector.broadcast %reduce_sum3A_205 : f32 to vector<16xf32>
    %ge3A_877 = arith.cmpf oge, %convert_element_type3A_823, %ge3A_876 : vector<16xf32>
    %select_n3A_878 = arith.select %ge3A_877, %broadcast_in_dim3A_227, %broadcast_in_dim3A_229 : vector<16xi1>, vector<16xi32>
    %add3A_879 = arith.addi %add3A_875, %select_n3A_878 : vector<16xi32>
    %ge3A_880 = vector.broadcast %reduce_sum3A_215 : f32 to vector<16xf32>
    %ge3A_881 = arith.cmpf oge, %convert_element_type3A_823, %ge3A_880 : vector<16xf32>
    %select_n3A_882 = arith.select %ge3A_881, %broadcast_in_dim3A_227, %broadcast_in_dim3A_229 : vector<16xi1>, vector<16xi32>
    %add3A_883 = arith.addi %add3A_879, %select_n3A_882 : vector<16xi32>
    %ge3A_884 = vector.broadcast %reduce_sum3A_225 : f32 to vector<16xf32>
    %ge3A_885 = arith.cmpf oge, %convert_element_type3A_823, %ge3A_884 : vector<16xf32>
    %select_n3A_886 = arith.select %ge3A_885, %broadcast_in_dim3A_227, %broadcast_in_dim3A_229 : vector<16xi1>, vector<16xi32>
    %add3A_887 = arith.addi %add3A_883, %select_n3A_886 : vector<16xi32>
    %gather3A_888 = tpu.vector_load_idx %arg18[%add3A_887] : memref<32xf32, #tpu.memory_space<vmem>>[vector<16xi32>], vector<16xf32>,
    %swap3A_889 = arith.constant 128 : index
    %swap3A_890 = tpu.vector_load %arg20[%swap3A_889] {strides = array<i32>} : memref<256xf32, #tpu.memory_space<vmem>>, vector<16xf32>,
    tpu.vector_store %arg20[%swap3A_889], %gather3A_888 {strides = array<i32>} : memref<256xf32, #tpu.memory_space<vmem>>, vector<16xf32>,
    %gather3A_891 = tpu.vector_load_idx %arg19[%add3A_887] : memref<32xf32, #tpu.memory_space<vmem>>[vector<16xi32>], vector<16xf32>,
    %swap3A_892 = arith.constant 128 : index
    %swap3A_893 = tpu.vector_load %arg21[%swap3A_892] {strides = array<i32>} : memref<256xf32, #tpu.memory_space<vmem>>, vector<16xf32>,
    tpu.vector_store %arg21[%swap3A_892], %gather3A_891 {strides = array<i32>} : memref<256xf32, #tpu.memory_space<vmem>>, vector<16xf32>,
    %add3A_894 = arith.constant 16 : i32
    %add3A_895 = vector.broadcast %add3A_894 : i32 to vector<16xi32>
    %add3A_896 = arith.addi %iota3A, %add3A_895 : vector<16xi32>
    %convert_element_type3A_897 = arith.sitofp %add3A_896 : vector<16xi32> to vector<16xf32>
    %ge3A_898 = vector.broadcast %reduce_sum3A_75 : f32 to vector<16xf32>
    %ge3A_899 = arith.cmpf oge, %convert_element_type3A_897, %ge3A_898 : vector<16xf32>
    %select_n3A_900 = arith.select %ge3A_899, %broadcast_in_dim3A_227, %broadcast_in_dim3A_229 : vector<16xi1>, vector<16xi32>
    %add3A_901 = arith.addi %broadcast_in_dim3A_229, %select_n3A_900 : vector<16xi32>
    %ge3A_902 = vector.broadcast %reduce_sum3A_85 : f32 to vector<16xf32>
    %ge3A_903 = arith.cmpf oge, %convert_element_type3A_897, %ge3A_902 : vector<16xf32>
    %select_n3A_904 = arith.select %ge3A_903, %broadcast_in_dim3A_227, %broadcast_in_dim3A_229 : vector<16xi1>, vector<16xi32>
    %add3A_905 = arith.addi %add3A_901, %select_n3A_904 : vector<16xi32>
    %ge3A_906 = vector.broadcast %reduce_sum3A_95 : f32 to vector<16xf32>
    %ge3A_907 = arith.cmpf oge, %convert_element_type3A_897, %ge3A_906 : vector<16xf32>
    %select_n3A_908 = arith.select %ge3A_907, %broadcast_in_dim3A_227, %broadcast_in_dim3A_229 : vector<16xi1>, vector<16xi32>
    %add3A_909 = arith.addi %add3A_905, %select_n3A_908 : vector<16xi32>
    %ge3A_910 = vector.broadcast %reduce_sum3A_105 : f32 to vector<16xf32>
    %ge3A_911 = arith.cmpf oge, %convert_element_type3A_897, %ge3A_910 : vector<16xf32>
    %select_n3A_912 = arith.select %ge3A_911, %broadcast_in_dim3A_227, %broadcast_in_dim3A_229 : vector<16xi1>, vector<16xi32>
    %add3A_913 = arith.addi %add3A_909, %select_n3A_912 : vector<16xi32>
    %ge3A_914 = vector.broadcast %reduce_sum3A_115 : f32 to vector<16xf32>
    %ge3A_915 = arith.cmpf oge, %convert_element_type3A_897, %ge3A_914 : vector<16xf32>
    %select_n3A_916 = arith.select %ge3A_915, %broadcast_in_dim3A_227, %broadcast_in_dim3A_229 : vector<16xi1>, vector<16xi32>
    %add3A_917 = arith.addi %add3A_913, %select_n3A_916 : vector<16xi32>
    %ge3A_918 = vector.broadcast %reduce_sum3A_125 : f32 to vector<16xf32>
    %ge3A_919 = arith.cmpf oge, %convert_element_type3A_897, %ge3A_918 : vector<16xf32>
    %select_n3A_920 = arith.select %ge3A_919, %broadcast_in_dim3A_227, %broadcast_in_dim3A_229 : vector<16xi1>, vector<16xi32>
    %add3A_921 = arith.addi %add3A_917, %select_n3A_920 : vector<16xi32>
    %ge3A_922 = vector.broadcast %reduce_sum3A_135 : f32 to vector<16xf32>
    %ge3A_923 = arith.cmpf oge, %convert_element_type3A_897, %ge3A_922 : vector<16xf32>
    %select_n3A_924 = arith.select %ge3A_923, %broadcast_in_dim3A_227, %broadcast_in_dim3A_229 : vector<16xi1>, vector<16xi32>
    %add3A_925 = arith.addi %add3A_921, %select_n3A_924 : vector<16xi32>
    %ge3A_926 = vector.broadcast %reduce_sum3A_145 : f32 to vector<16xf32>
    %ge3A_927 = arith.cmpf oge, %convert_element_type3A_897, %ge3A_926 : vector<16xf32>
    %select_n3A_928 = arith.select %ge3A_927, %broadcast_in_dim3A_227, %broadcast_in_dim3A_229 : vector<16xi1>, vector<16xi32>
    %add3A_929 = arith.addi %add3A_925, %select_n3A_928 : vector<16xi32>
    %ge3A_930 = vector.broadcast %reduce_sum3A_155 : f32 to vector<16xf32>
    %ge3A_931 = arith.cmpf oge, %convert_element_type3A_897, %ge3A_930 : vector<16xf32>
    %select_n3A_932 = arith.select %ge3A_931, %broadcast_in_dim3A_227, %broadcast_in_dim3A_229 : vector<16xi1>, vector<16xi32>
    %add3A_933 = arith.addi %add3A_929, %select_n3A_932 : vector<16xi32>
    %ge3A_934 = vector.broadcast %reduce_sum3A_165 : f32 to vector<16xf32>
    %ge3A_935 = arith.cmpf oge, %convert_element_type3A_897, %ge3A_934 : vector<16xf32>
    %select_n3A_936 = arith.select %ge3A_935, %broadcast_in_dim3A_227, %broadcast_in_dim3A_229 : vector<16xi1>, vector<16xi32>
    %add3A_937 = arith.addi %add3A_933, %select_n3A_936 : vector<16xi32>
    %ge3A_938 = vector.broadcast %reduce_sum3A_175 : f32 to vector<16xf32>
    %ge3A_939 = arith.cmpf oge, %convert_element_type3A_897, %ge3A_938 : vector<16xf32>
    %select_n3A_940 = arith.select %ge3A_939, %broadcast_in_dim3A_227, %broadcast_in_dim3A_229 : vector<16xi1>, vector<16xi32>
    %add3A_941 = arith.addi %add3A_937, %select_n3A_940 : vector<16xi32>
    %ge3A_942 = vector.broadcast %reduce_sum3A_185 : f32 to vector<16xf32>
    %ge3A_943 = arith.cmpf oge, %convert_element_type3A_897, %ge3A_942 : vector<16xf32>
    %select_n3A_944 = arith.select %ge3A_943, %broadcast_in_dim3A_227, %broadcast_in_dim3A_229 : vector<16xi1>, vector<16xi32>
    %add3A_945 = arith.addi %add3A_941, %select_n3A_944 : vector<16xi32>
    %ge3A_946 = vector.broadcast %reduce_sum3A_195 : f32 to vector<16xf32>
    %ge3A_947 = arith.cmpf oge, %convert_element_type3A_897, %ge3A_946 : vector<16xf32>
    %select_n3A_948 = arith.select %ge3A_947, %broadcast_in_dim3A_227, %broadcast_in_dim3A_229 : vector<16xi1>, vector<16xi32>
    %add3A_949 = arith.addi %add3A_945, %select_n3A_948 : vector<16xi32>
    %ge3A_950 = vector.broadcast %reduce_sum3A_205 : f32 to vector<16xf32>
    %ge3A_951 = arith.cmpf oge, %convert_element_type3A_897, %ge3A_950 : vector<16xf32>
    %select_n3A_952 = arith.select %ge3A_951, %broadcast_in_dim3A_227, %broadcast_in_dim3A_229 : vector<16xi1>, vector<16xi32>
    %add3A_953 = arith.addi %add3A_949, %select_n3A_952 : vector<16xi32>
    %ge3A_954 = vector.broadcast %reduce_sum3A_215 : f32 to vector<16xf32>
    %ge3A_955 = arith.cmpf oge, %convert_element_type3A_897, %ge3A_954 : vector<16xf32>
    %select_n3A_956 = arith.select %ge3A_955, %broadcast_in_dim3A_227, %broadcast_in_dim3A_229 : vector<16xi1>, vector<16xi32>
    %add3A_957 = arith.addi %add3A_953, %select_n3A_956 : vector<16xi32>
    %ge3A_958 = vector.broadcast %reduce_sum3A_225 : f32 to vector<16xf32>
    %ge3A_959 = arith.cmpf oge, %convert_element_type3A_897, %ge3A_958 : vector<16xf32>
    %select_n3A_960 = arith.select %ge3A_959, %broadcast_in_dim3A_227, %broadcast_in_dim3A_229 : vector<16xi1>, vector<16xi32>
    %add3A_961 = arith.addi %add3A_957, %select_n3A_960 : vector<16xi32>
    %gather3A_962 = tpu.vector_load_idx %arg18[%add3A_961] : memref<32xf32, #tpu.memory_space<vmem>>[vector<16xi32>], vector<16xf32>,
    %swap3A_963 = arith.constant 144 : index
    %swap3A_964 = tpu.vector_load %arg20[%swap3A_963] {strides = array<i32>} : memref<256xf32, #tpu.memory_space<vmem>>, vector<16xf32>,
    tpu.vector_store %arg20[%swap3A_963], %gather3A_962 {strides = array<i32>} : memref<256xf32, #tpu.memory_space<vmem>>, vector<16xf32>,
    %gather3A_965 = tpu.vector_load_idx %arg19[%add3A_961] : memref<32xf32, #tpu.memory_space<vmem>>[vector<16xi32>], vector<16xf32>,
    %swap3A_966 = arith.constant 144 : index
    %swap3A_967 = tpu.vector_load %arg21[%swap3A_966] {strides = array<i32>} : memref<256xf32, #tpu.memory_space<vmem>>, vector<16xf32>,
    tpu.vector_store %arg21[%swap3A_966], %gather3A_965 {strides = array<i32>} : memref<256xf32, #tpu.memory_space<vmem>>, vector<16xf32>,
    %add3A_968 = arith.constant 32 : i32
    %add3A_969 = vector.broadcast %add3A_968 : i32 to vector<16xi32>
    %add3A_970 = arith.addi %iota3A, %add3A_969 : vector<16xi32>
    %convert_element_type3A_971 = arith.sitofp %add3A_970 : vector<16xi32> to vector<16xf32>
    %ge3A_972 = vector.broadcast %reduce_sum3A_75 : f32 to vector<16xf32>
    %ge3A_973 = arith.cmpf oge, %convert_element_type3A_971, %ge3A_972 : vector<16xf32>
    %select_n3A_974 = arith.select %ge3A_973, %broadcast_in_dim3A_227, %broadcast_in_dim3A_229 : vector<16xi1>, vector<16xi32>
    %add3A_975 = arith.addi %broadcast_in_dim3A_229, %select_n3A_974 : vector<16xi32>
    %ge3A_976 = vector.broadcast %reduce_sum3A_85 : f32 to vector<16xf32>
    %ge3A_977 = arith.cmpf oge, %convert_element_type3A_971, %ge3A_976 : vector<16xf32>
    %select_n3A_978 = arith.select %ge3A_977, %broadcast_in_dim3A_227, %broadcast_in_dim3A_229 : vector<16xi1>, vector<16xi32>
    %add3A_979 = arith.addi %add3A_975, %select_n3A_978 : vector<16xi32>
    %ge3A_980 = vector.broadcast %reduce_sum3A_95 : f32 to vector<16xf32>
    %ge3A_981 = arith.cmpf oge, %convert_element_type3A_971, %ge3A_980 : vector<16xf32>
    %select_n3A_982 = arith.select %ge3A_981, %broadcast_in_dim3A_227, %broadcast_in_dim3A_229 : vector<16xi1>, vector<16xi32>
    %add3A_983 = arith.addi %add3A_979, %select_n3A_982 : vector<16xi32>
    %ge3A_984 = vector.broadcast %reduce_sum3A_105 : f32 to vector<16xf32>
    %ge3A_985 = arith.cmpf oge, %convert_element_type3A_971, %ge3A_984 : vector<16xf32>
    %select_n3A_986 = arith.select %ge3A_985, %broadcast_in_dim3A_227, %broadcast_in_dim3A_229 : vector<16xi1>, vector<16xi32>
    %add3A_987 = arith.addi %add3A_983, %select_n3A_986 : vector<16xi32>
    %ge3A_988 = vector.broadcast %reduce_sum3A_115 : f32 to vector<16xf32>
    %ge3A_989 = arith.cmpf oge, %convert_element_type3A_971, %ge3A_988 : vector<16xf32>
    %select_n3A_990 = arith.select %ge3A_989, %broadcast_in_dim3A_227, %broadcast_in_dim3A_229 : vector<16xi1>, vector<16xi32>
    %add3A_991 = arith.addi %add3A_987, %select_n3A_990 : vector<16xi32>
    %ge3A_992 = vector.broadcast %reduce_sum3A_125 : f32 to vector<16xf32>
    %ge3A_993 = arith.cmpf oge, %convert_element_type3A_971, %ge3A_992 : vector<16xf32>
    %select_n3A_994 = arith.select %ge3A_993, %broadcast_in_dim3A_227, %broadcast_in_dim3A_229 : vector<16xi1>, vector<16xi32>
    %add3A_995 = arith.addi %add3A_991, %select_n3A_994 : vector<16xi32>
    %ge3A_996 = vector.broadcast %reduce_sum3A_135 : f32 to vector<16xf32>
    %ge3A_997 = arith.cmpf oge, %convert_element_type3A_971, %ge3A_996 : vector<16xf32>
    %select_n3A_998 = arith.select %ge3A_997, %broadcast_in_dim3A_227, %broadcast_in_dim3A_229 : vector<16xi1>, vector<16xi32>
    %add3A_999 = arith.addi %add3A_995, %select_n3A_998 : vector<16xi32>
    %ge3A_1000 = vector.broadcast %reduce_sum3A_145 : f32 to vector<16xf32>
    %ge3A_1001 = arith.cmpf oge, %convert_element_type3A_971, %ge3A_1000 : vector<16xf32>
    %select_n3A_1002 = arith.select %ge3A_1001, %broadcast_in_dim3A_227, %broadcast_in_dim3A_229 : vector<16xi1>, vector<16xi32>
    %add3A_1003 = arith.addi %add3A_999, %select_n3A_1002 : vector<16xi32>
    %ge3A_1004 = vector.broadcast %reduce_sum3A_155 : f32 to vector<16xf32>
    %ge3A_1005 = arith.cmpf oge, %convert_element_type3A_971, %ge3A_1004 : vector<16xf32>
    %select_n3A_1006 = arith.select %ge3A_1005, %broadcast_in_dim3A_227, %broadcast_in_dim3A_229 : vector<16xi1>, vector<16xi32>
    %add3A_1007 = arith.addi %add3A_1003, %select_n3A_1006 : vector<16xi32>
    %ge3A_1008 = vector.broadcast %reduce_sum3A_165 : f32 to vector<16xf32>
    %ge3A_1009 = arith.cmpf oge, %convert_element_type3A_971, %ge3A_1008 : vector<16xf32>
    %select_n3A_1010 = arith.select %ge3A_1009, %broadcast_in_dim3A_227, %broadcast_in_dim3A_229 : vector<16xi1>, vector<16xi32>
    %add3A_1011 = arith.addi %add3A_1007, %select_n3A_1010 : vector<16xi32>
    %ge3A_1012 = vector.broadcast %reduce_sum3A_175 : f32 to vector<16xf32>
    %ge3A_1013 = arith.cmpf oge, %convert_element_type3A_971, %ge3A_1012 : vector<16xf32>
    %select_n3A_1014 = arith.select %ge3A_1013, %broadcast_in_dim3A_227, %broadcast_in_dim3A_229 : vector<16xi1>, vector<16xi32>
    %add3A_1015 = arith.addi %add3A_1011, %select_n3A_1014 : vector<16xi32>
    %ge3A_1016 = vector.broadcast %reduce_sum3A_185 : f32 to vector<16xf32>
    %ge3A_1017 = arith.cmpf oge, %convert_element_type3A_971, %ge3A_1016 : vector<16xf32>
    %select_n3A_1018 = arith.select %ge3A_1017, %broadcast_in_dim3A_227, %broadcast_in_dim3A_229 : vector<16xi1>, vector<16xi32>
    %add3A_1019 = arith.addi %add3A_1015, %select_n3A_1018 : vector<16xi32>
    %ge3A_1020 = vector.broadcast %reduce_sum3A_195 : f32 to vector<16xf32>
    %ge3A_1021 = arith.cmpf oge, %convert_element_type3A_971, %ge3A_1020 : vector<16xf32>
    %select_n3A_1022 = arith.select %ge3A_1021, %broadcast_in_dim3A_227, %broadcast_in_dim3A_229 : vector<16xi1>, vector<16xi32>
    %add3A_1023 = arith.addi %add3A_1019, %select_n3A_1022 : vector<16xi32>
    %ge3A_1024 = vector.broadcast %reduce_sum3A_205 : f32 to vector<16xf32>
    %ge3A_1025 = arith.cmpf oge, %convert_element_type3A_971, %ge3A_1024 : vector<16xf32>
    %select_n3A_1026 = arith.select %ge3A_1025, %broadcast_in_dim3A_227, %broadcast_in_dim3A_229 : vector<16xi1>, vector<16xi32>
    %add3A_1027 = arith.addi %add3A_1023, %select_n3A_1026 : vector<16xi32>
    %ge3A_1028 = vector.broadcast %reduce_sum3A_215 : f32 to vector<16xf32>
    %ge3A_1029 = arith.cmpf oge, %convert_element_type3A_971, %ge3A_1028 : vector<16xf32>
    %select_n3A_1030 = arith.select %ge3A_1029, %broadcast_in_dim3A_227, %broadcast_in_dim3A_229 : vector<16xi1>, vector<16xi32>
    %add3A_1031 = arith.addi %add3A_1027, %select_n3A_1030 : vector<16xi32>
    %ge3A_1032 = vector.broadcast %reduce_sum3A_225 : f32 to vector<16xf32>
    %ge3A_1033 = arith.cmpf oge, %convert_element_type3A_971, %ge3A_1032 : vector<16xf32>
    %select_n3A_1034 = arith.select %ge3A_1033, %broadcast_in_dim3A_227, %broadcast_in_dim3A_229 : vector<16xi1>, vector<16xi32>
    %add3A_1035 = arith.addi %add3A_1031, %select_n3A_1034 : vector<16xi32>
    %gather3A_1036 = tpu.vector_load_idx %arg18[%add3A_1035] : memref<32xf32, #tpu.memory_space<vmem>>[vector<16xi32>], vector<16xf32>,
    %swap3A_1037 = arith.constant 160 : index
    %swap3A_1038 = tpu.vector_load %arg20[%swap3A_1037] {strides = array<i32>} : memref<256xf32, #tpu.memory_space<vmem>>, vector<16xf32>,
    tpu.vector_store %arg20[%swap3A_1037], %gather3A_1036 {strides = array<i32>} : memref<256xf32, #tpu.memory_space<vmem>>, vector<16xf32>,
    %gather3A_1039 = tpu.vector_load_idx %arg19[%add3A_1035] : memref<32xf32, #tpu.memory_space<vmem>>[vector<16xi32>], vector<16xf32>,
    %swap3A_1040 = arith.constant 160 : index
    %swap3A_1041 = tpu.vector_load %arg21[%swap3A_1040] {strides = array<i32>} : memref<256xf32, #tpu.memory_space<vmem>>, vector<16xf32>,
    tpu.vector_store %arg21[%swap3A_1040], %gather3A_1039 {strides = array<i32>} : memref<256xf32, #tpu.memory_space<vmem>>, vector<16xf32>,
    %add3A_1042 = arith.constant 48 : i32
    %add3A_1043 = vector.broadcast %add3A_1042 : i32 to vector<16xi32>
    %add3A_1044 = arith.addi %iota3A, %add3A_1043 : vector<16xi32>
    %convert_element_type3A_1045 = arith.sitofp %add3A_1044 : vector<16xi32> to vector<16xf32>
    %ge3A_1046 = vector.broadcast %reduce_sum3A_75 : f32 to vector<16xf32>
    %ge3A_1047 = arith.cmpf oge, %convert_element_type3A_1045, %ge3A_1046 : vector<16xf32>
    %select_n3A_1048 = arith.select %ge3A_1047, %broadcast_in_dim3A_227, %broadcast_in_dim3A_229 : vector<16xi1>, vector<16xi32>
    %add3A_1049 = arith.addi %broadcast_in_dim3A_229, %select_n3A_1048 : vector<16xi32>
    %ge3A_1050 = vector.broadcast %reduce_sum3A_85 : f32 to vector<16xf32>
    %ge3A_1051 = arith.cmpf oge, %convert_element_type3A_1045, %ge3A_1050 : vector<16xf32>
    %select_n3A_1052 = arith.select %ge3A_1051, %broadcast_in_dim3A_227, %broadcast_in_dim3A_229 : vector<16xi1>, vector<16xi32>
    %add3A_1053 = arith.addi %add3A_1049, %select_n3A_1052 : vector<16xi32>
    %ge3A_1054 = vector.broadcast %reduce_sum3A_95 : f32 to vector<16xf32>
    %ge3A_1055 = arith.cmpf oge, %convert_element_type3A_1045, %ge3A_1054 : vector<16xf32>
    %select_n3A_1056 = arith.select %ge3A_1055, %broadcast_in_dim3A_227, %broadcast_in_dim3A_229 : vector<16xi1>, vector<16xi32>
    %add3A_1057 = arith.addi %add3A_1053, %select_n3A_1056 : vector<16xi32>
    %ge3A_1058 = vector.broadcast %reduce_sum3A_105 : f32 to vector<16xf32>
    %ge3A_1059 = arith.cmpf oge, %convert_element_type3A_1045, %ge3A_1058 : vector<16xf32>
    %select_n3A_1060 = arith.select %ge3A_1059, %broadcast_in_dim3A_227, %broadcast_in_dim3A_229 : vector<16xi1>, vector<16xi32>
    %add3A_1061 = arith.addi %add3A_1057, %select_n3A_1060 : vector<16xi32>
    %ge3A_1062 = vector.broadcast %reduce_sum3A_115 : f32 to vector<16xf32>
    %ge3A_1063 = arith.cmpf oge, %convert_element_type3A_1045, %ge3A_1062 : vector<16xf32>
    %select_n3A_1064 = arith.select %ge3A_1063, %broadcast_in_dim3A_227, %broadcast_in_dim3A_229 : vector<16xi1>, vector<16xi32>
    %add3A_1065 = arith.addi %add3A_1061, %select_n3A_1064 : vector<16xi32>
    %ge3A_1066 = vector.broadcast %reduce_sum3A_125 : f32 to vector<16xf32>
    %ge3A_1067 = arith.cmpf oge, %convert_element_type3A_1045, %ge3A_1066 : vector<16xf32>
    %select_n3A_1068 = arith.select %ge3A_1067, %broadcast_in_dim3A_227, %broadcast_in_dim3A_229 : vector<16xi1>, vector<16xi32>
    %add3A_1069 = arith.addi %add3A_1065, %select_n3A_1068 : vector<16xi32>
    %ge3A_1070 = vector.broadcast %reduce_sum3A_135 : f32 to vector<16xf32>
    %ge3A_1071 = arith.cmpf oge, %convert_element_type3A_1045, %ge3A_1070 : vector<16xf32>
    %select_n3A_1072 = arith.select %ge3A_1071, %broadcast_in_dim3A_227, %broadcast_in_dim3A_229 : vector<16xi1>, vector<16xi32>
    %add3A_1073 = arith.addi %add3A_1069, %select_n3A_1072 : vector<16xi32>
    %ge3A_1074 = vector.broadcast %reduce_sum3A_145 : f32 to vector<16xf32>
    %ge3A_1075 = arith.cmpf oge, %convert_element_type3A_1045, %ge3A_1074 : vector<16xf32>
    %select_n3A_1076 = arith.select %ge3A_1075, %broadcast_in_dim3A_227, %broadcast_in_dim3A_229 : vector<16xi1>, vector<16xi32>
    %add3A_1077 = arith.addi %add3A_1073, %select_n3A_1076 : vector<16xi32>
    %ge3A_1078 = vector.broadcast %reduce_sum3A_155 : f32 to vector<16xf32>
    %ge3A_1079 = arith.cmpf oge, %convert_element_type3A_1045, %ge3A_1078 : vector<16xf32>
    %select_n3A_1080 = arith.select %ge3A_1079, %broadcast_in_dim3A_227, %broadcast_in_dim3A_229 : vector<16xi1>, vector<16xi32>
    %add3A_1081 = arith.addi %add3A_1077, %select_n3A_1080 : vector<16xi32>
    %ge3A_1082 = vector.broadcast %reduce_sum3A_165 : f32 to vector<16xf32>
    %ge3A_1083 = arith.cmpf oge, %convert_element_type3A_1045, %ge3A_1082 : vector<16xf32>
    %select_n3A_1084 = arith.select %ge3A_1083, %broadcast_in_dim3A_227, %broadcast_in_dim3A_229 : vector<16xi1>, vector<16xi32>
    %add3A_1085 = arith.addi %add3A_1081, %select_n3A_1084 : vector<16xi32>
    %ge3A_1086 = vector.broadcast %reduce_sum3A_175 : f32 to vector<16xf32>
    %ge3A_1087 = arith.cmpf oge, %convert_element_type3A_1045, %ge3A_1086 : vector<16xf32>
    %select_n3A_1088 = arith.select %ge3A_1087, %broadcast_in_dim3A_227, %broadcast_in_dim3A_229 : vector<16xi1>, vector<16xi32>
    %add3A_1089 = arith.addi %add3A_1085, %select_n3A_1088 : vector<16xi32>
    %ge3A_1090 = vector.broadcast %reduce_sum3A_185 : f32 to vector<16xf32>
    %ge3A_1091 = arith.cmpf oge, %convert_element_type3A_1045, %ge3A_1090 : vector<16xf32>
    %select_n3A_1092 = arith.select %ge3A_1091, %broadcast_in_dim3A_227, %broadcast_in_dim3A_229 : vector<16xi1>, vector<16xi32>
    %add3A_1093 = arith.addi %add3A_1089, %select_n3A_1092 : vector<16xi32>
    %ge3A_1094 = vector.broadcast %reduce_sum3A_195 : f32 to vector<16xf32>
    %ge3A_1095 = arith.cmpf oge, %convert_element_type3A_1045, %ge3A_1094 : vector<16xf32>
    %select_n3A_1096 = arith.select %ge3A_1095, %broadcast_in_dim3A_227, %broadcast_in_dim3A_229 : vector<16xi1>, vector<16xi32>
    %add3A_1097 = arith.addi %add3A_1093, %select_n3A_1096 : vector<16xi32>
    %ge3A_1098 = vector.broadcast %reduce_sum3A_205 : f32 to vector<16xf32>
    %ge3A_1099 = arith.cmpf oge, %convert_element_type3A_1045, %ge3A_1098 : vector<16xf32>
    %select_n3A_1100 = arith.select %ge3A_1099, %broadcast_in_dim3A_227, %broadcast_in_dim3A_229 : vector<16xi1>, vector<16xi32>
    %add3A_1101 = arith.addi %add3A_1097, %select_n3A_1100 : vector<16xi32>
    %ge3A_1102 = vector.broadcast %reduce_sum3A_215 : f32 to vector<16xf32>
    %ge3A_1103 = arith.cmpf oge, %convert_element_type3A_1045, %ge3A_1102 : vector<16xf32>
    %select_n3A_1104 = arith.select %ge3A_1103, %broadcast_in_dim3A_227, %broadcast_in_dim3A_229 : vector<16xi1>, vector<16xi32>
    %add3A_1105 = arith.addi %add3A_1101, %select_n3A_1104 : vector<16xi32>
    %ge3A_1106 = vector.broadcast %reduce_sum3A_225 : f32 to vector<16xf32>
    %ge3A_1107 = arith.cmpf oge, %convert_element_type3A_1045, %ge3A_1106 : vector<16xf32>
    %select_n3A_1108 = arith.select %ge3A_1107, %broadcast_in_dim3A_227, %broadcast_in_dim3A_229 : vector<16xi1>, vector<16xi32>
    %add3A_1109 = arith.addi %add3A_1105, %select_n3A_1108 : vector<16xi32>
    %gather3A_1110 = tpu.vector_load_idx %arg18[%add3A_1109] : memref<32xf32, #tpu.memory_space<vmem>>[vector<16xi32>], vector<16xf32>,
    %swap3A_1111 = arith.constant 176 : index
    %swap3A_1112 = tpu.vector_load %arg20[%swap3A_1111] {strides = array<i32>} : memref<256xf32, #tpu.memory_space<vmem>>, vector<16xf32>,
    tpu.vector_store %arg20[%swap3A_1111], %gather3A_1110 {strides = array<i32>} : memref<256xf32, #tpu.memory_space<vmem>>, vector<16xf32>,
    %gather3A_1113 = tpu.vector_load_idx %arg19[%add3A_1109] : memref<32xf32, #tpu.memory_space<vmem>>[vector<16xi32>], vector<16xf32>,
    %swap3A_1114 = arith.constant 176 : index
    %swap3A_1115 = tpu.vector_load %arg21[%swap3A_1114] {strides = array<i32>} : memref<256xf32, #tpu.memory_space<vmem>>, vector<16xf32>,
    tpu.vector_store %arg21[%swap3A_1114], %gather3A_1113 {strides = array<i32>} : memref<256xf32, #tpu.memory_space<vmem>>, vector<16xf32>,
    %add3A_1116 = arith.constant 64 : i32
    %add3A_1117 = vector.broadcast %add3A_1116 : i32 to vector<16xi32>
    %add3A_1118 = arith.addi %iota3A, %add3A_1117 : vector<16xi32>
    %convert_element_type3A_1119 = arith.sitofp %add3A_1118 : vector<16xi32> to vector<16xf32>
    %ge3A_1120 = vector.broadcast %reduce_sum3A_75 : f32 to vector<16xf32>
    %ge3A_1121 = arith.cmpf oge, %convert_element_type3A_1119, %ge3A_1120 : vector<16xf32>
    %select_n3A_1122 = arith.select %ge3A_1121, %broadcast_in_dim3A_227, %broadcast_in_dim3A_229 : vector<16xi1>, vector<16xi32>
    %add3A_1123 = arith.addi %broadcast_in_dim3A_229, %select_n3A_1122 : vector<16xi32>
    %ge3A_1124 = vector.broadcast %reduce_sum3A_85 : f32 to vector<16xf32>
    %ge3A_1125 = arith.cmpf oge, %convert_element_type3A_1119, %ge3A_1124 : vector<16xf32>
    %select_n3A_1126 = arith.select %ge3A_1125, %broadcast_in_dim3A_227, %broadcast_in_dim3A_229 : vector<16xi1>, vector<16xi32>
    %add3A_1127 = arith.addi %add3A_1123, %select_n3A_1126 : vector<16xi32>
    %ge3A_1128 = vector.broadcast %reduce_sum3A_95 : f32 to vector<16xf32>
    %ge3A_1129 = arith.cmpf oge, %convert_element_type3A_1119, %ge3A_1128 : vector<16xf32>
    %select_n3A_1130 = arith.select %ge3A_1129, %broadcast_in_dim3A_227, %broadcast_in_dim3A_229 : vector<16xi1>, vector<16xi32>
    %add3A_1131 = arith.addi %add3A_1127, %select_n3A_1130 : vector<16xi32>
    %ge3A_1132 = vector.broadcast %reduce_sum3A_105 : f32 to vector<16xf32>
    %ge3A_1133 = arith.cmpf oge, %convert_element_type3A_1119, %ge3A_1132 : vector<16xf32>
    %select_n3A_1134 = arith.select %ge3A_1133, %broadcast_in_dim3A_227, %broadcast_in_dim3A_229 : vector<16xi1>, vector<16xi32>
    %add3A_1135 = arith.addi %add3A_1131, %select_n3A_1134 : vector<16xi32>
    %ge3A_1136 = vector.broadcast %reduce_sum3A_115 : f32 to vector<16xf32>
    %ge3A_1137 = arith.cmpf oge, %convert_element_type3A_1119, %ge3A_1136 : vector<16xf32>
    %select_n3A_1138 = arith.select %ge3A_1137, %broadcast_in_dim3A_227, %broadcast_in_dim3A_229 : vector<16xi1>, vector<16xi32>
    %add3A_1139 = arith.addi %add3A_1135, %select_n3A_1138 : vector<16xi32>
    %ge3A_1140 = vector.broadcast %reduce_sum3A_125 : f32 to vector<16xf32>
    %ge3A_1141 = arith.cmpf oge, %convert_element_type3A_1119, %ge3A_1140 : vector<16xf32>
    %select_n3A_1142 = arith.select %ge3A_1141, %broadcast_in_dim3A_227, %broadcast_in_dim3A_229 : vector<16xi1>, vector<16xi32>
    %add3A_1143 = arith.addi %add3A_1139, %select_n3A_1142 : vector<16xi32>
    %ge3A_1144 = vector.broadcast %reduce_sum3A_135 : f32 to vector<16xf32>
    %ge3A_1145 = arith.cmpf oge, %convert_element_type3A_1119, %ge3A_1144 : vector<16xf32>
    %select_n3A_1146 = arith.select %ge3A_1145, %broadcast_in_dim3A_227, %broadcast_in_dim3A_229 : vector<16xi1>, vector<16xi32>
    %add3A_1147 = arith.addi %add3A_1143, %select_n3A_1146 : vector<16xi32>
    %ge3A_1148 = vector.broadcast %reduce_sum3A_145 : f32 to vector<16xf32>
    %ge3A_1149 = arith.cmpf oge, %convert_element_type3A_1119, %ge3A_1148 : vector<16xf32>
    %select_n3A_1150 = arith.select %ge3A_1149, %broadcast_in_dim3A_227, %broadcast_in_dim3A_229 : vector<16xi1>, vector<16xi32>
    %add3A_1151 = arith.addi %add3A_1147, %select_n3A_1150 : vector<16xi32>
    %ge3A_1152 = vector.broadcast %reduce_sum3A_155 : f32 to vector<16xf32>
    %ge3A_1153 = arith.cmpf oge, %convert_element_type3A_1119, %ge3A_1152 : vector<16xf32>
    %select_n3A_1154 = arith.select %ge3A_1153, %broadcast_in_dim3A_227, %broadcast_in_dim3A_229 : vector<16xi1>, vector<16xi32>
    %add3A_1155 = arith.addi %add3A_1151, %select_n3A_1154 : vector<16xi32>
    %ge3A_1156 = vector.broadcast %reduce_sum3A_165 : f32 to vector<16xf32>
    %ge3A_1157 = arith.cmpf oge, %convert_element_type3A_1119, %ge3A_1156 : vector<16xf32>
    %select_n3A_1158 = arith.select %ge3A_1157, %broadcast_in_dim3A_227, %broadcast_in_dim3A_229 : vector<16xi1>, vector<16xi32>
    %add3A_1159 = arith.addi %add3A_1155, %select_n3A_1158 : vector<16xi32>
    %ge3A_1160 = vector.broadcast %reduce_sum3A_175 : f32 to vector<16xf32>
    %ge3A_1161 = arith.cmpf oge, %convert_element_type3A_1119, %ge3A_1160 : vector<16xf32>
    %select_n3A_1162 = arith.select %ge3A_1161, %broadcast_in_dim3A_227, %broadcast_in_dim3A_229 : vector<16xi1>, vector<16xi32>
    %add3A_1163 = arith.addi %add3A_1159, %select_n3A_1162 : vector<16xi32>
    %ge3A_1164 = vector.broadcast %reduce_sum3A_185 : f32 to vector<16xf32>
    %ge3A_1165 = arith.cmpf oge, %convert_element_type3A_1119, %ge3A_1164 : vector<16xf32>
    %select_n3A_1166 = arith.select %ge3A_1165, %broadcast_in_dim3A_227, %broadcast_in_dim3A_229 : vector<16xi1>, vector<16xi32>
    %add3A_1167 = arith.addi %add3A_1163, %select_n3A_1166 : vector<16xi32>
    %ge3A_1168 = vector.broadcast %reduce_sum3A_195 : f32 to vector<16xf32>
    %ge3A_1169 = arith.cmpf oge, %convert_element_type3A_1119, %ge3A_1168 : vector<16xf32>
    %select_n3A_1170 = arith.select %ge3A_1169, %broadcast_in_dim3A_227, %broadcast_in_dim3A_229 : vector<16xi1>, vector<16xi32>
    %add3A_1171 = arith.addi %add3A_1167, %select_n3A_1170 : vector<16xi32>
    %ge3A_1172 = vector.broadcast %reduce_sum3A_205 : f32 to vector<16xf32>
    %ge3A_1173 = arith.cmpf oge, %convert_element_type3A_1119, %ge3A_1172 : vector<16xf32>
    %select_n3A_1174 = arith.select %ge3A_1173, %broadcast_in_dim3A_227, %broadcast_in_dim3A_229 : vector<16xi1>, vector<16xi32>
    %add3A_1175 = arith.addi %add3A_1171, %select_n3A_1174 : vector<16xi32>
    %ge3A_1176 = vector.broadcast %reduce_sum3A_215 : f32 to vector<16xf32>
    %ge3A_1177 = arith.cmpf oge, %convert_element_type3A_1119, %ge3A_1176 : vector<16xf32>
    %select_n3A_1178 = arith.select %ge3A_1177, %broadcast_in_dim3A_227, %broadcast_in_dim3A_229 : vector<16xi1>, vector<16xi32>
    %add3A_1179 = arith.addi %add3A_1175, %select_n3A_1178 : vector<16xi32>
    %ge3A_1180 = vector.broadcast %reduce_sum3A_225 : f32 to vector<16xf32>
    %ge3A_1181 = arith.cmpf oge, %convert_element_type3A_1119, %ge3A_1180 : vector<16xf32>
    %select_n3A_1182 = arith.select %ge3A_1181, %broadcast_in_dim3A_227, %broadcast_in_dim3A_229 : vector<16xi1>, vector<16xi32>
    %add3A_1183 = arith.addi %add3A_1179, %select_n3A_1182 : vector<16xi32>
    %gather3A_1184 = tpu.vector_load_idx %arg18[%add3A_1183] : memref<32xf32, #tpu.memory_space<vmem>>[vector<16xi32>], vector<16xf32>,
    %swap3A_1185 = arith.constant 192 : index
    %swap3A_1186 = tpu.vector_load %arg20[%swap3A_1185] {strides = array<i32>} : memref<256xf32, #tpu.memory_space<vmem>>, vector<16xf32>,
    tpu.vector_store %arg20[%swap3A_1185], %gather3A_1184 {strides = array<i32>} : memref<256xf32, #tpu.memory_space<vmem>>, vector<16xf32>,
    %gather3A_1187 = tpu.vector_load_idx %arg19[%add3A_1183] : memref<32xf32, #tpu.memory_space<vmem>>[vector<16xi32>], vector<16xf32>,
    %swap3A_1188 = arith.constant 192 : index
    %swap3A_1189 = tpu.vector_load %arg21[%swap3A_1188] {strides = array<i32>} : memref<256xf32, #tpu.memory_space<vmem>>, vector<16xf32>,
    tpu.vector_store %arg21[%swap3A_1188], %gather3A_1187 {strides = array<i32>} : memref<256xf32, #tpu.memory_space<vmem>>, vector<16xf32>,
    %add3A_1190 = arith.constant 80 : i32
    %add3A_1191 = vector.broadcast %add3A_1190 : i32 to vector<16xi32>
    %add3A_1192 = arith.addi %iota3A, %add3A_1191 : vector<16xi32>
    %convert_element_type3A_1193 = arith.sitofp %add3A_1192 : vector<16xi32> to vector<16xf32>
    %ge3A_1194 = vector.broadcast %reduce_sum3A_75 : f32 to vector<16xf32>
    %ge3A_1195 = arith.cmpf oge, %convert_element_type3A_1193, %ge3A_1194 : vector<16xf32>
    %select_n3A_1196 = arith.select %ge3A_1195, %broadcast_in_dim3A_227, %broadcast_in_dim3A_229 : vector<16xi1>, vector<16xi32>
    %add3A_1197 = arith.addi %broadcast_in_dim3A_229, %select_n3A_1196 : vector<16xi32>
    %ge3A_1198 = vector.broadcast %reduce_sum3A_85 : f32 to vector<16xf32>
    %ge3A_1199 = arith.cmpf oge, %convert_element_type3A_1193, %ge3A_1198 : vector<16xf32>
    %select_n3A_1200 = arith.select %ge3A_1199, %broadcast_in_dim3A_227, %broadcast_in_dim3A_229 : vector<16xi1>, vector<16xi32>
    %add3A_1201 = arith.addi %add3A_1197, %select_n3A_1200 : vector<16xi32>
    %ge3A_1202 = vector.broadcast %reduce_sum3A_95 : f32 to vector<16xf32>
    %ge3A_1203 = arith.cmpf oge, %convert_element_type3A_1193, %ge3A_1202 : vector<16xf32>
    %select_n3A_1204 = arith.select %ge3A_1203, %broadcast_in_dim3A_227, %broadcast_in_dim3A_229 : vector<16xi1>, vector<16xi32>
    %add3A_1205 = arith.addi %add3A_1201, %select_n3A_1204 : vector<16xi32>
    %ge3A_1206 = vector.broadcast %reduce_sum3A_105 : f32 to vector<16xf32>
    %ge3A_1207 = arith.cmpf oge, %convert_element_type3A_1193, %ge3A_1206 : vector<16xf32>
    %select_n3A_1208 = arith.select %ge3A_1207, %broadcast_in_dim3A_227, %broadcast_in_dim3A_229 : vector<16xi1>, vector<16xi32>
    %add3A_1209 = arith.addi %add3A_1205, %select_n3A_1208 : vector<16xi32>
    %ge3A_1210 = vector.broadcast %reduce_sum3A_115 : f32 to vector<16xf32>
    %ge3A_1211 = arith.cmpf oge, %convert_element_type3A_1193, %ge3A_1210 : vector<16xf32>
    %select_n3A_1212 = arith.select %ge3A_1211, %broadcast_in_dim3A_227, %broadcast_in_dim3A_229 : vector<16xi1>, vector<16xi32>
    %add3A_1213 = arith.addi %add3A_1209, %select_n3A_1212 : vector<16xi32>
    %ge3A_1214 = vector.broadcast %reduce_sum3A_125 : f32 to vector<16xf32>
    %ge3A_1215 = arith.cmpf oge, %convert_element_type3A_1193, %ge3A_1214 : vector<16xf32>
    %select_n3A_1216 = arith.select %ge3A_1215, %broadcast_in_dim3A_227, %broadcast_in_dim3A_229 : vector<16xi1>, vector<16xi32>
    %add3A_1217 = arith.addi %add3A_1213, %select_n3A_1216 : vector<16xi32>
    %ge3A_1218 = vector.broadcast %reduce_sum3A_135 : f32 to vector<16xf32>
    %ge3A_1219 = arith.cmpf oge, %convert_element_type3A_1193, %ge3A_1218 : vector<16xf32>
    %select_n3A_1220 = arith.select %ge3A_1219, %broadcast_in_dim3A_227, %broadcast_in_dim3A_229 : vector<16xi1>, vector<16xi32>
    %add3A_1221 = arith.addi %add3A_1217, %select_n3A_1220 : vector<16xi32>
    %ge3A_1222 = vector.broadcast %reduce_sum3A_145 : f32 to vector<16xf32>
    %ge3A_1223 = arith.cmpf oge, %convert_element_type3A_1193, %ge3A_1222 : vector<16xf32>
    %select_n3A_1224 = arith.select %ge3A_1223, %broadcast_in_dim3A_227, %broadcast_in_dim3A_229 : vector<16xi1>, vector<16xi32>
    %add3A_1225 = arith.addi %add3A_1221, %select_n3A_1224 : vector<16xi32>
    %ge3A_1226 = vector.broadcast %reduce_sum3A_155 : f32 to vector<16xf32>
    %ge3A_1227 = arith.cmpf oge, %convert_element_type3A_1193, %ge3A_1226 : vector<16xf32>
    %select_n3A_1228 = arith.select %ge3A_1227, %broadcast_in_dim3A_227, %broadcast_in_dim3A_229 : vector<16xi1>, vector<16xi32>
    %add3A_1229 = arith.addi %add3A_1225, %select_n3A_1228 : vector<16xi32>
    %ge3A_1230 = vector.broadcast %reduce_sum3A_165 : f32 to vector<16xf32>
    %ge3A_1231 = arith.cmpf oge, %convert_element_type3A_1193, %ge3A_1230 : vector<16xf32>
    %select_n3A_1232 = arith.select %ge3A_1231, %broadcast_in_dim3A_227, %broadcast_in_dim3A_229 : vector<16xi1>, vector<16xi32>
    %add3A_1233 = arith.addi %add3A_1229, %select_n3A_1232 : vector<16xi32>
    %ge3A_1234 = vector.broadcast %reduce_sum3A_175 : f32 to vector<16xf32>
    %ge3A_1235 = arith.cmpf oge, %convert_element_type3A_1193, %ge3A_1234 : vector<16xf32>
    %select_n3A_1236 = arith.select %ge3A_1235, %broadcast_in_dim3A_227, %broadcast_in_dim3A_229 : vector<16xi1>, vector<16xi32>
    %add3A_1237 = arith.addi %add3A_1233, %select_n3A_1236 : vector<16xi32>
    %ge3A_1238 = vector.broadcast %reduce_sum3A_185 : f32 to vector<16xf32>
    %ge3A_1239 = arith.cmpf oge, %convert_element_type3A_1193, %ge3A_1238 : vector<16xf32>
    %select_n3A_1240 = arith.select %ge3A_1239, %broadcast_in_dim3A_227, %broadcast_in_dim3A_229 : vector<16xi1>, vector<16xi32>
    %add3A_1241 = arith.addi %add3A_1237, %select_n3A_1240 : vector<16xi32>
    %ge3A_1242 = vector.broadcast %reduce_sum3A_195 : f32 to vector<16xf32>
    %ge3A_1243 = arith.cmpf oge, %convert_element_type3A_1193, %ge3A_1242 : vector<16xf32>
    %select_n3A_1244 = arith.select %ge3A_1243, %broadcast_in_dim3A_227, %broadcast_in_dim3A_229 : vector<16xi1>, vector<16xi32>
    %add3A_1245 = arith.addi %add3A_1241, %select_n3A_1244 : vector<16xi32>
    %ge3A_1246 = vector.broadcast %reduce_sum3A_205 : f32 to vector<16xf32>
    %ge3A_1247 = arith.cmpf oge, %convert_element_type3A_1193, %ge3A_1246 : vector<16xf32>
    %select_n3A_1248 = arith.select %ge3A_1247, %broadcast_in_dim3A_227, %broadcast_in_dim3A_229 : vector<16xi1>, vector<16xi32>
    %add3A_1249 = arith.addi %add3A_1245, %select_n3A_1248 : vector<16xi32>
    %ge3A_1250 = vector.broadcast %reduce_sum3A_215 : f32 to vector<16xf32>
    %ge3A_1251 = arith.cmpf oge, %convert_element_type3A_1193, %ge3A_1250 : vector<16xf32>
    %select_n3A_1252 = arith.select %ge3A_1251, %broadcast_in_dim3A_227, %broadcast_in_dim3A_229 : vector<16xi1>, vector<16xi32>
    %add3A_1253 = arith.addi %add3A_1249, %select_n3A_1252 : vector<16xi32>
    %ge3A_1254 = vector.broadcast %reduce_sum3A_225 : f32 to vector<16xf32>
    %ge3A_1255 = arith.cmpf oge, %convert_element_type3A_1193, %ge3A_1254 : vector<16xf32>
    %select_n3A_1256 = arith.select %ge3A_1255, %broadcast_in_dim3A_227, %broadcast_in_dim3A_229 : vector<16xi1>, vector<16xi32>
    %add3A_1257 = arith.addi %add3A_1253, %select_n3A_1256 : vector<16xi32>
    %gather3A_1258 = tpu.vector_load_idx %arg18[%add3A_1257] : memref<32xf32, #tpu.memory_space<vmem>>[vector<16xi32>], vector<16xf32>,
    %swap3A_1259 = arith.constant 208 : index
    %swap3A_1260 = tpu.vector_load %arg20[%swap3A_1259] {strides = array<i32>} : memref<256xf32, #tpu.memory_space<vmem>>, vector<16xf32>,
    tpu.vector_store %arg20[%swap3A_1259], %gather3A_1258 {strides = array<i32>} : memref<256xf32, #tpu.memory_space<vmem>>, vector<16xf32>,
    %gather3A_1261 = tpu.vector_load_idx %arg19[%add3A_1257] : memref<32xf32, #tpu.memory_space<vmem>>[vector<16xi32>], vector<16xf32>,
    %swap3A_1262 = arith.constant 208 : index
    %swap3A_1263 = tpu.vector_load %arg21[%swap3A_1262] {strides = array<i32>} : memref<256xf32, #tpu.memory_space<vmem>>, vector<16xf32>,
    tpu.vector_store %arg21[%swap3A_1262], %gather3A_1261 {strides = array<i32>} : memref<256xf32, #tpu.memory_space<vmem>>, vector<16xf32>,
    %add3A_1264 = arith.constant 96 : i32
    %add3A_1265 = vector.broadcast %add3A_1264 : i32 to vector<16xi32>
    %add3A_1266 = arith.addi %iota3A, %add3A_1265 : vector<16xi32>
    %convert_element_type3A_1267 = arith.sitofp %add3A_1266 : vector<16xi32> to vector<16xf32>
    %ge3A_1268 = vector.broadcast %reduce_sum3A_75 : f32 to vector<16xf32>
    %ge3A_1269 = arith.cmpf oge, %convert_element_type3A_1267, %ge3A_1268 : vector<16xf32>
    %select_n3A_1270 = arith.select %ge3A_1269, %broadcast_in_dim3A_227, %broadcast_in_dim3A_229 : vector<16xi1>, vector<16xi32>
    %add3A_1271 = arith.addi %broadcast_in_dim3A_229, %select_n3A_1270 : vector<16xi32>
    %ge3A_1272 = vector.broadcast %reduce_sum3A_85 : f32 to vector<16xf32>
    %ge3A_1273 = arith.cmpf oge, %convert_element_type3A_1267, %ge3A_1272 : vector<16xf32>
    %select_n3A_1274 = arith.select %ge3A_1273, %broadcast_in_dim3A_227, %broadcast_in_dim3A_229 : vector<16xi1>, vector<16xi32>
    %add3A_1275 = arith.addi %add3A_1271, %select_n3A_1274 : vector<16xi32>
    %ge3A_1276 = vector.broadcast %reduce_sum3A_95 : f32 to vector<16xf32>
    %ge3A_1277 = arith.cmpf oge, %convert_element_type3A_1267, %ge3A_1276 : vector<16xf32>
    %select_n3A_1278 = arith.select %ge3A_1277, %broadcast_in_dim3A_227, %broadcast_in_dim3A_229 : vector<16xi1>, vector<16xi32>
    %add3A_1279 = arith.addi %add3A_1275, %select_n3A_1278 : vector<16xi32>
    %ge3A_1280 = vector.broadcast %reduce_sum3A_105 : f32 to vector<16xf32>
    %ge3A_1281 = arith.cmpf oge, %convert_element_type3A_1267, %ge3A_1280 : vector<16xf32>
    %select_n3A_1282 = arith.select %ge3A_1281, %broadcast_in_dim3A_227, %broadcast_in_dim3A_229 : vector<16xi1>, vector<16xi32>
    %add3A_1283 = arith.addi %add3A_1279, %select_n3A_1282 : vector<16xi32>
    %ge3A_1284 = vector.broadcast %reduce_sum3A_115 : f32 to vector<16xf32>
    %ge3A_1285 = arith.cmpf oge, %convert_element_type3A_1267, %ge3A_1284 : vector<16xf32>
    %select_n3A_1286 = arith.select %ge3A_1285, %broadcast_in_dim3A_227, %broadcast_in_dim3A_229 : vector<16xi1>, vector<16xi32>
    %add3A_1287 = arith.addi %add3A_1283, %select_n3A_1286 : vector<16xi32>
    %ge3A_1288 = vector.broadcast %reduce_sum3A_125 : f32 to vector<16xf32>
    %ge3A_1289 = arith.cmpf oge, %convert_element_type3A_1267, %ge3A_1288 : vector<16xf32>
    %select_n3A_1290 = arith.select %ge3A_1289, %broadcast_in_dim3A_227, %broadcast_in_dim3A_229 : vector<16xi1>, vector<16xi32>
    %add3A_1291 = arith.addi %add3A_1287, %select_n3A_1290 : vector<16xi32>
    %ge3A_1292 = vector.broadcast %reduce_sum3A_135 : f32 to vector<16xf32>
    %ge3A_1293 = arith.cmpf oge, %convert_element_type3A_1267, %ge3A_1292 : vector<16xf32>
    %select_n3A_1294 = arith.select %ge3A_1293, %broadcast_in_dim3A_227, %broadcast_in_dim3A_229 : vector<16xi1>, vector<16xi32>
    %add3A_1295 = arith.addi %add3A_1291, %select_n3A_1294 : vector<16xi32>
    %ge3A_1296 = vector.broadcast %reduce_sum3A_145 : f32 to vector<16xf32>
    %ge3A_1297 = arith.cmpf oge, %convert_element_type3A_1267, %ge3A_1296 : vector<16xf32>
    %select_n3A_1298 = arith.select %ge3A_1297, %broadcast_in_dim3A_227, %broadcast_in_dim3A_229 : vector<16xi1>, vector<16xi32>
    %add3A_1299 = arith.addi %add3A_1295, %select_n3A_1298 : vector<16xi32>
    %ge3A_1300 = vector.broadcast %reduce_sum3A_155 : f32 to vector<16xf32>
    %ge3A_1301 = arith.cmpf oge, %convert_element_type3A_1267, %ge3A_1300 : vector<16xf32>
    %select_n3A_1302 = arith.select %ge3A_1301, %broadcast_in_dim3A_227, %broadcast_in_dim3A_229 : vector<16xi1>, vector<16xi32>
    %add3A_1303 = arith.addi %add3A_1299, %select_n3A_1302 : vector<16xi32>
    %ge3A_1304 = vector.broadcast %reduce_sum3A_165 : f32 to vector<16xf32>
    %ge3A_1305 = arith.cmpf oge, %convert_element_type3A_1267, %ge3A_1304 : vector<16xf32>
    %select_n3A_1306 = arith.select %ge3A_1305, %broadcast_in_dim3A_227, %broadcast_in_dim3A_229 : vector<16xi1>, vector<16xi32>
    %add3A_1307 = arith.addi %add3A_1303, %select_n3A_1306 : vector<16xi32>
    %ge3A_1308 = vector.broadcast %reduce_sum3A_175 : f32 to vector<16xf32>
    %ge3A_1309 = arith.cmpf oge, %convert_element_type3A_1267, %ge3A_1308 : vector<16xf32>
    %select_n3A_1310 = arith.select %ge3A_1309, %broadcast_in_dim3A_227, %broadcast_in_dim3A_229 : vector<16xi1>, vector<16xi32>
    %add3A_1311 = arith.addi %add3A_1307, %select_n3A_1310 : vector<16xi32>
    %ge3A_1312 = vector.broadcast %reduce_sum3A_185 : f32 to vector<16xf32>
    %ge3A_1313 = arith.cmpf oge, %convert_element_type3A_1267, %ge3A_1312 : vector<16xf32>
    %select_n3A_1314 = arith.select %ge3A_1313, %broadcast_in_dim3A_227, %broadcast_in_dim3A_229 : vector<16xi1>, vector<16xi32>
    %add3A_1315 = arith.addi %add3A_1311, %select_n3A_1314 : vector<16xi32>
    %ge3A_1316 = vector.broadcast %reduce_sum3A_195 : f32 to vector<16xf32>
    %ge3A_1317 = arith.cmpf oge, %convert_element_type3A_1267, %ge3A_1316 : vector<16xf32>
    %select_n3A_1318 = arith.select %ge3A_1317, %broadcast_in_dim3A_227, %broadcast_in_dim3A_229 : vector<16xi1>, vector<16xi32>
    %add3A_1319 = arith.addi %add3A_1315, %select_n3A_1318 : vector<16xi32>
    %ge3A_1320 = vector.broadcast %reduce_sum3A_205 : f32 to vector<16xf32>
    %ge3A_1321 = arith.cmpf oge, %convert_element_type3A_1267, %ge3A_1320 : vector<16xf32>
    %select_n3A_1322 = arith.select %ge3A_1321, %broadcast_in_dim3A_227, %broadcast_in_dim3A_229 : vector<16xi1>, vector<16xi32>
    %add3A_1323 = arith.addi %add3A_1319, %select_n3A_1322 : vector<16xi32>
    %ge3A_1324 = vector.broadcast %reduce_sum3A_215 : f32 to vector<16xf32>
    %ge3A_1325 = arith.cmpf oge, %convert_element_type3A_1267, %ge3A_1324 : vector<16xf32>
    %select_n3A_1326 = arith.select %ge3A_1325, %broadcast_in_dim3A_227, %broadcast_in_dim3A_229 : vector<16xi1>, vector<16xi32>
    %add3A_1327 = arith.addi %add3A_1323, %select_n3A_1326 : vector<16xi32>
    %ge3A_1328 = vector.broadcast %reduce_sum3A_225 : f32 to vector<16xf32>
    %ge3A_1329 = arith.cmpf oge, %convert_element_type3A_1267, %ge3A_1328 : vector<16xf32>
    %select_n3A_1330 = arith.select %ge3A_1329, %broadcast_in_dim3A_227, %broadcast_in_dim3A_229 : vector<16xi1>, vector<16xi32>
    %add3A_1331 = arith.addi %add3A_1327, %select_n3A_1330 : vector<16xi32>
    %gather3A_1332 = tpu.vector_load_idx %arg18[%add3A_1331] : memref<32xf32, #tpu.memory_space<vmem>>[vector<16xi32>], vector<16xf32>,
    %swap3A_1333 = arith.constant 224 : index
    %swap3A_1334 = tpu.vector_load %arg20[%swap3A_1333] {strides = array<i32>} : memref<256xf32, #tpu.memory_space<vmem>>, vector<16xf32>,
    tpu.vector_store %arg20[%swap3A_1333], %gather3A_1332 {strides = array<i32>} : memref<256xf32, #tpu.memory_space<vmem>>, vector<16xf32>,
    %gather3A_1335 = tpu.vector_load_idx %arg19[%add3A_1331] : memref<32xf32, #tpu.memory_space<vmem>>[vector<16xi32>], vector<16xf32>,
    %swap3A_1336 = arith.constant 224 : index
    %swap3A_1337 = tpu.vector_load %arg21[%swap3A_1336] {strides = array<i32>} : memref<256xf32, #tpu.memory_space<vmem>>, vector<16xf32>,
    tpu.vector_store %arg21[%swap3A_1336], %gather3A_1335 {strides = array<i32>} : memref<256xf32, #tpu.memory_space<vmem>>, vector<16xf32>,
    %add3A_1338 = arith.constant 112 : i32
    %add3A_1339 = vector.broadcast %add3A_1338 : i32 to vector<16xi32>
    %add3A_1340 = arith.addi %iota3A, %add3A_1339 : vector<16xi32>
    %convert_element_type3A_1341 = arith.sitofp %add3A_1340 : vector<16xi32> to vector<16xf32>
    %ge3A_1342 = vector.broadcast %reduce_sum3A_75 : f32 to vector<16xf32>
    %ge3A_1343 = arith.cmpf oge, %convert_element_type3A_1341, %ge3A_1342 : vector<16xf32>
    %select_n3A_1344 = arith.select %ge3A_1343, %broadcast_in_dim3A_227, %broadcast_in_dim3A_229 : vector<16xi1>, vector<16xi32>
    %add3A_1345 = arith.addi %broadcast_in_dim3A_229, %select_n3A_1344 : vector<16xi32>
    %ge3A_1346 = vector.broadcast %reduce_sum3A_85 : f32 to vector<16xf32>
    %ge3A_1347 = arith.cmpf oge, %convert_element_type3A_1341, %ge3A_1346 : vector<16xf32>
    %select_n3A_1348 = arith.select %ge3A_1347, %broadcast_in_dim3A_227, %broadcast_in_dim3A_229 : vector<16xi1>, vector<16xi32>
    %add3A_1349 = arith.addi %add3A_1345, %select_n3A_1348 : vector<16xi32>
    %ge3A_1350 = vector.broadcast %reduce_sum3A_95 : f32 to vector<16xf32>
    %ge3A_1351 = arith.cmpf oge, %convert_element_type3A_1341, %ge3A_1350 : vector<16xf32>
    %select_n3A_1352 = arith.select %ge3A_1351, %broadcast_in_dim3A_227, %broadcast_in_dim3A_229 : vector<16xi1>, vector<16xi32>
    %add3A_1353 = arith.addi %add3A_1349, %select_n3A_1352 : vector<16xi32>
    %ge3A_1354 = vector.broadcast %reduce_sum3A_105 : f32 to vector<16xf32>
    %ge3A_1355 = arith.cmpf oge, %convert_element_type3A_1341, %ge3A_1354 : vector<16xf32>
    %select_n3A_1356 = arith.select %ge3A_1355, %broadcast_in_dim3A_227, %broadcast_in_dim3A_229 : vector<16xi1>, vector<16xi32>
    %add3A_1357 = arith.addi %add3A_1353, %select_n3A_1356 : vector<16xi32>
    %ge3A_1358 = vector.broadcast %reduce_sum3A_115 : f32 to vector<16xf32>
    %ge3A_1359 = arith.cmpf oge, %convert_element_type3A_1341, %ge3A_1358 : vector<16xf32>
    %select_n3A_1360 = arith.select %ge3A_1359, %broadcast_in_dim3A_227, %broadcast_in_dim3A_229 : vector<16xi1>, vector<16xi32>
    %add3A_1361 = arith.addi %add3A_1357, %select_n3A_1360 : vector<16xi32>
    %ge3A_1362 = vector.broadcast %reduce_sum3A_125 : f32 to vector<16xf32>
    %ge3A_1363 = arith.cmpf oge, %convert_element_type3A_1341, %ge3A_1362 : vector<16xf32>
    %select_n3A_1364 = arith.select %ge3A_1363, %broadcast_in_dim3A_227, %broadcast_in_dim3A_229 : vector<16xi1>, vector<16xi32>
    %add3A_1365 = arith.addi %add3A_1361, %select_n3A_1364 : vector<16xi32>
    %ge3A_1366 = vector.broadcast %reduce_sum3A_135 : f32 to vector<16xf32>
    %ge3A_1367 = arith.cmpf oge, %convert_element_type3A_1341, %ge3A_1366 : vector<16xf32>
    %select_n3A_1368 = arith.select %ge3A_1367, %broadcast_in_dim3A_227, %broadcast_in_dim3A_229 : vector<16xi1>, vector<16xi32>
    %add3A_1369 = arith.addi %add3A_1365, %select_n3A_1368 : vector<16xi32>
    %ge3A_1370 = vector.broadcast %reduce_sum3A_145 : f32 to vector<16xf32>
    %ge3A_1371 = arith.cmpf oge, %convert_element_type3A_1341, %ge3A_1370 : vector<16xf32>
    %select_n3A_1372 = arith.select %ge3A_1371, %broadcast_in_dim3A_227, %broadcast_in_dim3A_229 : vector<16xi1>, vector<16xi32>
    %add3A_1373 = arith.addi %add3A_1369, %select_n3A_1372 : vector<16xi32>
    %ge3A_1374 = vector.broadcast %reduce_sum3A_155 : f32 to vector<16xf32>
    %ge3A_1375 = arith.cmpf oge, %convert_element_type3A_1341, %ge3A_1374 : vector<16xf32>
    %select_n3A_1376 = arith.select %ge3A_1375, %broadcast_in_dim3A_227, %broadcast_in_dim3A_229 : vector<16xi1>, vector<16xi32>
    %add3A_1377 = arith.addi %add3A_1373, %select_n3A_1376 : vector<16xi32>
    %ge3A_1378 = vector.broadcast %reduce_sum3A_165 : f32 to vector<16xf32>
    %ge3A_1379 = arith.cmpf oge, %convert_element_type3A_1341, %ge3A_1378 : vector<16xf32>
    %select_n3A_1380 = arith.select %ge3A_1379, %broadcast_in_dim3A_227, %broadcast_in_dim3A_229 : vector<16xi1>, vector<16xi32>
    %add3A_1381 = arith.addi %add3A_1377, %select_n3A_1380 : vector<16xi32>
    %ge3A_1382 = vector.broadcast %reduce_sum3A_175 : f32 to vector<16xf32>
    %ge3A_1383 = arith.cmpf oge, %convert_element_type3A_1341, %ge3A_1382 : vector<16xf32>
    %select_n3A_1384 = arith.select %ge3A_1383, %broadcast_in_dim3A_227, %broadcast_in_dim3A_229 : vector<16xi1>, vector<16xi32>
    %add3A_1385 = arith.addi %add3A_1381, %select_n3A_1384 : vector<16xi32>
    %ge3A_1386 = vector.broadcast %reduce_sum3A_185 : f32 to vector<16xf32>
    %ge3A_1387 = arith.cmpf oge, %convert_element_type3A_1341, %ge3A_1386 : vector<16xf32>
    %select_n3A_1388 = arith.select %ge3A_1387, %broadcast_in_dim3A_227, %broadcast_in_dim3A_229 : vector<16xi1>, vector<16xi32>
    %add3A_1389 = arith.addi %add3A_1385, %select_n3A_1388 : vector<16xi32>
    %ge3A_1390 = vector.broadcast %reduce_sum3A_195 : f32 to vector<16xf32>
    %ge3A_1391 = arith.cmpf oge, %convert_element_type3A_1341, %ge3A_1390 : vector<16xf32>
    %select_n3A_1392 = arith.select %ge3A_1391, %broadcast_in_dim3A_227, %broadcast_in_dim3A_229 : vector<16xi1>, vector<16xi32>
    %add3A_1393 = arith.addi %add3A_1389, %select_n3A_1392 : vector<16xi32>
    %ge3A_1394 = vector.broadcast %reduce_sum3A_205 : f32 to vector<16xf32>
    %ge3A_1395 = arith.cmpf oge, %convert_element_type3A_1341, %ge3A_1394 : vector<16xf32>
    %select_n3A_1396 = arith.select %ge3A_1395, %broadcast_in_dim3A_227, %broadcast_in_dim3A_229 : vector<16xi1>, vector<16xi32>
    %add3A_1397 = arith.addi %add3A_1393, %select_n3A_1396 : vector<16xi32>
    %ge3A_1398 = vector.broadcast %reduce_sum3A_215 : f32 to vector<16xf32>
    %ge3A_1399 = arith.cmpf oge, %convert_element_type3A_1341, %ge3A_1398 : vector<16xf32>
    %select_n3A_1400 = arith.select %ge3A_1399, %broadcast_in_dim3A_227, %broadcast_in_dim3A_229 : vector<16xi1>, vector<16xi32>
    %add3A_1401 = arith.addi %add3A_1397, %select_n3A_1400 : vector<16xi32>
    %ge3A_1402 = vector.broadcast %reduce_sum3A_225 : f32 to vector<16xf32>
    %ge3A_1403 = arith.cmpf oge, %convert_element_type3A_1341, %ge3A_1402 : vector<16xf32>
    %select_n3A_1404 = arith.select %ge3A_1403, %broadcast_in_dim3A_227, %broadcast_in_dim3A_229 : vector<16xi1>, vector<16xi32>
    %add3A_1405 = arith.addi %add3A_1401, %select_n3A_1404 : vector<16xi32>
    %gather3A_1406 = tpu.vector_load_idx %arg18[%add3A_1405] : memref<32xf32, #tpu.memory_space<vmem>>[vector<16xi32>], vector<16xf32>,
    %swap3A_1407 = arith.constant 240 : index
    %swap3A_1408 = tpu.vector_load %arg20[%swap3A_1407] {strides = array<i32>} : memref<256xf32, #tpu.memory_space<vmem>>, vector<16xf32>,
    tpu.vector_store %arg20[%swap3A_1407], %gather3A_1406 {strides = array<i32>} : memref<256xf32, #tpu.memory_space<vmem>>, vector<16xf32>,
    %gather3A_1409 = tpu.vector_load_idx %arg19[%add3A_1405] : memref<32xf32, #tpu.memory_space<vmem>>[vector<16xi32>], vector<16xf32>,
    %swap3A_1410 = arith.constant 240 : index
    %swap3A_1411 = tpu.vector_load %arg21[%swap3A_1410] {strides = array<i32>} : memref<256xf32, #tpu.memory_space<vmem>>, vector<16xf32>,
    tpu.vector_store %arg21[%swap3A_1410], %gather3A_1409 {strides = array<i32>} : memref<256xf32, #tpu.memory_space<vmem>>, vector<16xf32>,
    %add3A_1412 = arith.constant 0 : i32
    %add3A_1413 = arith.addi %mul3A_2, %add3A_1412 : i32
    %dma_start3A = tpu.memref_slice %arg2[%add3A_1413] : memref<33554432xf32, #tpu.memory_space<hbm>> -> memref<16384xf32, #tpu.memory_space<hbm>>
    %dma_start3A_1414 = tpu.memref_slice %arg2[%add3A_1413] : memref<33554432xf32, #tpu.memory_space<hbm>> -> memref<16384xf32, #tpu.memory_space<hbm>>
    tpu.enqueue_dma source(%dma_start3A_1414 : memref<16384xf32, #tpu.memory_space<hbm>>) target(%arg9 : memref<16384xf32, #tpu.memory_space<vmem>>) target_semaphore(%arg22 : memref<!tpu.dma_semaphore, #tpu.memory_space<semaphore_mem>>)
    %add3A_1415 = arith.constant 16384 : i32
    %add3A_1416 = arith.addi %mul3A_2, %add3A_1415 : i32
    %dma_start3A_1417 = tpu.memref_slice %arg2[%add3A_1416] : memref<33554432xf32, #tpu.memory_space<hbm>> -> memref<16384xf32, #tpu.memory_space<hbm>>
    %dma_start3A_1418 = tpu.memref_slice %arg2[%add3A_1416] : memref<33554432xf32, #tpu.memory_space<hbm>> -> memref<16384xf32, #tpu.memory_space<hbm>>
    tpu.enqueue_dma source(%dma_start3A_1418 : memref<16384xf32, #tpu.memory_space<hbm>>) target(%arg10 : memref<16384xf32, #tpu.memory_space<vmem>>) target_semaphore(%arg23 : memref<!tpu.dma_semaphore, #tpu.memory_space<semaphore_mem>>)
    %scan3A = arith.constant 0 : i32
    %scan3A_1419 = arith.constant 32 : i32
    %scan3A_1420 = arith.addi %scan3A, %scan3A_1419 : i32
    %scan3A_1421 = arith.constant 1 : i32
    scf.for %scan3A_1430 = %scan3A to %scan3A_1420 step %scan3A_1421  : i32 {
      %mul3A_1431 = arith.constant 2 : i32
      %mul3A_1432 = arith.muli %scan3A_1430, %mul3A_1431 : i32
      %add3A_1433 = arith.constant 0 : i32
      %add3A_1434 = arith.addi %add3A_1433, %mul3A_1432 : i32
      %add3A_1435 = arith.constant 0 : i32
      %add3A_1436 = arith.addi %add3A_1434, %add3A_1435 : i32
      %mul3A_1437 = arith.constant 16384 : i32
      %mul3A_1438 = arith.muli %add3A_1436, %mul3A_1437 : i32
      %add3A_1439 = arith.addi %mul3A_2, %mul3A_1438 : i32
      %dma_wait3A_1440 = tpu.memref_slice %arg2[%add3A_1439] : memref<33554432xf32, #tpu.memory_space<hbm>> -> memref<16384xf32, #tpu.memory_space<hbm>>
      %dma_wait3A_1441 = tpu.memref_slice %arg2[%add3A_1439] : memref<33554432xf32, #tpu.memory_space<hbm>> -> memref<16384xf32, #tpu.memory_space<hbm>>
      tpu.wait_dma2 semaphore(%arg22 : memref<!tpu.dma_semaphore, #tpu.memory_space<semaphore_mem>>) src(%dma_wait3A_1441 : memref<16384xf32, #tpu.memory_space<hbm>>) dst(%arg9 : memref<16384xf32, #tpu.memory_space<vmem>>)
      %ge3A_1442 = arith.constant 2 : i32
      %ge3A_1443 = arith.cmpi sge, %add3A_1436, %ge3A_1442 : i32
      %convert_element_type3A_1444 = arith.extui %ge3A_1443 : i1 to i32
      %cond3A = arith.constant 0 : i32
      %cond3A_1445 = arith.cmpi ne, %convert_element_type3A_1444, %cond3A : i32
      scf.if %cond3A_1445 {
        %sub3A_1486 = arith.constant 2 : i32
        %sub3A_1487 = arith.subi %add3A_1436, %sub3A_1486 : i32
        %mul3A_1488 = arith.constant 16384 : i32
        %mul3A_1489 = arith.muli %sub3A_1487, %mul3A_1488 : i32
        %add3A_1490 = arith.addi %mul3A_2, %mul3A_1489 : i32
        %dma_wait3A_1491 = tpu.memref_slice %arg8[%add3A_1490] : memref<33554432xf32, #tpu.memory_space<hbm>> -> memref<16384xf32, #tpu.memory_space<hbm>>
        %dma_wait3A_1492 = tpu.memref_slice %arg8[%add3A_1490] : memref<33554432xf32, #tpu.memory_space<hbm>> -> memref<16384xf32, #tpu.memory_space<hbm>>
        tpu.wait_dma2 semaphore(%arg24 : memref<!tpu.dma_semaphore, #tpu.memory_space<semaphore_mem>>) src(%arg11 : memref<16384xf32, #tpu.memory_space<vmem>>) dst(%dma_wait3A_1492 : memref<16384xf32, #tpu.memory_space<hbm>>)
      } else {
      }
      %parallel_loop3A = arith.constant 0 : i32
      %parallel_loop3A_1446 = arith.constant 16384 : i32
      %parallel_loop3A_1447 = arith.constant 16 : i32
      scf.for %parallel_loop3A_1486 = %parallel_loop3A to %parallel_loop3A_1446 step %parallel_loop3A_1447  : i32 {
        %parallel_loop3A_1487 = arith.index_cast %parallel_loop3A_1486 : i32 to index
        %parallel_loop3A_1488 = tpu.vector_load %arg9[%parallel_loop3A_1487] {strides = array<i32>} : memref<16384xf32, #tpu.memory_space<vmem>>, vector<16xf32>,
        %parallel_loop3A_1489 = tpu.bitcast %parallel_loop3A_1488 : vector<16xf32> -> vector<16xi32>
        %parallel_loop3A_1490 = arith.constant 2139095040 : i32
        %parallel_loop3A_1491 = vector.broadcast %parallel_loop3A_1490 : i32 to vector<16xi32>
        %parallel_loop3A_1492 = arith.andi %parallel_loop3A_1489, %parallel_loop3A_1491 : vector<16xi32>
        %parallel_loop3A_1493 = arith.constant 1056964608 : i32
        %parallel_loop3A_1494 = arith.constant 1115684864 : i32
        %parallel_loop3A_1495 = vector.broadcast %parallel_loop3A_1493 : i32 to vector<16xi32>
        %parallel_loop3A_1496 = arith.maxsi %parallel_loop3A_1495, %parallel_loop3A_1492 : vector<16xi32>
        %parallel_loop3A_1497 = vector.broadcast %parallel_loop3A_1494 : i32 to vector<16xi32>
        %parallel_loop3A_1498 = arith.minsi %parallel_loop3A_1497, %parallel_loop3A_1496 : vector<16xi32>
        %parallel_loop3A_1499 = arith.constant -2113929216 : i32
        %parallel_loop3A_1500 = vector.broadcast %parallel_loop3A_1499 : i32 to vector<16xi32>
        %parallel_loop3A_1501 = arith.subi %parallel_loop3A_1500, %parallel_loop3A_1498 : vector<16xi32>
        %parallel_loop3A_1502 = tpu.bitcast %parallel_loop3A_1501 : vector<16xi32> -> vector<16xf32>
        %parallel_loop3A_1503 = arith.constant 50331648 : i32
        %parallel_loop3A_1504 = vector.broadcast %parallel_loop3A_1503 : i32 to vector<16xi32>
        %parallel_loop3A_1505 = arith.subi %parallel_loop3A_1498, %parallel_loop3A_1504 : vector<16xi32>
        %parallel_loop3A_1506 = tpu.bitcast %parallel_loop3A_1505 : vector<16xi32> -> vector<16xf32>
        %parallel_loop3A_1507 = arith.mulf %parallel_loop3A_1488, %parallel_loop3A_1502 : vector<16xf32>
        %parallel_loop3A_1508 = arith.constant 0x4B400000 : f32
        %parallel_loop3A_1509 = vector.broadcast %parallel_loop3A_1508 : f32 to vector<16xf32>
        %parallel_loop3A_1510 = arith.addf %parallel_loop3A_1507, %parallel_loop3A_1509 : vector<16xf32>
        %parallel_loop3A_1511 = arith.constant 0x4B400000 : f32
        %parallel_loop3A_1512 = vector.broadcast %parallel_loop3A_1511 : f32 to vector<16xf32>
        %parallel_loop3A_1513 = arith.subf %parallel_loop3A_1510, %parallel_loop3A_1512 : vector<16xf32>
        %parallel_loop3A_1514 = arith.constant -1.280000e+02 : f32
        %parallel_loop3A_1515 = arith.constant 1.270000e+02 : f32
        %parallel_loop3A_1516 = vector.broadcast %parallel_loop3A_1514 : f32 to vector<16xf32>
        %parallel_loop3A_1517 = arith.maximumf %parallel_loop3A_1516, %parallel_loop3A_1513 : vector<16xf32>
        %parallel_loop3A_1518 = vector.broadcast %parallel_loop3A_1515 : f32 to vector<16xf32>
        %parallel_loop3A_1519 = arith.minimumf %parallel_loop3A_1518, %parallel_loop3A_1517 : vector<16xf32>
        %parallel_loop3A_1520 = arith.constant 16777216 : i32
        %parallel_loop3A_1521 = vector.broadcast %parallel_loop3A_1520 : i32 to vector<16xi32>
        %parallel_loop3A_1522 = arith.subi %parallel_loop3A_1498, %parallel_loop3A_1521 : vector<16xi32>
        %parallel_loop3A_1523 = arith.constant 1065353216 : i32
        %parallel_loop3A_1524 = vector.broadcast %parallel_loop3A_1523 : i32 to vector<16xi32>
        %parallel_loop3A_1525 = arith.minsi %parallel_loop3A_1522, %parallel_loop3A_1524 : vector<16xi32>
        %parallel_loop3A_1526 = tpu.bitcast %parallel_loop3A_1525 : vector<16xi32> -> vector<16xf32>
        %parallel_loop3A_1527 = arith.mulf %parallel_loop3A_1519, %parallel_loop3A_1526 : vector<16xf32>
        %parallel_loop3A_1528 = arith.constant 1.280000e+02 : f32
        %parallel_loop3A_1529 = vector.broadcast %parallel_loop3A_1528 : f32 to vector<16xf32>
        %parallel_loop3A_1530 = arith.addf %parallel_loop3A_1527, %parallel_loop3A_1529 : vector<16xf32>
        %parallel_loop3A_1531 = arith.fptosi %parallel_loop3A_1530 : vector<16xf32> to vector<16xi32>
        %parallel_loop3A_1532 = tpu.vector_load_idx %arg20[%parallel_loop3A_1531] : memref<256xf32, #tpu.memory_space<vmem>>[vector<16xi32>], vector<16xf32>,
        %parallel_loop3A_1533 = tpu.vector_load_idx %arg21[%parallel_loop3A_1531] : memref<256xf32, #tpu.memory_space<vmem>>[vector<16xi32>], vector<16xf32>,
        %parallel_loop3A_1534 = arith.mulf %parallel_loop3A_1519, %parallel_loop3A_1506 : vector<16xf32>
        %parallel_loop3A_1535 = arith.mulf %parallel_loop3A_1534, %parallel_loop3A_1532 : vector<16xf32>
        %parallel_loop3A_1536 = arith.addf %parallel_loop3A_1535, %parallel_loop3A_1533 : vector<16xf32>
        %parallel_loop3A_1537 = arith.index_cast %parallel_loop3A_1486 : i32 to index
        %parallel_loop3A_1538 = tpu.vector_load %arg11[%parallel_loop3A_1537] {strides = array<i32>} : memref<16384xf32, #tpu.memory_space<vmem>>, vector<16xf32>,
        tpu.vector_store %arg11[%parallel_loop3A_1537], %parallel_loop3A_1536 {strides = array<i32>} : memref<16384xf32, #tpu.memory_space<vmem>>, vector<16xf32>,
      } {sc.loop_unroll_factor = 8 : i64, sc.parallel_access}
      %mul3A_1448 = arith.constant 16384 : i32
      %mul3A_1449 = arith.muli %add3A_1436, %mul3A_1448 : i32
      %add3A_1450 = arith.addi %mul3A_2, %mul3A_1449 : i32
      %dma_start3A_1451 = tpu.memref_slice %arg8[%add3A_1450] : memref<33554432xf32, #tpu.memory_space<hbm>> -> memref<16384xf32, #tpu.memory_space<hbm>>
      %dma_start3A_1452 = tpu.memref_slice %arg8[%add3A_1450] : memref<33554432xf32, #tpu.memory_space<hbm>> -> memref<16384xf32, #tpu.memory_space<hbm>>
      tpu.enqueue_dma source(%arg11 : memref<16384xf32, #tpu.memory_space<vmem>>) target(%dma_start3A_1452 : memref<16384xf32, #tpu.memory_space<hbm>>) target_semaphore(%arg24 : memref<!tpu.dma_semaphore, #tpu.memory_space<semaphore_mem>>)
      %add3A_1453 = arith.constant 2 : i32
      %add3A_1454 = arith.addi %add3A_1436, %add3A_1453 : i32
      %lt3A = arith.constant 64 : i32
      %lt3A_1455 = arith.cmpi slt, %add3A_1454, %lt3A : i32
      %convert_element_type3A_1456 = arith.extui %lt3A_1455 : i1 to i32
      %cond3A_1457 = arith.constant 0 : i32
      %cond3A_1458 = arith.cmpi ne, %convert_element_type3A_1456, %cond3A_1457 : i32
      scf.if %cond3A_1458 {
        %add3A_1486 = arith.constant 2 : i32
        %add3A_1487 = arith.addi %add3A_1436, %add3A_1486 : i32
        %mul3A_1488 = arith.constant 16384 : i32
        %mul3A_1489 = arith.muli %add3A_1487, %mul3A_1488 : i32
        %add3A_1490 = arith.addi %mul3A_2, %mul3A_1489 : i32
        %dma_start3A_1491 = tpu.memref_slice %arg2[%add3A_1490] : memref<33554432xf32, #tpu.memory_space<hbm>> -> memref<16384xf32, #tpu.memory_space<hbm>>
        %dma_start3A_1492 = tpu.memref_slice %arg2[%add3A_1490] : memref<33554432xf32, #tpu.memory_space<hbm>> -> memref<16384xf32, #tpu.memory_space<hbm>>
        tpu.enqueue_dma source(%dma_start3A_1492 : memref<16384xf32, #tpu.memory_space<hbm>>) target(%arg9 : memref<16384xf32, #tpu.memory_space<vmem>>) target_semaphore(%arg22 : memref<!tpu.dma_semaphore, #tpu.memory_space<semaphore_mem>>)
      } else {
      }
      %add3A_1459 = arith.constant 1 : i32
      %add3A_1460 = arith.addi %add3A_1434, %add3A_1459 : i32
      %mul3A_1461 = arith.constant 16384 : i32
      %mul3A_1462 = arith.muli %add3A_1460, %mul3A_1461 : i32
      %add3A_1463 = arith.addi %mul3A_2, %mul3A_1462 : i32
      %dma_wait3A_1464 = tpu.memref_slice %arg2[%add3A_1463] : memref<33554432xf32, #tpu.memory_space<hbm>> -> memref<16384xf32, #tpu.memory_space<hbm>>
      %dma_wait3A_1465 = tpu.memref_slice %arg2[%add3A_1463] : memref<33554432xf32, #tpu.memory_space<hbm>> -> memref<16384xf32, #tpu.memory_space<hbm>>
      tpu.wait_dma2 semaphore(%arg23 : memref<!tpu.dma_semaphore, #tpu.memory_space<semaphore_mem>>) src(%dma_wait3A_1465 : memref<16384xf32, #tpu.memory_space<hbm>>) dst(%arg10 : memref<16384xf32, #tpu.memory_space<vmem>>)
      %ge3A_1466 = arith.constant 2 : i32
      %ge3A_1467 = arith.cmpi sge, %add3A_1460, %ge3A_1466 : i32
      %convert_element_type3A_1468 = arith.extui %ge3A_1467 : i1 to i32
      %cond3A_1469 = arith.constant 0 : i32
      %cond3A_1470 = arith.cmpi ne, %convert_element_type3A_1468, %cond3A_1469 : i32
      scf.if %cond3A_1470 {
        %sub3A_1486 = arith.constant 2 : i32
        %sub3A_1487 = arith.subi %add3A_1460, %sub3A_1486 : i32
        %mul3A_1488 = arith.constant 16384 : i32
        %mul3A_1489 = arith.muli %sub3A_1487, %mul3A_1488 : i32
        %add3A_1490 = arith.addi %mul3A_2, %mul3A_1489 : i32
        %dma_wait3A_1491 = tpu.memref_slice %arg8[%add3A_1490] : memref<33554432xf32, #tpu.memory_space<hbm>> -> memref<16384xf32, #tpu.memory_space<hbm>>
        %dma_wait3A_1492 = tpu.memref_slice %arg8[%add3A_1490] : memref<33554432xf32, #tpu.memory_space<hbm>> -> memref<16384xf32, #tpu.memory_space<hbm>>
        tpu.wait_dma2 semaphore(%arg25 : memref<!tpu.dma_semaphore, #tpu.memory_space<semaphore_mem>>) src(%arg12 : memref<16384xf32, #tpu.memory_space<vmem>>) dst(%dma_wait3A_1492 : memref<16384xf32, #tpu.memory_space<hbm>>)
      } else {
      }
      %parallel_loop3A_1471 = arith.constant 0 : i32
      %parallel_loop3A_1472 = arith.constant 16384 : i32
      %parallel_loop3A_1473 = arith.constant 16 : i32
      scf.for %parallel_loop3A_1486 = %parallel_loop3A_1471 to %parallel_loop3A_1472 step %parallel_loop3A_1473  : i32 {
        %parallel_loop3A_1487 = arith.index_cast %parallel_loop3A_1486 : i32 to index
        %parallel_loop3A_1488 = tpu.vector_load %arg10[%parallel_loop3A_1487] {strides = array<i32>} : memref<16384xf32, #tpu.memory_space<vmem>>, vector<16xf32>,
        %parallel_loop3A_1489 = tpu.bitcast %parallel_loop3A_1488 : vector<16xf32> -> vector<16xi32>
        %parallel_loop3A_1490 = arith.constant 2139095040 : i32
        %parallel_loop3A_1491 = vector.broadcast %parallel_loop3A_1490 : i32 to vector<16xi32>
        %parallel_loop3A_1492 = arith.andi %parallel_loop3A_1489, %parallel_loop3A_1491 : vector<16xi32>
        %parallel_loop3A_1493 = arith.constant 1056964608 : i32
        %parallel_loop3A_1494 = arith.constant 1115684864 : i32
        %parallel_loop3A_1495 = vector.broadcast %parallel_loop3A_1493 : i32 to vector<16xi32>
        %parallel_loop3A_1496 = arith.maxsi %parallel_loop3A_1495, %parallel_loop3A_1492 : vector<16xi32>
        %parallel_loop3A_1497 = vector.broadcast %parallel_loop3A_1494 : i32 to vector<16xi32>
        %parallel_loop3A_1498 = arith.minsi %parallel_loop3A_1497, %parallel_loop3A_1496 : vector<16xi32>
        %parallel_loop3A_1499 = arith.constant -2113929216 : i32
        %parallel_loop3A_1500 = vector.broadcast %parallel_loop3A_1499 : i32 to vector<16xi32>
        %parallel_loop3A_1501 = arith.subi %parallel_loop3A_1500, %parallel_loop3A_1498 : vector<16xi32>
        %parallel_loop3A_1502 = tpu.bitcast %parallel_loop3A_1501 : vector<16xi32> -> vector<16xf32>
        %parallel_loop3A_1503 = arith.constant 50331648 : i32
        %parallel_loop3A_1504 = vector.broadcast %parallel_loop3A_1503 : i32 to vector<16xi32>
        %parallel_loop3A_1505 = arith.subi %parallel_loop3A_1498, %parallel_loop3A_1504 : vector<16xi32>
        %parallel_loop3A_1506 = tpu.bitcast %parallel_loop3A_1505 : vector<16xi32> -> vector<16xf32>
        %parallel_loop3A_1507 = arith.mulf %parallel_loop3A_1488, %parallel_loop3A_1502 : vector<16xf32>
        %parallel_loop3A_1508 = arith.constant 0x4B400000 : f32
        %parallel_loop3A_1509 = vector.broadcast %parallel_loop3A_1508 : f32 to vector<16xf32>
        %parallel_loop3A_1510 = arith.addf %parallel_loop3A_1507, %parallel_loop3A_1509 : vector<16xf32>
        %parallel_loop3A_1511 = arith.constant 0x4B400000 : f32
        %parallel_loop3A_1512 = vector.broadcast %parallel_loop3A_1511 : f32 to vector<16xf32>
        %parallel_loop3A_1513 = arith.subf %parallel_loop3A_1510, %parallel_loop3A_1512 : vector<16xf32>
        %parallel_loop3A_1514 = arith.constant -1.280000e+02 : f32
        %parallel_loop3A_1515 = arith.constant 1.270000e+02 : f32
        %parallel_loop3A_1516 = vector.broadcast %parallel_loop3A_1514 : f32 to vector<16xf32>
        %parallel_loop3A_1517 = arith.maximumf %parallel_loop3A_1516, %parallel_loop3A_1513 : vector<16xf32>
        %parallel_loop3A_1518 = vector.broadcast %parallel_loop3A_1515 : f32 to vector<16xf32>
        %parallel_loop3A_1519 = arith.minimumf %parallel_loop3A_1518, %parallel_loop3A_1517 : vector<16xf32>
        %parallel_loop3A_1520 = arith.constant 16777216 : i32
        %parallel_loop3A_1521 = vector.broadcast %parallel_loop3A_1520 : i32 to vector<16xi32>
        %parallel_loop3A_1522 = arith.subi %parallel_loop3A_1498, %parallel_loop3A_1521 : vector<16xi32>
        %parallel_loop3A_1523 = arith.constant 1065353216 : i32
        %parallel_loop3A_1524 = vector.broadcast %parallel_loop3A_1523 : i32 to vector<16xi32>
        %parallel_loop3A_1525 = arith.minsi %parallel_loop3A_1522, %parallel_loop3A_1524 : vector<16xi32>
        %parallel_loop3A_1526 = tpu.bitcast %parallel_loop3A_1525 : vector<16xi32> -> vector<16xf32>
        %parallel_loop3A_1527 = arith.mulf %parallel_loop3A_1519, %parallel_loop3A_1526 : vector<16xf32>
        %parallel_loop3A_1528 = arith.constant 1.280000e+02 : f32
        %parallel_loop3A_1529 = vector.broadcast %parallel_loop3A_1528 : f32 to vector<16xf32>
        %parallel_loop3A_1530 = arith.addf %parallel_loop3A_1527, %parallel_loop3A_1529 : vector<16xf32>
        %parallel_loop3A_1531 = arith.fptosi %parallel_loop3A_1530 : vector<16xf32> to vector<16xi32>
        %parallel_loop3A_1532 = tpu.vector_load_idx %arg20[%parallel_loop3A_1531] : memref<256xf32, #tpu.memory_space<vmem>>[vector<16xi32>], vector<16xf32>,
        %parallel_loop3A_1533 = tpu.vector_load_idx %arg21[%parallel_loop3A_1531] : memref<256xf32, #tpu.memory_space<vmem>>[vector<16xi32>], vector<16xf32>,
        %parallel_loop3A_1534 = arith.mulf %parallel_loop3A_1519, %parallel_loop3A_1506 : vector<16xf32>
        %parallel_loop3A_1535 = arith.mulf %parallel_loop3A_1534, %parallel_loop3A_1532 : vector<16xf32>
        %parallel_loop3A_1536 = arith.addf %parallel_loop3A_1535, %parallel_loop3A_1533 : vector<16xf32>
        %parallel_loop3A_1537 = arith.index_cast %parallel_loop3A_1486 : i32 to index
        %parallel_loop3A_1538 = tpu.vector_load %arg12[%parallel_loop3A_1537] {strides = array<i32>} : memref<16384xf32, #tpu.memory_space<vmem>>, vector<16xf32>,
        tpu.vector_store %arg12[%parallel_loop3A_1537], %parallel_loop3A_1536 {strides = array<i32>} : memref<16384xf32, #tpu.memory_space<vmem>>, vector<16xf32>,
      } {sc.loop_unroll_factor = 8 : i64, sc.parallel_access}
      %mul3A_1474 = arith.constant 16384 : i32
      %mul3A_1475 = arith.muli %add3A_1460, %mul3A_1474 : i32
      %add3A_1476 = arith.addi %mul3A_2, %mul3A_1475 : i32
      %dma_start3A_1477 = tpu.memref_slice %arg8[%add3A_1476] : memref<33554432xf32, #tpu.memory_space<hbm>> -> memref<16384xf32, #tpu.memory_space<hbm>>
      %dma_start3A_1478 = tpu.memref_slice %arg8[%add3A_1476] : memref<33554432xf32, #tpu.memory_space<hbm>> -> memref<16384xf32, #tpu.memory_space<hbm>>
      tpu.enqueue_dma source(%arg12 : memref<16384xf32, #tpu.memory_space<vmem>>) target(%dma_start3A_1478 : memref<16384xf32, #tpu.memory_space<hbm>>) target_semaphore(%arg25 : memref<!tpu.dma_semaphore, #tpu.memory_space<semaphore_mem>>)
      %add3A_1479 = arith.constant 2 : i32
      %add3A_1480 = arith.addi %add3A_1460, %add3A_1479 : i32
      %lt3A_1481 = arith.constant 64 : i32
      %lt3A_1482 = arith.cmpi slt, %add3A_1480, %lt3A_1481 : i32
      %convert_element_type3A_1483 = arith.extui %lt3A_1482 : i1 to i32
      %cond3A_1484 = arith.constant 0 : i32
      %cond3A_1485 = arith.cmpi ne, %convert_element_type3A_1483, %cond3A_1484 : i32
      scf.if %cond3A_1485 {
        %add3A_1486 = arith.constant 2 : i32
        %add3A_1487 = arith.addi %add3A_1460, %add3A_1486 : i32
        %mul3A_1488 = arith.constant 16384 : i32
        %mul3A_1489 = arith.muli %add3A_1487, %mul3A_1488 : i32
        %add3A_1490 = arith.addi %mul3A_2, %mul3A_1489 : i32
        %dma_start3A_1491 = tpu.memref_slice %arg2[%add3A_1490] : memref<33554432xf32, #tpu.memory_space<hbm>> -> memref<16384xf32, #tpu.memory_space<hbm>>
        %dma_start3A_1492 = tpu.memref_slice %arg2[%add3A_1490] : memref<33554432xf32, #tpu.memory_space<hbm>> -> memref<16384xf32, #tpu.memory_space<hbm>>
        tpu.enqueue_dma source(%dma_start3A_1492 : memref<16384xf32, #tpu.memory_space<hbm>>) target(%arg10 : memref<16384xf32, #tpu.memory_space<vmem>>) target_semaphore(%arg23 : memref<!tpu.dma_semaphore, #tpu.memory_space<semaphore_mem>>)
      } else {
      }
    }
    %scan3A_1422 = arith.constant 32 : i32
    %add3A_1423 = arith.constant 1015808 : i32
    %add3A_1424 = arith.addi %mul3A_2, %add3A_1423 : i32
    %dma_wait3A = tpu.memref_slice %arg8[%add3A_1424] : memref<33554432xf32, #tpu.memory_space<hbm>> -> memref<16384xf32, #tpu.memory_space<hbm>>
    %dma_wait3A_1425 = tpu.memref_slice %arg8[%add3A_1424] : memref<33554432xf32, #tpu.memory_space<hbm>> -> memref<16384xf32, #tpu.memory_space<hbm>>
    tpu.wait_dma2 semaphore(%arg24 : memref<!tpu.dma_semaphore, #tpu.memory_space<semaphore_mem>>) src(%arg11 : memref<16384xf32, #tpu.memory_space<vmem>>) dst(%dma_wait3A_1425 : memref<16384xf32, #tpu.memory_space<hbm>>)
    %add3A_1426 = arith.constant 1032192 : i32
    %add3A_1427 = arith.addi %mul3A_2, %add3A_1426 : i32
    %dma_wait3A_1428 = tpu.memref_slice %arg8[%add3A_1427] : memref<33554432xf32, #tpu.memory_space<hbm>> -> memref<16384xf32, #tpu.memory_space<hbm>>
    %dma_wait3A_1429 = tpu.memref_slice %arg8[%add3A_1427] : memref<33554432xf32, #tpu.memory_space<hbm>> -> memref<16384xf32, #tpu.memory_space<hbm>>
    tpu.wait_dma2 semaphore(%arg25 : memref<!tpu.dma_semaphore, #tpu.memory_space<semaphore_mem>>) src(%arg12 : memref<16384xf32, #tpu.memory_space<vmem>>) dst(%dma_wait3A_1429 : memref<16384xf32, #tpu.memory_space<hbm>>)
    return
  }
}

</mosaic_0001>

<sc_bundles>
// kernel: kernel.3.cloned.1.call-start
scs
__scs_entry_jumppad:
0x0: {  	(pc) =	sbr.rel $0x88, $3  }
0x1: {  	(tag) =	ssettag $0x0;
	lr =	simm.s32 $0x1  }
0x2: {  	[smem:$0x3F9B] =	sst lr;
	_ =	strace $0xD0000000  }
0x3: {  	_ = 	snop  }
0x4: {  	_ = 	snop  }
0x5: {  	_ = 	snop  }
0x6: {  	_ = 	snop  }
0x7: {  	_ = 	snop  }
__scs_overlays_trampoline_lowered:
0x8: {  	[smem:$0x3FAA] =	sst s0  }
0x9: {  	[smem:$0x3FAB] =	sst s1  }
0xa: {  	[smem:$0x3FAC] =	sst s2  }
0xb: {  	[smem:$0x3FAD] =	sst s3  }
0xc: {  	[smem:$0x3FAE] =	sst s4  }
0xd: {  	[smem:$0x3FAF] =	sst s5  }
0xe: {  	[smem:$0x3FB0] =	sst s6  }
0xf: {  	[smem:$0x3FB1] =	sst s7  }
0x10: {  	[smem:$0x3FB2] =	sst s8  }
0x11: {  	[smem:$0x3FB3] =	sst s9;
	s0 =	simm.s32 @!p0 $0x0  }
0x12: {  	s1 =	sld [smem:$0x3F99];
	s0 =	simm.s32 @p0 $0x1  }
0x13: {  	[smem:$0x3FB4] =	sst s0;
	s0 =	simm.s32 @!p1 $0x0  }
0x14: {  	s2 =	sld [smem:$0x3F98];
	s0 =	simm.s32 @p1 $0x1  }
0x15: {  	[smem:$0x3FB5] =	sst s0;
	s0 =	simm.s32 @!p2 $0x0  }
0x16: {  	s3 =	sld [smem:$0x3FDB];
	s0 =	simm.s32 @p2 $0x1  }
0x17: {  	s4 =	simm.s32 $0x1BF5;
	[smem:$0x3FB7] =	sst s0  }
0x18: {  	s0 =	sld [smem:$0x3F9A];
	_ =	swait.ge [sflag:s4], $0x0  }
0x19: {  	s7 =	sld [smem:$0x3F9B]  }
0x1a: {  	s8 =	sadd.s32 $0xFFFFE003, lr  }
0x1b: {  	s9 =	sadd.s32 $0xFFFFFEF7, lr;
	s5 =	simm.s32 $0xFFFFFFFF;
	p2 =	slt.u32 s8, $0xFFFFF086  }
0x1c: {  	p1 =	slt.u32 s9, $0xF7A;
	s5 =	simm.s32 @!p2 $0x0  }
0x1d: {  	s5 =	simm.s32 @p1 $0x1;
	p0 =	seq.s32 s7, s2  }
0x1e: {  	s7 =	smul.u32 @!p0 $0xF7A, s2;
	p2 =	seq.s32 @!p0 s5, $0x0  }
0x1f: {  	s9 =	smul.u32 $0xF7A, s1;
	s8 =	simm.s32 @!p0 $0x1BF5;
	p2 =	por !p2, p0  }
0x20: {  	[sflag:s8] =	ssyncset.s32 @!p0 $0xFFFFF086;
	s6 =	sadd.s32 @!p0 s3, s7;
	s7 =	simm.s32 @!p0 $0x108  }
0x21: {  	s3 =	sadd.s32 s3, s9;
	s6 =	sadd.s32 @!p0 $0x88, s6;
	s7 =	simm.s32 @p2 $0x1082  }
0x22: {  	[simem:s7], [sflag:s8] =	dma.local @!p0 [hbm:s6], $0xF7A  }
0x23: {  	s9 =	sor.u32 $0xD0000000, s2;
	s6 =	simm.s32 $0x108;
	_ =	swait.ge @!p0 [sflag:s8], $0x0  }
0x24: {  	s3 =	sadd.s32 $0x88, s3;
	s6 =	simm.s32 @!p1 $0x1082;
	[sflag:s4] =	ssyncset.s32 $0xFFFFF086  }
0x25: {  	[simem:s6], [sflag:s4] =	dma.local [hbm:s3], $0xF7A  }
0x26: {  	[smem:$0x3F9B] =	sst s1;
	(tag) =	ssettag s2;
	_ =	strace s9  }
0x27: {  	s1 =	sld [smem:$0x3FAB]  }
0x28: {  	s2 =	sld [smem:$0x3FAC]  }
0x29: {  	s4 =	sld [smem:$0x3FAE]  }
0x2a: {  	p0 =	seq.s32 s5, $0x0;
	s5 =	sld [smem:$0x3FAF]  }
0x2b: {  	s6 =	sld [smem:$0x3FB0]  }
0x2c: {  	s7 =	sld [smem:$0x3FB1]  }
0x2d: {  	s3 =	simm.s32 $0x108;
	s8 =	sld [smem:$0x3FB2]  }
0x2e: {  	s3 =	simm.s32 @!p0 $0x1082;
	s9 =	sld [smem:$0x3FB3]  }
0x2f: {  	lr =	sadd.s32 s0, s3;
	s0 =	sld [smem:$0x3FAA]  }
0x30: {  	s3 =	sld [smem:$0x3FAD]  }
0x31: {  	[smem:$0x3FB6] =	sst s10  }
0x32: {  	s10 =	sld [smem:$0x3FB4];
	_ =	sdelay $0x3  }
0x33: {  	p0 =	seq.s32 s10, $0x1;
	s10 =	sld [smem:$0x3FB6];
	_ =	sdelay $0x3  }
0x34: {  	[smem:$0x3FB6] =	sst s10  }
0x35: {  	s10 =	sld [smem:$0x3FB5];
	_ =	sdelay $0x3  }
0x36: {  	p1 =	seq.s32 s10, $0x1;
	s10 =	sld [smem:$0x3FB6];
	_ =	sdelay $0x3  }
0x37: {  	[smem:$0x3FB6] =	sst s10  }
0x38: {  	s10 =	sld [smem:$0x3FB7]  }
0x39: {  	_ = 	snop;
	(pc) =	sbr.ind lr, $3  }
0x3a: {  	_ = 	snop  }
0x3b: {  	_ = 	snop  }
0x3c: {  	p2 =	seq.s32 s10, $0x1;
	s10 =	sld [smem:$0x3FB6]  }
0x3d: {  	_ =	shalt  }
0x3e: {  	_ =	shalt  }
0x3f: {  	_ =	shalt  }
0x40: {  	_ =	shalt  }
0x41: {  	_ =	shalt  }
0x42: {  	_ =	shalt  }
0x43: {  	_ =	shalt  }
0x44: {  	_ =	shalt  }
0x45: {  	_ =	shalt  }
0x46: {  	_ =	shalt  }
0x47: {  	_ =	shalt  }
0x48: {  	_ =	shalt  }
0x49: {  	_ =	shalt  }
0x4a: {  	_ =	shalt  }
0x4b: {  	_ =	shalt  }
0x4c: {  	_ =	shalt  }
0x4d: {  	_ =	shalt  }
0x4e: {  	_ =	shalt  }
0x4f: {  	_ =	shalt  }
0x50: {  	_ =	shalt  }
0x51: {  	_ =	shalt  }
0x52: {  	_ =	shalt  }
0x53: {  	_ =	shalt  }
0x54: {  	_ =	shalt  }
0x55: {  	_ =	shalt  }
0x56: {  	_ =	shalt  }
0x57: {  	_ =	shalt  }
0x58: {  	_ =	shalt  }
0x59: {  	_ =	shalt  }
0x5a: {  	_ =	shalt  }
0x5b: {  	_ =	shalt  }
0x5c: {  	_ =	shalt  }
0x5d: {  	_ =	shalt  }
0x5e: {  	_ =	shalt  }
0x5f: {  	_ =	shalt  }
0x60: {  	_ =	shalt  }
0x61: {  	_ =	shalt  }
0x62: {  	_ =	shalt  }
0x63: {  	_ =	shalt  }
0x64: {  	_ =	shalt  }
0x65: {  	_ =	shalt  }
0x66: {  	_ =	shalt  }
0x67: {  	_ =	shalt  }
0x68: {  	_ =	shalt  }
0x69: {  	_ =	shalt  }
0x6a: {  	_ =	shalt  }
0x6b: {  	_ =	shalt  }
0x6c: {  	_ =	shalt  }
0x6d: {  	_ =	shalt  }
0x6e: {  	_ =	shalt  }
0x6f: {  	_ =	shalt  }
0x70: {  	_ =	shalt  }
0x71: {  	_ =	shalt  }
0x72: {  	_ =	shalt  }
0x73: {  	_ =	shalt  }
0x74: {  	_ =	shalt  }
0x75: {  	_ =	shalt  }
0x76: {  	_ =	shalt  }
0x77: {  	_ =	shalt  }
0x78: {  	_ =	shalt  }
0x79: {  	_ =	shalt  }
0x7a: {  	_ =	shalt  }
0x7b: {  	_ =	shalt  }
0x7c: {  	_ =	shalt  }
0x7d: {  	_ =	shalt  }
0x7e: {  	_ =	shalt  }
0x7f: {  	_ =	shalt  }
0x80: {  	_ =	shalt  }
0x81: {  	_ =	shalt  }
0x82: {  	_ =	shalt  }
0x83: {  	_ =	shalt  }
0x84: {  	_ =	shalt  }
0x85: {  	_ =	shalt  }
0x86: {  	_ =	shalt  }
0x87: {  	_ =	shalt  }
.Lfunc_end0:
.L_simem_size_0:
called_computation_lowered:
.L_overlay_start_0:
0x88: {  	s2 =	sld [smem:$0x3FD9]  }
0x89: {  	s3 =	sld [smem:$0x3FFE];
	_ =	sdelay $0x1  }
0x8a: {  	s1 =	srdreg.scid  }
0x8b: {  	s0 =	sand.u32 $0x1, s1  }
0x8c: {  	s17 =	sshll.u32 s0, $0xA;
	s2 =	sadd.s32 s3, s2  }
0x8d: {  	s2 =	sadd.s32 s2, s17  }
0x8e: {  	[smem:$0x3FC2] =	sst s2  }
0x8f: {  	_ = 	snop  }
0x90: {  	s2 =	sld [smem:$0x3FC9]  }
0x91: {  	s18 =	sld [smem:$0x3FC8]  }
0x92: {  	s4 =	sld [smem:$0x3FD0];
	(tm) =	ssettm $0x1  }
0x93: {  	s5 =	sld [smem:$0x3FFB];
	_ =	sdelay $0x3  }
0x94: {  	_ =	strace s5  }
0x95: {  	s5 =	sld [smem:$0x3FFC];
	_ =	sdelay $0x3  }
0x96: {  	_ =	strace s5  }
0x97: {  	s5 =	sld [smem:$0x3FFD];
	_ =	sdelay $0x3  }
0x98: {  	_ =	strace s5  }
0x99: {  	_ =	strace $0x8FFFFFFF  }
0x9a: {  	s19 =	sld [smem:$0x3FDB];
	_ =	sdelay $0x1  }
0x9b: {  	s6 =	simm.s32 $_scs_section_size  }
0x9c: {  	s7 =	simm.s32 $_size__tile_overlayer_lowered;
	s8 =	simm.s32 $_tile_overlayer_lowered  }
0x9d: {  	s22 =	simm.s32 $0x1BFF;
	s21 =	sshll.u32 s8, $0x1;
	s5 =	sadd.s32 s6, s19  }
0x9e: {  	s9 =	simm.s32 $0x0;
	s20 =	sshll.u32 s7, $0x1;
	s7 =	sadd.s32 s21, s5  }
0x9f: {  	[timem:s9], [sflag:s22] =	dma.local [hbm:s7], s20  }
0xa0: {  	_ =	swait.ge [sflag:s22], s20  }
0xa1: {  	s6 =	ssub.s32 $0x0, s20;
	[sflag:s22] =	ssyncset.done $0x0  }
0xa2: {  	[sflag:s22] =	ssyncadd.s32 s6;
	_ =	sdelay $0x1  }
0xa3: {  	s23 =	simm.s32 $0x1B8B  }
0xa4: {  	_ =	swait.ge [sflag:s23], $0x1  }
0xa5: {  	[sflag:s23] =	ssyncset.done $0x0  }
0xa6: {  	s25 =	simm.s32 $0x1B8E;
	s24 =	sld [smem:$0x3FFE];
	[sflag:s23] =	ssyncadd.s32 $0xFFFFFFFF  }
0xa7: {  	s26 =	simm.s32 $execute0_lowered;
	[smem:$0x3FD2] =	sst s25  }
0xa8: {  	s7 =	sshll.u32 s26, $0x1;
	_ =	strace $0x80000046;
	[dreg:$0x1] =	wrdreg $0xFFFFFFFF  }
0xa9: {  	s28 =	simm.s32 $_size_execute0_lowered;
	s5 =	sadd.s32 s5, s7;
	[dreg:$0x0] =	wrdreg $0x0  }
0xaa: {  	s7 =	sshll.u32 s28, $0x1;
	[dreg:$0x2] =	wrdreg s5  }
0xab: {  	[dreg:$0x3] =	wrdreg s7  }
0xac: {  	[dreg:$0x4] =	wrdreg $0xC0  }
0xad: {  	_ =	task [dreg:s9], $0x5FFFF  }
0xae: {  	[dreg:$0x1] =	wrdreg $0xFFFFFFFF  }
0xaf: {  	[dreg:$0x0] =	wrdreg $0x60  }
0xb0: {  	[dreg:$0x2] =	wrdreg s2  }
0xb1: {  	[dreg:$0x3] =	wrdreg s18  }
0xb2: {  	[dreg:$0x4] =	wrdreg s24  }
0xb3: {  	[dreg:$0x5] =	wrdreg s4  }
0xb4: {  	[dreg:$0x6] =	wrdreg $0x9  }
0xb5: {  	_ =	task.clear_ibuf [dreg:s9], $0x7FFFF;
	_ =	strace $0x90000046  }
0xb6: {  	s29 =	simm.s32 $0x9;
	_ =	strace $0x80000048  }
0xb7: {  	_ =	swait.ge [sflag:s29], $0x1  }
0xb8: {  	[sflag:s29] =	ssyncadd.s32 $0xFFFFFFFF  }
0xb9: {  	_ =	strace $0x90000048  }
0xba: {  	_ =	sfence  }
0xbb: {  	s30 =	sld [smem:$0x0];
	_ =	sdelay $0x2  }
0xbc: {  	s31 =	sshll.u32 s1, $0xD;
	s1 =	sshrl.u32 s1, $0x2  }
0xbd: {  	s3 =	sand.u32 $0x4000, s31;
	s1 =	sadd.s32 s1, s30  }
0xbe: {  	s0 =	sor.u32 s3, s0;
	s1 =	sshll.u32 s1, $0x11  }
0xbf: {  	s0 =	sor.u32 s1, s0  }
0xc0: {  	s0 =	sadd.s32 $0x8F2B, s0  }
0xc1: {  	[sflag:s0] =	ssyncadd.remote.s32 $0x1  }
0xc2: {  	_ =	sfence.sel $0xFFFF  }
0xc3: {  	[dreg:$0x0] =	wrdreg $0xFFFFFFFF;
	(pc) =	sbr.abs _section_cstart, $3  }
0xc4: {  	[dreg:$0x1] =	wrdreg $0xFFFFFFFF  }
0xc5: {  	_ =	task.clear_ibuf [dreg:s9], $0x2FFFF;
	_ =	strace $0x9FFFFFFF  }
0xc6: {  	(tm) =	ssettm $0x7FFFFFFF  }
0xc7: {  	_ =	shalt  }
tec
execute0_lowered:
.L_overlay_start_1:
0x0: {  	(tag) =	ssettag $0x1  }
0x1: {  	v0 =	vimm.f32 $-1.130000000e+02;
	vm8 =	vcmask $0x300;
	vm1 =	vcmask $0x704  }
0x2: {  	vm9 =	vcmask $0xB08;
	vm15 =	vcmask $0xF0C;
	vm10 =	vcmask $0x1310  }
0x3: {  	vm13 =	vcmask $0x1714;
	vm11 =	vcmask $0x1B18;
	vm12 =	vcmask $0x1F1C  }
0x4: {  	v1 =	vimm.f32 $-9.700000000e+01;
	v2 =	vimm.f32 $-8.100000000e+01;
	v3 =	vimm.f32 $-6.500000000e+01  }
0x5: {  	v4 =	vimm.f32 $-4.900000000e+01;
	v5 =	vimm.f32 $-3.300000000e+01;
	v6 =	vimm.f32 $-1.700000000e+01  }
0x6: {  	v7 =	vimm.f32 $-1.000000000e+00;
	v8 =	vimm.f32 $1.500000000e+01;
	v9 =	vimm.f32 $3.100000000e+01  }
0x7: {  	v10 =	vimm.f32 $4.700000000e+01;
	v11 =	vimm.f32 $6.300000000e+01;
	v12 =	vimm.f32 $7.900000000e+01  }
0x8: {  	v13 =	vimm.f32 $9.500000000e+01;
	v14 =	vimm.f32 $1.110000000e+02;
	v15 =	vimm.f32 $1.270000000e+02  }
0x9: {  	vm14 =	vcmask $0x2320;
	v0 =	vsel vm8, $0xC3000000, v0;
	v1 =	vsel vm8, $0xC2E00000, v1  }
0xa: {  	v2 =	vsel vm8, $0xC2C00000, v2;
	v3 =	vsel vm8, $0xC2A00000, v3;
	v4 =	vsel vm8, $0xC2800000, v4  }
0xb: {  	v5 =	vsel vm8, $0xC2400000, v5;
	v6 =	vsel vm8, $0xC2000000, v6;
	v7 =	vsel vm8, $0xC1800000, v7  }
0xc: {  	v8 =	vsel vm8, $0x0, v8;
	v9 =	vsel vm8, $0x41800000, v9;
	v10 =	vsel vm8, $0x42000000, v10  }
0xd: {  	v11 =	vsel vm8, $0x42400000, v11;
	v12 =	vsel vm8, $0x42800000, v12;
	v13 =	vsel vm8, $0x42A00000, v13  }
0xe: {  	v14 =	vsel vm8, $0x42C00000, v14;
	v15 =	vsel vm8, $0x42E00000, v15;
	v0 =	vsel vm1, $0xC2FE0000, v0  }
0xf: {  	v1 =	vsel vm1, $0xC2DE0000, v1;
	v2 =	vsel vm1, $0xC2BE0000, v2;
	v3 =	vsel vm1, $0xC29E0000, v3  }
0x10: {  	v4 =	vsel vm1, $0xC27C0000, v4;
	v5 =	vsel vm1, $0xC23C0000, v5;
	v6 =	vsel vm1, $0xC1F80000, v6  }
0x11: {  	v7 =	vsel vm1, $0xC1700000, v7;
	v8 =	vsel vm1, $0x3F800000, v8;
	v9 =	vsel vm1, $0x41880000, v9  }
0x12: {  	v10 =	vsel vm1, $0x42040000, v10;
	v11 =	vsel vm1, $0x42440000, v11;
	v12 =	vsel vm1, $0x42820000, v12  }
0x13: {  	v13 =	vsel vm1, $0x42A20000, v13;
	v14 =	vsel vm1, $0x42C20000, v14;
	v15 =	vsel vm1, $0x42E20000, v15  }
0x14: {  	vm1 =	vcmask $0x2F2C;
	v0 =	vsel vm9, $0xC2FC0000, v0;
	v1 =	vsel vm9, $0xC2DC0000, v1  }
0x15: {  	v2 =	vsel vm9, $0xC2BC0000, v2;
	v3 =	vsel vm9, $0xC29C0000, v3;
	v4 =	vsel vm9, $0xC2780000, v4  }
0x16: {  	v5 =	vsel vm9, $0xC2380000, v5;
	v6 =	vsel vm9, $0xC1F00000, v6;
	v7 =	vsel vm9, $0xC1600000, v7  }
0x17: {  	v8 =	vsel vm9, $0x40000000, v8;
	v9 =	vsel vm9, $0x41900000, v9;
	v10 =	vsel vm9, $0x42080000, v10  }
0x18: {  	v11 =	vsel vm9, $0x42480000, v11;
	v12 =	vsel vm9, $0x42840000, v12;
	v13 =	vsel vm9, $0x42A40000, v13  }
0x19: {  	v14 =	vsel vm9, $0x42C40000, v14;
	v15 =	vsel vm9, $0x42E40000, v15;
	v0 =	vsel vm15, $0xC2FA0000, v0  }
0x1a: {  	v1 =	vsel vm15, $0xC2DA0000, v1;
	v2 =	vsel vm15, $0xC2BA0000, v2;
	v3 =	vsel vm15, $0xC29A0000, v3  }
0x1b: {  	v4 =	vsel vm15, $0xC2740000, v4;
	v5 =	vsel vm15, $0xC2340000, v5;
	v6 =	vsel vm15, $0xC1E80000, v6  }
0x1c: {  	v7 =	vsel vm15, $0xC1500000, v7;
	v8 =	vsel vm15, $0x40400000, v8;
	v9 =	vsel vm15, $0x41980000, v9  }
0x1d: {  	v10 =	vsel vm15, $0x420C0000, v10;
	v11 =	vsel vm15, $0x424C0000, v11;
	v12 =	vsel vm15, $0x42860000, v12  }
0x1e: {  	v13 =	vsel vm15, $0x42A60000, v13;
	v14 =	vsel vm15, $0x42C60000, v14;
	v15 =	vsel vm15, $0x42E60000, v15  }
0x1f: {  	vm15 =	vcmask $0x2724;
	v0 =	vsel vm10, $0xC2F80000, v0;
	v1 =	vsel vm10, $0xC2D80000, v1  }
0x20: {  	v2 =	vsel vm10, $0xC2B80000, v2;
	v3 =	vsel vm10, $0xC2980000, v3;
	v4 =	vsel vm10, $0xC2700000, v4  }
0x21: {  	v5 =	vsel vm10, $0xC2300000, v5;
	v6 =	vsel vm10, $0xC1E00000, v6;
	v7 =	vsel vm10, $0xC1400000, v7  }
0x22: {  	v8 =	vsel vm10, $0x40800000, v8;
	v9 =	vsel vm10, $0x41A00000, v9;
	v10 =	vsel vm10, $0x42100000, v10  }
0x23: {  	v11 =	vsel vm10, $0x42500000, v11;
	v12 =	vsel vm10, $0x42880000, v12;
	v13 =	vsel vm10, $0x42A80000, v13  }
0x24: {  	v14 =	vsel vm10, $0x42C80000, v14;
	v15 =	vsel vm10, $0x42E80000, v15;
	v0 =	vsel vm13, $0xC2F60000, v0  }
0x25: {  	v1 =	vsel vm13, $0xC2D60000, v1;
	v2 =	vsel vm13, $0xC2B60000, v2;
	v3 =	vsel vm13, $0xC2960000, v3  }
0x26: {  	v4 =	vsel vm13, $0xC26C0000, v4;
	v5 =	vsel vm13, $0xC22C0000, v5;
	v6 =	vsel vm13, $0xC1D80000, v6  }
0x27: {  	v7 =	vsel vm13, $0xC1300000, v7;
	v8 =	vsel vm13, $0x40A00000, v8;
	v9 =	vsel vm13, $0x41A80000, v9  }
0x28: {  	v10 =	vsel vm13, $0x42140000, v10;
	v11 =	vsel vm13, $0x42540000, v11;
	v12 =	vsel vm13, $0x428A0000, v12  }
0x29: {  	v13 =	vsel vm13, $0x42AA0000, v13;
	v14 =	vsel vm13, $0x42CA0000, v14;
	v15 =	vsel vm13, $0x42EA0000, v15  }
0x2a: {  	vm13 =	vcmask $0x2B28;
	v0 =	vsel vm11, $0xC2F40000, v0;
	v1 =	vsel vm11, $0xC2D40000, v1  }
0x2b: {  	v2 =	vsel vm11, $0xC2B40000, v2;
	v3 =	vsel vm11, $0xC2940000, v3;
	v4 =	vsel vm11, $0xC2680000, v4  }
0x2c: {  	v5 =	vsel vm11, $0xC2280000, v5;
	v6 =	vsel vm11, $0xC1D00000, v6;
	v7 =	vsel vm11, $0xC1200000, v7  }
0x2d: {  	v8 =	vsel vm11, $0x40C00000, v8;
	v9 =	vsel vm11, $0x41B00000, v9;
	v10 =	vsel vm11, $0x42180000, v10  }
0x2e: {  	v11 =	vsel vm11, $0x42580000, v11;
	v12 =	vsel vm11, $0x428C0000, v12;
	v13 =	vsel vm11, $0x42AC0000, v13  }
0x2f: {  	v14 =	vsel vm11, $0x42CC0000, v14;
	v15 =	vsel vm11, $0x42EC0000, v15;
	v0 =	vsel vm12, $0xC2F20000, v0  }
0x30: {  	v1 =	vsel vm12, $0xC2D20000, v1;
	v2 =	vsel vm12, $0xC2B20000, v2;
	v3 =	vsel vm12, $0xC2920000, v3  }
0x31: {  	v4 =	vsel vm12, $0xC2640000, v4;
	v5 =	vsel vm12, $0xC2240000, v5;
	v6 =	vsel vm12, $0xC1C80000, v6  }
0x32: {  	v7 =	vsel vm12, $0xC1100000, v7;
	v8 =	vsel vm12, $0x40E00000, v8;
	v9 =	vsel vm12, $0x41B80000, v9  }
0x33: {  	v10 =	vsel vm12, $0x421C0000, v10;
	v11 =	vsel vm12, $0x425C0000, v11;
	v12 =	vsel vm12, $0x428E0000, v12  }
0x34: {  	v13 =	vsel vm12, $0x42AE0000, v13;
	v14 =	vsel vm12, $0x42CE0000, v14;
	v15 =	vsel vm12, $0x42EE0000, v15  }
0x35: {  	v0 =	vsel vm14, $0xC2F00000, v0;
	v1 =	vsel vm14, $0xC2D00000, v1;
	v2 =	vsel vm14, $0xC2B00000, v2  }
0x36: {  	v3 =	vsel vm14, $0xC2900000, v3;
	v4 =	vsel vm14, $0xC2600000, v4;
	v5 =	vsel vm14, $0xC2200000, v5  }
0x37: {  	v6 =	vsel vm14, $0xC1C00000, v6;
	v7 =	vsel vm14, $0xC1000000, v7;
	v8 =	vsel vm14, $0x41000000, v8  }
0x38: {  	v9 =	vsel vm14, $0x41C00000, v9;
	v10 =	vsel vm14, $0x42200000, v10;
	v11 =	vsel vm14, $0x42600000, v11  }
0x39: {  	v12 =	vsel vm14, $0x42900000, v12;
	v13 =	vsel vm14, $0x42B00000, v13;
	v14 =	vsel vm14, $0x42D00000, v14  }
0x3a: {  	v15 =	vsel vm14, $0x42F00000, v15;
	vm14 =	vcmask $0x3330;
	v0 =	vsel vm15, $0xC2EE0000, v0  }
0x3b: {  	v1 =	vsel vm15, $0xC2CE0000, v1;
	v2 =	vsel vm15, $0xC2AE0000, v2;
	v3 =	vsel vm15, $0xC28E0000, v3  }
0x3c: {  	v4 =	vsel vm15, $0xC25C0000, v4;
	v5 =	vsel vm15, $0xC21C0000, v5;
	v6 =	vsel vm15, $0xC1B80000, v6  }
0x3d: {  	v7 =	vsel vm15, $0xC0E00000, v7;
	v8 =	vsel vm15, $0x41100000, v8;
	v9 =	vsel vm15, $0x41C80000, v9  }
0x3e: {  	v10 =	vsel vm15, $0x42240000, v10;
	v11 =	vsel vm15, $0x42640000, v11;
	v12 =	vsel vm15, $0x42920000, v12  }
0x3f: {  	v13 =	vsel vm15, $0x42B20000, v13;
	v14 =	vsel vm15, $0x42D20000, v14;
	v15 =	vsel vm15, $0x42F20000, v15  }
0x40: {  	v0 =	vsel vm13, $0xC2EC0000, v0;
	v1 =	vsel vm13, $0xC2CC0000, v1;
	v2 =	vsel vm13, $0xC2AC0000, v2  }
0x41: {  	v3 =	vsel vm13, $0xC28C0000, v3;
	v4 =	vsel vm13, $0xC2580000, v4;
	v5 =	vsel vm13, $0xC2180000, v5  }
0x42: {  	v6 =	vsel vm13, $0xC1B00000, v6;
	v7 =	vsel vm13, $0xC0C00000, v7;
	v8 =	vsel vm13, $0x41200000, v8  }
0x43: {  	v9 =	vsel vm13, $0x41D00000, v9;
	v10 =	vsel vm13, $0x42280000, v10;
	v11 =	vsel vm13, $0x42680000, v11  }
0x44: {  	v12 =	vsel vm13, $0x42940000, v12;
	v13 =	vsel vm13, $0x42B40000, v13;
	v14 =	vsel vm13, $0x42D40000, v14  }
0x45: {  	v15 =	vsel vm13, $0x42F40000, v15;
	v0 =	vsel vm1, $0xC2EA0000, v0;
	v1 =	vsel vm1, $0xC2CA0000, v1  }
0x46: {  	v2 =	vsel vm1, $0xC2AA0000, v2;
	v3 =	vsel vm1, $0xC28A0000, v3;
	v4 =	vsel vm1, $0xC2540000, v4  }
0x47: {  	v5 =	vsel vm1, $0xC2140000, v5;
	v6 =	vsel vm1, $0xC1A80000, v6;
	v7 =	vsel vm1, $0xC0A00000, v7  }
0x48: {  	v8 =	vsel vm1, $0x41300000, v8;
	v9 =	vsel vm1, $0x41D80000, v9;
	v10 =	vsel vm1, $0x422C0000, v10  }
0x49: {  	v11 =	vsel vm1, $0x426C0000, v11;
	v12 =	vsel vm1, $0x42960000, v12;
	v13 =	vsel vm1, $0x42B60000, v13  }
0x4a: {  	v14 =	vsel vm1, $0x42D60000, v14;
	v15 =	vsel vm1, $0x42F60000, v15;
	vm1 =	vcmask $0x3734  }
0x4b: {  	v0 =	vsel vm14, $0xC2E80000, v0;
	v1 =	vsel vm14, $0xC2C80000, v1;
	v2 =	vsel vm14, $0xC2A80000, v2  }
0x4c: {  	v3 =	vsel vm14, $0xC2880000, v3;
	v4 =	vsel vm14, $0xC2500000, v4;
	v5 =	vsel vm14, $0xC2100000, v5  }
0x4d: {  	v6 =	vsel vm14, $0xC1A00000, v6;
	v7 =	vsel vm14, $0xC0800000, v7;
	v8 =	vsel vm14, $0x41400000, v8  }
0x4e: {  	v9 =	vsel vm14, $0x41E00000, v9;
	v10 =	vsel vm14, $0x42300000, v10;
	v11 =	vsel vm14, $0x42700000, v11  }
0x4f: {  	v12 =	vsel vm14, $0x42980000, v12;
	v13 =	vsel vm14, $0x42B80000, v13;
	v14 =	vsel vm14, $0x42D80000, v14  }
0x50: {  	v15 =	vsel vm14, $0x42F80000, v15;
	v0 =	vsel vm1, $0xC2E60000, v0;
	v1 =	vsel vm1, $0xC2C60000, v1  }
0x51: {  	v2 =	vsel vm1, $0xC2A60000, v2;
	v3 =	vsel vm1, $0xC2860000, v3;
	v4 =	vsel vm1, $0xC24C0000, v4  }
0x52: {  	v5 =	vsel vm1, $0xC20C0000, v5;
	v6 =	vsel vm1, $0xC1980000, v6;
	v7 =	vsel vm1, $0xC0400000, v7  }
0x53: {  	v8 =	vsel vm1, $0x41500000, v8;
	v9 =	vsel vm1, $0x41E80000, v9;
	v10 =	vsel vm1, $0x42340000, v10  }
0x54: {  	s0 =	rddreg [dreg:$0x0];
	v11 =	vsel vm1, $0x42740000, v11;
	v12 =	vsel vm1, $0x429A0000, v12;
	v13 =	vsel vm1, $0x42BA0000, v13  }
0x55: {  	s1 =	rddreg [dreg:$0x2];
	s5 =	simm.s32 $0x0;
	v14 =	vsel vm1, $0x42DA0000, v14;
	v15 =	vsel vm1, $0x42FA0000, v15;
	vm1 =	vcmask $0x3B38  }
0x56: {  	[smem:$0x7FF] =	sst s5;
	v0 =	vsel vm1, $0xC2E40000, v0  }
0x57: {  	s3 =	rddreg [dreg:$0x3];
	_ =	strace $0x80000047;
	v49 =	vsel vm1, $0xC2C40000, v1;
	[tilespmem:$0x1FF00] =	vst v0  }
0x58: {  	v50 =	vsel vm1, $0xC2A40000, v2;
	[tilespmem:$0x1FF10] =	vst v49  }
0x59: {  	v51 =	vsel vm1, $0xC2840000, v3;
	[tilespmem:$0x1FF20] =	vst v50  }
0x5a: {  	v52 =	vsel vm1, $0xC2480000, v4;
	[tilespmem:$0x1FF30] =	vst v51  }
0x5b: {  	s2 =	srdreg.scid;
	s4 =	stileid.u32;
	s17 =	simm.s32 $0x5;
	v53 =	vsel vm1, $0xC2080000, v5;
	[tilespmem:$0x1FF40] =	vst v52  }
0x5c: {  	s28 =	simm.s32 $0x10480;
	s29 =	simm.s32 $0x8000;
	s30 =	simm.s32 $0x2;
	v54 =	vsel vm1, $0xC1900000, v6;
	[tilespmem:$0x1FF50] =	vst v53  }
0x5d: {  	s31 =	simm.s32 $0x4;
	s2 =	sand.u32 $0x1, s2;
	s4 =	sshll.u32 s4, $0x15;
	v55 =	vsel vm1, $0xC0000000, v7;
	[tilespmem:$0x1FF60] =	vst v54  }
0x5e: {  	s7 =	sadd.s32 $0x400, s1;
	s22 =	sadd.s32 $0x600, s1;
	s24 =	sadd.s32 $0x800, s1;
	v56 =	vsel vm1, $0x41600000, v8;
	[tilespmem:$0x1FF70] =	vst v55  }
0x5f: {  	s11 =	sadd.s32 $0xA00, s1;
	s1 =	simm.s32 $0x0;
	[dreg:$0x5] =	wrdreg s7;
	v57 =	vsel vm1, $0x41F00000, v9;
	[tilespmem:$0x1FF80] =	vst v56  }
0x60: {  	vm0 =	vmmov $0x1;
	vm2 =	vcmask $0x70C;
	s6 =	sshll.u32 s2, $0x14;
	[dreg:$0x6] =	wrdreg s22;
	s2 =	ssub.s32 $0x2, s2;
	v58 =	vsel vm1, $0x42380000, v10;
	[tilespmem:$0x1FF90] =	vst v57  }
0x61: {  	vm3 =	vcmask $0xB10;
	vm4 =	vcmask $0xF14;
	[dreg:$0x7] =	wrdreg s24;
	s22 =	simm.s32 $0x10280;
	s24 =	simm.s32 $0x4000;
	v59 =	vsel vm1, $0x42780000, v11;
	[tilespmem:$0x1FFA0] =	vst v58  }
.Ltmp0:
0x62: {  	vm5 =	vcmask $0x1318;
	vm6 =	vcmask $0x171C;
	s7 =	sor.u32 s6, s4;
	s25 =	sshrl.u32 s2, $0x1;
	v60 =	vsel vm1, $0x429C0000, v12;
	[tilespmem:$0x1FFB0] =	vst v59;
	(pc) =	sbr.rel .LBB2_1-.Ltmp0, $4  }
0x63: {  	vm7 =	vcmask $0x1B20;
	vm8 =	vcmask $0x1F24;
	s4 =	simm.s32 $0x3;
	s23 =	sshrl.u32 s7, $0x3;
	s26 =	ssub.s32 s2, s25;
	v61 =	vsel vm1, $0x42BC0000, v13;
	[tilespmem:$0x1FFC0] =	vst v60  }
0x64: {  	vm9 =	vcmask $0x2328;
	s13 =	sor.u32 $0x8000, s7;
	s14 =	sor.u32 $0xC000, s7;
	s25 =	simm.s32 $0x1;
	vm10 =	vcmask $0x272C;
	v62 =	vsel vm1, $0x42DC0000, v14;
	[tilespmem:$0x1FFD0] =	vst v61  }
0x65: {  	s2 =	simm.s32 $0xC000;
	s10 =	sadd.s32 s0, s23;
	s15 =	smax.u32 s26, $0x1;
	vm11 =	vcmask $0x2B30;
	vm12 =	vcmask $0x2F34;
	v63 =	vsel vm1, $0x42FC0000, v15;
	[tilespmem:$0x1FFE0] =	vst v62  }
0x66: {  	s23 =	simm.s32 $0x10300;
	s26 =	simm.s32 $0x10380;
	s12 =	sadd.s32 $0x800, s10;
	vm15 =	vmmov $0x7fff;
	vm13 =	vcmask $0x3338;
	vm14 =	vcmask $0x373C;
	[tilespmem:$0x1FFF0] =	vst v63  }
.LBB2_12:
0x67: {  	s1 =	sadd.s32 $0x1, s1  }
0x68: {  	_ =	swait.ge [sflag:s4], $0x4000;
	p0 =	sne.s32 s1, s15  }
.Ltmp1:
0x69: {  	[sflag:s4] =	ssyncset.done $0x0;
	(pc) =	sbr.rel @!p0 .LBB2_13-.Ltmp1, $4  }
0x6a: {  	[sflag:s4] =	ssyncadd.s32 $0xFFFFC000  }
0x6b: {  	_ =	swait.ge [sflag:s31], $0x4000  }
0x6c: {  	[sflag:s31] =	ssyncset.done $0x0  }
0x6d: {  	[sflag:s31] =	ssyncadd.s32 $0xFFFFC000  }
.LBB2_1:
0x6e: {  	s6 =	rddreg [dreg:$0x1];
	s8 =	simm.s32 $0x10000  }
0x6f: {  	[tilespmem:s8], [sflag:$0x5] =	stream.linear.gather [hbm4b:s6+s5], $0x80, $0x38;
	[tilespmem:$0x10580] =	vst v63  }
0x70: {  	_ =	swait.ge [sflag:s17], $0x80  }
0x71: {  	[sflag:s17] =	ssyncset.done $0x0  }
0x72: {  	s9 =	simm.s32 $0x10080;
	s8 =	rddreg [dreg:$0x5];
	[sflag:s17] =	ssyncadd.s32 $0xFFFFFF80  }
0x73: {  	[tilespmem:s9], [sflag:$0x5] =	stream.linear.gather [hbm4b:s8+s5], $0x80, $0x38;
	[tilespmem:$0x10580] =	vst v63  }
0x74: {  	_ =	swait.ge [sflag:s17], $0x80  }
0x75: {  	[sflag:s17] =	ssyncset.done $0x0  }
0x76: {  	s18 =	simm.s32 $0x10100;
	s16 =	rddreg [dreg:$0x6];
	[sflag:s17] =	ssyncadd.s32 $0xFFFFFF80  }
0x77: {  	[tilespmem:s18], [sflag:$0x5] =	stream.linear.gather [hbm4b:s16+s5], $0x80, $0x38;
	[tilespmem:$0x10580] =	vst v63  }
0x78: {  	_ =	swait.ge [sflag:s17], $0x80  }
0x79: {  	[sflag:s17] =	ssyncset.done $0x0  }
0x7a: {  	s20 =	simm.s32 $0x10180;
	s19 =	rddreg [dreg:$0x7];
	[sflag:s17] =	ssyncadd.s32 $0xFFFFFF80  }
0x7b: {  	[tilespmem:s20], [sflag:$0x5] =	stream.linear.gather [hbm4b:s19+s5], $0x80, $0x38;
	[tilespmem:$0x10580] =	vst v63  }
0x7c: {  	_ =	swait.ge [sflag:s17], $0x80  }
0x7d: {  	[sflag:s17] =	ssyncset.done $0x0  }
0x7e: {  	s21 =	simm.s32 $0x10200;
	[sflag:s17] =	ssyncadd.s32 $0xFFFFFF80  }
0x7f: {  	[tilespmem:s21], [sflag:$0x5] =	stream.linear.gather [hbm4b:s11+s5], $0x80, $0x38;
	[tilespmem:$0x10580] =	vst v63  }
0x80: {  	_ =	swait.ge [sflag:s17], $0x80  }
0x81: {  	[sflag:s17] =	ssyncset.done $0x0  }
0x82: {  	[sflag:s17] =	ssyncadd.s32 $0xFFFFFF80  }
0x83: {  	v1 =	vld [tilespmem:$0x10000]  }
0x84: {  	v0 =	vld [tilespmem:$0x10080]  }
0x85: {  	v2 =	vld [tilespmem:$0x10180]  }
0x86: {  	v3 =	vld [tilespmem:$0x10090];
	_ =	sdelay $0x1  }
0x87: {  	vm1 =	vcmask $0x308;
	v18 =	vld [tilespmem:$0x10190];
	v4 =	vnsel vm0, $0x0, v1  }
0x88: {  	v6 =	vimm.s32 $0x0;
	v0 =	vadd.f32 $-7.000000000e+00, v0;
	v42 =	vsel vm1, $0x0, v1;
	(xrf2) =	vadd.scan.msk.f32 $0xffff, v4  }
0x89: {  	v43 =	vsel vm2, $0x0, v1;
	v2 =	vadd.f32 $-7.000000000e+00, v2;
	v44 =	vsel vm3, $0x0, v1;
	(xrf2) =	vadd.scan.msk.f32 $0xffff, v42  }
0x8a: {  	v45 =	vsel vm4, $0x0, v1;
	v3 =	vadd.f32 $-7.000000000e+00, v3;
	v46 =	vsel vm5, $0x0, v1;
	(xrf2) =	vadd.scan.msk.f32 $0xffff, v43  }
0x8b: {  	v47 =	vsel vm6, $0x0, v1;
	v49 =	vsel vm7, $0x0, v1;
	v50 =	vsel vm8, $0x0, v1;
	(xrf2) =	vadd.scan.msk.f32 $0xffff, v44  }
0x8c: {  	v51 =	vadd.f32 $-7.000000000e+00, v18;
	v52 =	vsel vm9, $0x0, v1;
	v0 =	vtrunc.f32 v0;
	(xrf2) =	vadd.scan.msk.f32 $0xffff, v45  }
0x8d: {  	v17 =	vld [tilespmem:$0x10100];
	v53 =	vsel vm10, $0x0, v1;
	v2 =	vtrunc.f32 v2;
	v48 =	vtrunc.f32 v3;
	(xrf2) =	vadd.scan.msk.f32 $0xffff, v46  }
0x8e: {  	v19 =	vld [tilespmem:$0x10200];
	v56 =	vsel vm11, $0x0, v1;
	v54 =	vtrunc.f32 v51;
	v0 =	vcvt.f32.s32 v0;
	(xrf2) =	vadd.scan.msk.f32 $0xffff, v47  }
0x8f: {  	v36 =	vld [tilespmem:$0x10210];
	v58 =	vsel vm12, $0x0, v1;
	v2 =	vcvt.f32.s32 v2;
	v3 =	vcvt.f32.s32 v54;
	(xrf2) =	vadd.scan.msk.f32 $0xffff, v49  }
0x90: {  	v5 =	vld [tilespmem:$0x1FF00];
	v60 =	vsel vm13, $0x0, v1;
	v20 =	vsel vm14, $0x0, v1;
	v0 =	vshll.u32 v0, $0x17;
	(xrf2) =	vadd.scan.msk.f32 $0xffff, v50  }
0x91: {  	v2 =	vshll.u32 v2, $0x17;
	v3 =	vshll.u32 v3, $0x17;
	v0 =	vadd.s32 $0x3F800000, v0;
	(xrf2) =	vadd.scan.msk.f32 $0xffff, v52  }
0x92: {  	v2 =	vadd.s32 $0x3F800000, v2;
	v33 =	vmul.f32 v0, v17;
	v0 =	vcvt.f32.s32 v48;
	v55, _, _ =	vpop (xrf2);
	(xrf2) =	vadd.scan.msk.f32 $0xffff, v53  }
0x93: {  	v3 =	vadd.s32 $0x3F800000, v3;
	v34 =	vmul.f32 v2, v19;
	v57, _, _ =	vpop (xrf2);
	(xrf2) =	vadd.scan.msk.f32 $0xffff, v56;
	v17 =	vbroadcast v55, $0xF  }
0x94: {  	v1 =	vsel vm15, $0x0, v1;
	v36 =	vmul.f32 v3, v36;
	v59, _, _ =	vpop (xrf2);
	(xrf2) =	vadd.scan.msk.f32 $0xffff, v58;
	v18 =	vbroadcast v57, $0xF  }
0x95: {  	v0 =	vshll.u32 v0, $0x17;
	v21, _, _ =	vpop (xrf2);
	(xrf2) =	vadd.scan.msk.f32 $0xffff, v60;
	vm1 =	vle.f32 v17, v5;
	v19 =	vbroadcast v59, $0xF  }
0x96: {  	v61, _, _ =	vpop (xrf2);
	(xrf2) =	vadd.scan.msk.f32 $0xffff, v20;
	v62 =	vsel vm1, $0x1, v6;
	vm1 =	vle.f32 v18, v5;
	v20 =	vbroadcast v21, $0xF  }
0x97: {  	v22, _, _ =	vpop (xrf2);
	(xrf2) =	vadd.scan.msk.f32 $0xffff, v1;
	v63 =	vsel vm1, $0x1, v6;
	vm1 =	vle.f32 v19, v5;
	v21 =	vbroadcast v61, $0xF  }
0x98: {  	v8, _, _ =	vpop (xrf2);
	v37 =	vsel vm1, $0x1, v6;
	vm1 =	vle.f32 v20, v5;
	v22 =	vbroadcast v22, $0xF  }
0x99: {  	v24, _, _ =	vpop (xrf2);
	v38 =	vsel vm1, $0x1, v6;
	vm1 =	vle.f32 v21, v5;
	v23 =	vbroadcast v8, $0xF  }
0x9a: {  	v9, _, _ =	vpop (xrf2);
	v39 =	vsel vm1, $0x1, v6;
	vm1 =	vle.f32 v22, v5;
	v24 =	vbroadcast v24, $0xF  }
0x9b: {  	v26, _, _ =	vpop (xrf2);
	v40 =	vsel vm1, $0x1, v6;
	vm1 =	vle.f32 v23, v5;
	v25 =	vbroadcast v9, $0xF  }
0x9c: {  	v10, _, _ =	vpop (xrf2);
	v41 =	vsel vm1, $0x1, v6;
	vm1 =	vle.f32 v24, v5;
	v26 =	vbroadcast v26, $0xF  }
0x9d: {  	v28, _, _ =	vpop (xrf2);
	v42 =	vsel vm1, $0x1, v6;
	vm1 =	vle.f32 v25, v5;
	v27 =	vbroadcast v10, $0xF  }
0x9e: {  	v11, _, _ =	vpop (xrf2);
	v43 =	vsel vm1, $0x1, v6;
	vm1 =	vle.f32 v26, v5;
	v28 =	vbroadcast v28, $0xF  }
0x9f: {  	v35 =	vld [tilespmem:$0x10110];
	v30, _, _ =	vpop (xrf2);
	v44 =	vsel vm1, $0x1, v6;
	vm1 =	vle.f32 v27, v5;
	v29 =	vbroadcast v11, $0xF  }
0xa0: {  	v15 =	vld [tilespmem:$0x1FF10];
	v12, _, _ =	vpop (xrf2);
	v45 =	vsel vm1, $0x1, v6;
	vm1 =	vle.f32 v28, v5;
	v30 =	vbroadcast v30, $0xF  }
0xa1: {  	v31, _, _ =	vpop (xrf2);
	v46 =	vsel vm1, $0x1, v6;
	vm1 =	vle.f32 v29, v5;
	v32 =	vbroadcast v12, $0xF  }
0xa2: {  	v13 =	vsel vm1, $0x1, v6;
	vm1 =	vle.f32 v30, v5;
	v31 =	vbroadcast v31, $0xF  }
0xa3: {  	v0 =	vadd.s32 $0x3F800000, v0;
	v14 =	vsel vm1, $0x1, v6;
	vm1 =	vle.f32 v32, v5  }
0xa4: {  	v35 =	vmul.f32 v0, v35;
	v47 =	vsel vm1, $0x1, v6;
	vm1 =	vle.f32 v31, v5  }
0xa5: {  	v1 =	vadd.s32 v63, v62;
	v48 =	vsel vm1, $0x1, v6;
	vm1 =	vle.f32 v17, v15  }
0xa6: {  	v1 =	vadd.s32 v37, v1;
	v16 =	vsel vm1, $0x1, v6;
	vm1 =	vle.f32 v18, v15  }
0xa7: {  	v1 =	vadd.s32 v38, v1;
	v52 =	vsel vm1, $0x1, v6;
	vm1 =	vle.f32 v19, v15  }
0xa8: {  	v1 =	vadd.s32 v39, v1;
	v49 =	vsel vm1, $0x1, v6;
	vm1 =	vle.f32 v20, v15  }
0xa9: {  	v1 =	vadd.s32 v40, v1;
	v53 =	vsel vm1, $0x1, v6;
	vm1 =	vle.f32 v21, v15  }
0xaa: {  	v1 =	vadd.s32 v41, v1;
	v54 =	vsel vm1, $0x1, v6;
	vm1 =	vle.f32 v22, v15  }
0xab: {  	v1 =	vadd.s32 v42, v1;
	v55 =	vsel vm1, $0x1, v6;
	vm1 =	vle.f32 v23, v15  }
0xac: {  	v1 =	vadd.s32 v43, v1;
	v56 =	vsel vm1, $0x1, v6;
	vm1 =	vle.f32 v24, v15  }
0xad: {  	v1 =	vadd.s32 v44, v1;
	v57 =	vsel vm1, $0x1, v6;
	vm1 =	vle.f32 v25, v15  }
0xae: {  	v1 =	vadd.s32 v45, v1;
	v58 =	vsel vm1, $0x1, v6;
	vm1 =	vle.f32 v26, v15  }
0xaf: {  	v1 =	vadd.s32 v46, v1;
	v59 =	vsel vm1, $0x1, v6;
	vm1 =	vle.f32 v27, v15  }
0xb0: {  	v10 =	vld [tilespmem:$0x1FF20];
	v1 =	vadd.s32 v13, v1;
	v60 =	vsel vm1, $0x1, v6;
	vm1 =	vle.f32 v28, v15  }
0xb1: {  	v0 =	vadd.s32 v14, v1;
	v61 =	vsel vm1, $0x1, v6;
	vm1 =	vle.f32 v29, v15  }
0xb2: {  	v0 =	vadd.s32 v47, v0;
	v62 =	vsel vm1, $0x1, v6;
	vm1 =	vle.f32 v30, v15  }
0xb3: {  	v37 =	vadd.s32 v48, v0;
	v63 =	vsel vm1, $0x1, v6;
	vm1 =	vle.f32 v32, v15  }
0xb4: {  	v3 =	vadd.s32 v52, v16;
	v8 =	vsel vm1, $0x1, v6;
	vm1 =	vle.f32 v31, v15  }
0xb5: {  	v3 =	vadd.s32 v49, v3;
	v9 =	vsel vm1, $0x1, v6;
	vm1 =	vle.f32 v17, v10  }
0xb6: {  	v3 =	vadd.s32 v53, v3;
	v11 =	vsel vm1, $0x1, v6;
	vm1 =	vle.f32 v18, v10  }
0xb7: {  	v3 =	vadd.s32 v54, v3;
	v12 =	vsel vm1, $0x1, v6;
	vm1 =	vle.f32 v19, v10  }
0xb8: {  	v3 =	vadd.s32 v55, v3;
	v13 =	vsel vm1, $0x1, v6;
	vm1 =	vle.f32 v20, v10  }
0xb9: {  	v3 =	vadd.s32 v56, v3;
	v14 =	vsel vm1, $0x1, v6;
	vm1 =	vle.f32 v21, v10  }
0xba: {  	v3 =	vadd.s32 v57, v3;
	v15 =	vsel vm1, $0x1, v6;
	vm1 =	vle.f32 v22, v10  }
0xbb: {  	v3 =	vadd.s32 v58, v3;
	v16 =	vsel vm1, $0x1, v6;
	vm1 =	vle.f32 v23, v10  }
0xbc: {  	v3 =	vadd.s32 v59, v3;
	v52 =	vsel vm1, $0x1, v6;
	vm1 =	vle.f32 v24, v10  }
0xbd: {  	v3 =	vadd.s32 v60, v3;
	v53 =	vsel vm1, $0x1, v6;
	vm1 =	vle.f32 v25, v10  }
0xbe: {  	v3 =	vadd.s32 v61, v3;
	v54 =	vsel vm1, $0x1, v6;
	vm1 =	vle.f32 v26, v10  }
0xbf: {  	v2 =	vadd.s32 v62, v3;
	v55 =	vsel vm1, $0x1, v6;
	vm1 =	vle.f32 v27, v10  }
0xc0: {  	v1 =	vadd.s32 v63, v2;
	v63 =	vld [tilespmem:$0x1FF30];
	v56 =	vsel vm1, $0x1, v6;
	vm1 =	vle.f32 v28, v10  }
0xc1: {  	v1 =	vadd.s32 v8, v1;
	v57 =	vsel vm1, $0x1, v6;
	vm1 =	vle.f32 v29, v10  }
0xc2: {  	v38 =	vadd.s32 v9, v1;
	v58 =	vsel vm1, $0x1, v6;
	vm1 =	vle.f32 v30, v10  }
0xc3: {  	v61 =	vadd.s32 v12, v11;
	v59 =	vsel vm1, $0x1, v6;
	vm1 =	vle.f32 v32, v10  }
0xc4: {  	v1 =	vadd.s32 v13, v61;
	v60 =	vsel vm1, $0x1, v6;
	vm1 =	vle.f32 v31, v10  }
0xc5: {  	v1 =	vadd.s32 v14, v1;
	v62 =	vsel vm1, $0x1, v6;
	vm1 =	vle.f32 v17, v63  }
0xc6: {  	v1 =	vadd.s32 v15, v1;
	v8 =	vsel vm1, $0x1, v6;
	vm1 =	vle.f32 v18, v63  }
0xc7: {  	v1 =	vadd.s32 v16, v1;
	v9 =	vsel vm1, $0x1, v6;
	vm1 =	vle.f32 v19, v63  }
0xc8: {  	v1 =	vadd.s32 v52, v1;
	v10 =	vsel vm1, $0x1, v6;
	vm1 =	vle.f32 v20, v63  }
0xc9: {  	v1 =	vadd.s32 v53, v1;
	v11 =	vsel vm1, $0x1, v6;
	vm1 =	vle.f32 v21, v63  }
0xca: {  	v1 =	vadd.s32 v54, v1;
	v12 =	vsel vm1, $0x1, v6;
	vm1 =	vle.f32 v22, v63  }
0xcb: {  	v1 =	vadd.s32 v55, v1;
	v13 =	vsel vm1, $0x1, v6;
	vm1 =	vle.f32 v23, v63  }
0xcc: {  	v1 =	vadd.s32 v56, v1;
	v14 =	vsel vm1, $0x1, v6;
	vm1 =	vle.f32 v24, v63  }
0xcd: {  	v1 =	vadd.s32 v57, v1;
	v15 =	vsel vm1, $0x1, v6;
	vm1 =	vle.f32 v25, v63  }
0xce: {  	v1 =	vadd.s32 v58, v1;
	v16 =	vsel vm1, $0x1, v6;
	vm1 =	vle.f32 v26, v63  }
0xcf: {  	v1 =	vadd.s32 v59, v1;
	v52 =	vsel vm1, $0x1, v6;
	vm1 =	vle.f32 v27, v63  }
0xd0: {  	v0 =	vadd.s32 v60, v1;
	v60 =	vld [tilespmem:$0x1FF40];
	v53 =	vsel vm1, $0x1, v6;
	vm1 =	vle.f32 v28, v63  }
0xd1: {  	v54 =	vsel vm1, $0x1, v6;
	vm1 =	vle.f32 v29, v63  }
0xd2: {  	v55 =	vsel vm1, $0x1, v6;
	vm1 =	vle.f32 v30, v63  }
0xd3: {  	v39 =	vadd.s32 v62, v0;
	v56 =	vsel vm1, $0x1, v6;
	vm1 =	vle.f32 v32, v63  }
0xd4: {  	v57 =	vadd.s32 v9, v8;
	v58 =	vsel vm1, $0x1, v6;
	vm1 =	vle.f32 v31, v63  }
0xd5: {  	v4 =	vadd.s32 v10, v57;
	v59 =	vsel vm1, $0x1, v6;
	vm1 =	vle.f32 v17, v60  }
0xd6: {  	v4 =	vadd.s32 v11, v4;
	v61 =	vsel vm1, $0x1, v6;
	vm1 =	vle.f32 v18, v60  }
0xd7: {  	v4 =	vadd.s32 v12, v4;
	v62 =	vsel vm1, $0x1, v6;
	vm1 =	vle.f32 v19, v60  }
0xd8: {  	v4 =	vadd.s32 v13, v4;
	v63 =	vsel vm1, $0x1, v6;
	vm1 =	vle.f32 v20, v60  }
0xd9: {  	v4 =	vadd.s32 v14, v4;
	v8 =	vsel vm1, $0x1, v6;
	vm1 =	vle.f32 v21, v60  }
0xda: {  	v4 =	vadd.s32 v15, v4;
	v9 =	vsel vm1, $0x1, v6;
	vm1 =	vle.f32 v22, v60  }
0xdb: {  	v4 =	vadd.s32 v16, v4;
	v10 =	vsel vm1, $0x1, v6;
	vm1 =	vle.f32 v23, v60  }
0xdc: {  	v3 =	vadd.s32 v52, v4;
	v11 =	vsel vm1, $0x1, v6;
	vm1 =	vle.f32 v24, v60  }
0xdd: {  	v2 =	vadd.s32 v53, v3;
	v12 =	vsel vm1, $0x1, v6;
	vm1 =	vle.f32 v25, v60  }
0xde: {  	v2 =	vadd.s32 v54, v2;
	v13 =	vsel vm1, $0x1, v6;
	vm1 =	vle.f32 v26, v60  }
0xdf: {  	v1 =	vadd.s32 v55, v2;
	v14 =	vsel vm1, $0x1, v6;
	vm1 =	vle.f32 v27, v60  }
0xe0: {  	v54 =	vld [tilespmem:$0x1FF50];
	v0 =	vadd.s32 v56, v1;
	v15 =	vsel vm1, $0x1, v6;
	vm1 =	vle.f32 v28, v60  }
0xe1: {  	v0 =	vadd.s32 v58, v0;
	v16 =	vsel vm1, $0x1, v6;
	vm1 =	vle.f32 v29, v60  }
0xe2: {  	v40 =	vadd.s32 v59, v0;
	v49 =	vsel vm1, $0x1, v6;
	vm1 =	vle.f32 v30, v60  }
0xe3: {  	[tilespmem:$0x10280] =	vst v33;
	v50 =	vadd.s32 v62, v61;
	v51 =	vsel vm1, $0x1, v6;
	vm1 =	vle.f32 v32, v60  }
0xe4: {  	[tilespmem:$0x10300] =	vst v34;
	v33 =	vadd.s32 v63, v50;
	v52 =	vsel vm1, $0x1, v6;
	vm1 =	vle.f32 v31, v60  }
0xe5: {  	[tilespmem:$0x10310] =	vst v36;
	v33 =	vadd.s32 v8, v33;
	v53 =	vsel vm1, $0x1, v6;
	vm1 =	vle.f32 v17, v54  }
0xe6: {  	[tilespmem:$0x10290] =	vst v35;
	v33 =	vadd.s32 v9, v33;
	v55 =	vsel vm1, $0x1, v6;
	vm1 =	vle.f32 v18, v54  }
0xe7: {  	v56 =	vld.idx.msk [tilespmem:v37+s22+$0x0], $0xffff;
	v33 =	vadd.s32 v10, v33;
	v57 =	vsel vm1, $0x1, v6;
	vm1 =	vle.f32 v19, v54  }
0xe8: {  	v4 =	vadd.s32 v11, v33;
	v58 =	vsel vm1, $0x1, v6;
	vm1 =	vle.f32 v20, v54  }
0xe9: {  	v3 =	vadd.s32 v12, v4;
	v59 =	vsel vm1, $0x1, v6;
	vm1 =	vle.f32 v21, v54  }
0xea: {  	v3 =	vadd.s32 v13, v3;
	v60 =	vsel vm1, $0x1, v6;
	vm1 =	vle.f32 v22, v54  }
0xeb: {  	v2 =	vadd.s32 v14, v3;
	v61 =	vsel vm1, $0x1, v6;
	vm1 =	vle.f32 v23, v54  }
0xec: {  	[tilespmem:$0x10380] =	vst v56;
	v1 =	vadd.s32 v15, v2;
	v62 =	vsel vm1, $0x1, v6;
	vm1 =	vle.f32 v24, v54  }
0xed: {  	v37 =	vld.idx.msk [tilespmem:v37+s23+$0x0], $0xffff;
	v1 =	vadd.s32 v16, v1;
	v63 =	vsel vm1, $0x1, v6;
	vm1 =	vle.f32 v25, v54  }
0xee: {  	v0 =	vadd.s32 v49, v1;
	v8 =	vsel vm1, $0x1, v6;
	vm1 =	vle.f32 v26, v54  }
0xef: {  	v0 =	vadd.s32 v51, v0;
	v9 =	vsel vm1, $0x1, v6;
	vm1 =	vle.f32 v27, v54  }
0xf0: {  	v46 =	vld [tilespmem:$0x1FF60];
	v0 =	vadd.s32 v52, v0;
	v10 =	vsel vm1, $0x1, v6;
	vm1 =	vle.f32 v28, v54  }
0xf1: {  	v33 =	vadd.s32 v53, v0;
	v11 =	vsel vm1, $0x1, v6;
	vm1 =	vle.f32 v29, v54  }
0xf2: {  	[tilespmem:$0x10480] =	vst v37;
	v12 =	vadd.s32 v57, v55;
	v13 =	vsel vm1, $0x1, v6;
	vm1 =	vle.f32 v30, v54  }
0xf3: {  	v37 =	vld.idx.msk [tilespmem:v38+s22+$0x0], $0xffff;
	v35 =	vadd.s32 v58, v12;
	v14 =	vsel vm1, $0x1, v6;
	vm1 =	vle.f32 v32, v54  }
0xf4: {  	v4 =	vadd.s32 v59, v35;
	v15 =	vsel vm1, $0x1, v6;
	vm1 =	vle.f32 v31, v54  }
0xf5: {  	v4 =	vadd.s32 v60, v4;
	v16 =	vsel vm1, $0x1, v6;
	vm1 =	vle.f32 v17, v46  }
0xf6: {  	v3 =	vadd.s32 v61, v4;
	v47 =	vsel vm1, $0x1, v6;
	vm1 =	vle.f32 v18, v46  }
0xf7: {  	v2 =	vadd.s32 v62, v3;
	v48 =	vsel vm1, $0x1, v6;
	vm1 =	vle.f32 v19, v46  }
0xf8: {  	[tilespmem:$0x10390] =	vst v37;
	v2 =	vadd.s32 v63, v2;
	v49 =	vsel vm1, $0x1, v6;
	vm1 =	vle.f32 v20, v46  }
0xf9: {  	v38 =	vld.idx.msk [tilespmem:v38+s23+$0x0], $0xffff;
	v1 =	vadd.s32 v8, v2;
	v50 =	vsel vm1, $0x1, v6;
	vm1 =	vle.f32 v21, v46  }
0xfa: {  	v1 =	vadd.s32 v9, v1;
	v51 =	vsel vm1, $0x1, v6;
	vm1 =	vle.f32 v22, v46  }
0xfb: {  	v1 =	vadd.s32 v10, v1;
	v52 =	vsel vm1, $0x1, v6;
	vm1 =	vle.f32 v23, v46  }
0xfc: {  	v0 =	vadd.s32 v11, v1;
	v53 =	vsel vm1, $0x1, v6;
	vm1 =	vle.f32 v24, v46  }
0xfd: {  	v0 =	vadd.s32 v13, v0;
	v54 =	vsel vm1, $0x1, v6;
	vm1 =	vle.f32 v25, v46  }
0xfe: {  	[tilespmem:$0x10490] =	vst v38;
	v0 =	vadd.s32 v14, v0;
	v55 =	vsel vm1, $0x1, v6;
	vm1 =	vle.f32 v26, v46  }
0xff: {  	v56 =	vld.idx.msk [tilespmem:v39+s22+$0x0], $0xffff;
	v0 =	vadd.s32 v15, v0;
	v57 =	vsel vm1, $0x1, v6;
	vm1 =	vle.f32 v27, v46  }
0x100: {  	v8 =	vld [tilespmem:$0x1FF70];
	v0 =	vadd.s32 v16, v0;
	v58 =	vsel vm1, $0x1, v6;
	vm1 =	vle.f32 v28, v46  }
0x101: {  	v3 =	vadd.s32 v48, v47;
	v59 =	vsel vm1, $0x1, v6;
	vm1 =	vle.f32 v29, v46  }
0x102: {  	v3 =	vadd.s32 v49, v3;
	v60 =	vsel vm1, $0x1, v6;
	vm1 =	vle.f32 v30, v46  }
0x103: {  	v2 =	vadd.s32 v50, v3;
	v61 =	vsel vm1, $0x1, v6;
	vm1 =	vle.f32 v32, v46  }
0x104: {  	[tilespmem:$0x103A0] =	vst v56;
	v2 =	vadd.s32 v51, v2;
	v62 =	vsel vm1, $0x1, v6;
	vm1 =	vle.f32 v31, v46  }
0x105: {  	v39 =	vld.idx.msk [tilespmem:v39+s23+$0x0], $0xffff;
	v2 =	vadd.s32 v52, v2;
	v63 =	vsel vm1, $0x1, v6;
	vm1 =	vle.f32 v17, v8  }
0x106: {  	v1 =	vadd.s32 v53, v2;
	v9 =	vsel vm1, $0x1, v6;
	vm1 =	vle.f32 v18, v8  }
0x107: {  	v1 =	vadd.s32 v54, v1;
	v10 =	vsel vm1, $0x1, v6;
	vm1 =	vle.f32 v19, v8  }
0x108: {  	v1 =	vadd.s32 v55, v1;
	v11 =	vsel vm1, $0x1, v6;
	vm1 =	vle.f32 v20, v8  }
0x109: {  	v1 =	vadd.s32 v57, v1;
	v12 =	vsel vm1, $0x1, v6;
	vm1 =	vle.f32 v21, v8  }
0x10a: {  	[tilespmem:$0x104A0] =	vst v39;
	v1 =	vadd.s32 v58, v1;
	v13 =	vsel vm1, $0x1, v6;
	vm1 =	vle.f32 v22, v8  }
0x10b: {  	v42 =	vld.idx.msk [tilespmem:v40+s22+$0x0], $0xffff;
	v1 =	vadd.s32 v59, v1;
	v14 =	vsel vm1, $0x1, v6;
	vm1 =	vle.f32 v23, v8  }
0x10c: {  	v1 =	vadd.s32 v60, v1;
	v15 =	vsel vm1, $0x1, v6;
	vm1 =	vle.f32 v24, v8  }
0x10d: {  	v1 =	vadd.s32 v61, v1;
	v16 =	vsel vm1, $0x1, v6;
	vm1 =	vle.f32 v25, v8  }
0x10e: {  	v1 =	vadd.s32 v62, v1;
	v44 =	vsel vm1, $0x1, v6;
	vm1 =	vle.f32 v26, v8  }
0x10f: {  	v1 =	vadd.s32 v63, v1;
	v45 =	vsel vm1, $0x1, v6;
	vm1 =	vle.f32 v27, v8  }
0x110: {  	v52 =	vld [tilespmem:$0x1FF80];
	[tilespmem:$0x103B0] =	vst v42;
	v2 =	vadd.s32 v10, v9;
	v46 =	vsel vm1, $0x1, v6;
	vm1 =	vle.f32 v28, v8  }
0x111: {  	v40 =	vld.idx.msk [tilespmem:v40+s23+$0x0], $0xffff;
	v2 =	vadd.s32 v11, v2;
	v47 =	vsel vm1, $0x1, v6;
	vm1 =	vle.f32 v29, v8  }
0x112: {  	v2 =	vadd.s32 v12, v2;
	v48 =	vsel vm1, $0x1, v6;
	vm1 =	vle.f32 v30, v8  }
0x113: {  	v2 =	vadd.s32 v13, v2;
	v49 =	vsel vm1, $0x1, v6;
	vm1 =	vle.f32 v32, v8  }
0x114: {  	v2 =	vadd.s32 v14, v2;
	v50 =	vsel vm1, $0x1, v6;
	vm1 =	vle.f32 v31, v8  }
0x115: {  	v2 =	vadd.s32 v15, v2;
	v51 =	vsel vm1, $0x1, v6;
	vm1 =	vle.f32 v17, v52  }
0x116: {  	[tilespmem:$0x104B0] =	vst v40;
	v2 =	vadd.s32 v16, v2;
	v53 =	vsel vm1, $0x1, v6;
	vm1 =	vle.f32 v18, v52  }
0x117: {  	v40 =	vld.idx.msk [tilespmem:v33+s22+$0x0], $0xffff;
	v2 =	vadd.s32 v44, v2;
	v54 =	vsel vm1, $0x1, v6;
	vm1 =	vle.f32 v19, v52  }
0x118: {  	v2 =	vadd.s32 v45, v2;
	v55 =	vsel vm1, $0x1, v6;
	vm1 =	vle.f32 v20, v52  }
0x119: {  	v2 =	vadd.s32 v46, v2;
	v56 =	vsel vm1, $0x1, v6;
	vm1 =	vle.f32 v21, v52  }
0x11a: {  	v2 =	vadd.s32 v47, v2;
	v57 =	vsel vm1, $0x1, v6;
	vm1 =	vle.f32 v22, v52  }
0x11b: {  	v2 =	vadd.s32 v48, v2;
	v58 =	vsel vm1, $0x1, v6;
	vm1 =	vle.f32 v23, v52  }
0x11c: {  	[tilespmem:$0x103C0] =	vst v40;
	v2 =	vadd.s32 v49, v2;
	v59 =	vsel vm1, $0x1, v6;
	vm1 =	vle.f32 v24, v52  }
0x11d: {  	v33 =	vld.idx.msk [tilespmem:v33+s23+$0x0], $0xffff;
	v2 =	vadd.s32 v50, v2;
	v60 =	vsel vm1, $0x1, v6;
	vm1 =	vle.f32 v25, v52  }
0x11e: {  	v2 =	vadd.s32 v51, v2;
	v61 =	vsel vm1, $0x1, v6;
	vm1 =	vle.f32 v26, v52  }
0x11f: {  	v3 =	vadd.s32 v54, v53;
	v62 =	vsel vm1, $0x1, v6;
	vm1 =	vle.f32 v27, v52  }
0x120: {  	v14 =	vld [tilespmem:$0x1FF90];
	v3 =	vadd.s32 v55, v3;
	v63 =	vsel vm1, $0x1, v6;
	vm1 =	vle.f32 v28, v52  }
0x121: {  	v3 =	vadd.s32 v56, v3;
	v8 =	vsel vm1, $0x1, v6;
	vm1 =	vle.f32 v29, v52  }
0x122: {  	[tilespmem:$0x104C0] =	vst v33;
	v3 =	vadd.s32 v57, v3;
	v9 =	vsel vm1, $0x1, v6;
	vm1 =	vle.f32 v30, v52  }
0x123: {  	v10 =	vld.idx.msk [tilespmem:v0+s22+$0x0], $0xffff;
	v3 =	vadd.s32 v58, v3;
	v11 =	vsel vm1, $0x1, v6;
	vm1 =	vle.f32 v32, v52  }
0x124: {  	v3 =	vadd.s32 v59, v3;
	v12 =	vsel vm1, $0x1, v6;
	vm1 =	vle.f32 v31, v52  }
0x125: {  	v3 =	vadd.s32 v60, v3;
	v13 =	vsel vm1, $0x1, v6;
	vm1 =	vle.f32 v17, v14  }
0x126: {  	v3 =	vadd.s32 v61, v3;
	v15 =	vsel vm1, $0x1, v6;
	vm1 =	vle.f32 v18, v14  }
0x127: {  	v3 =	vadd.s32 v62, v3;
	v16 =	vsel vm1, $0x1, v6;
	vm1 =	vle.f32 v19, v14  }
0x128: {  	[tilespmem:$0x103D0] =	vst v10;
	v3 =	vadd.s32 v63, v3;
	v44 =	vsel vm1, $0x1, v6;
	vm1 =	vle.f32 v20, v14  }
0x129: {  	v0 =	vld.idx.msk [tilespmem:v0+s23+$0x0], $0xffff;
	v3 =	vadd.s32 v8, v3;
	v45 =	vsel vm1, $0x1, v6;
	vm1 =	vle.f32 v21, v14  }
0x12a: {  	v3 =	vadd.s32 v9, v3;
	v46 =	vsel vm1, $0x1, v6;
	vm1 =	vle.f32 v22, v14  }
0x12b: {  	v3 =	vadd.s32 v11, v3;
	v47 =	vsel vm1, $0x1, v6;
	vm1 =	vle.f32 v23, v14  }
0x12c: {  	v3 =	vadd.s32 v12, v3;
	v48 =	vsel vm1, $0x1, v6;
	vm1 =	vle.f32 v24, v14  }
0x12d: {  	v3 =	vadd.s32 v13, v3;
	v49 =	vsel vm1, $0x1, v6;
	vm1 =	vle.f32 v25, v14  }
0x12e: {  	[tilespmem:$0x104D0] =	vst v0;
	v50 =	vadd.s32 v16, v15;
	v51 =	vsel vm1, $0x1, v6;
	vm1 =	vle.f32 v26, v14  }
0x12f: {  	v52 =	vld.idx.msk [tilespmem:v1+s22+$0x0], $0xffff;
	v0 =	vadd.s32 v44, v50;
	v53 =	vsel vm1, $0x1, v6;
	vm1 =	vle.f32 v27, v14  }
0x130: {  	v60 =	vld [tilespmem:$0x1FFA0];
	v0 =	vadd.s32 v45, v0;
	v54 =	vsel vm1, $0x1, v6;
	vm1 =	vle.f32 v28, v14  }
0x131: {  	v0 =	vadd.s32 v46, v0;
	v55 =	vsel vm1, $0x1, v6;
	vm1 =	vle.f32 v29, v14  }
0x132: {  	v0 =	vadd.s32 v47, v0;
	v56 =	vsel vm1, $0x1, v6;
	vm1 =	vle.f32 v30, v14  }
0x133: {  	v0 =	vadd.s32 v48, v0;
	v57 =	vsel vm1, $0x1, v6;
	vm1 =	vle.f32 v32, v14  }
0x134: {  	[tilespmem:$0x103E0] =	vst v52;
	v0 =	vadd.s32 v49, v0;
	v58 =	vsel vm1, $0x1, v6;
	vm1 =	vle.f32 v31, v14  }
0x135: {  	v1 =	vld.idx.msk [tilespmem:v1+s23+$0x0], $0xffff;
	v0 =	vadd.s32 v51, v0;
	v59 =	vsel vm1, $0x1, v6;
	vm1 =	vle.f32 v17, v60  }
0x136: {  	v0 =	vadd.s32 v53, v0;
	v61 =	vsel vm1, $0x1, v6;
	vm1 =	vle.f32 v18, v60  }
0x137: {  	v0 =	vadd.s32 v54, v0;
	v62 =	vsel vm1, $0x1, v6;
	vm1 =	vle.f32 v19, v60  }
0x138: {  	v0 =	vadd.s32 v55, v0;
	v63 =	vsel vm1, $0x1, v6;
	vm1 =	vle.f32 v20, v60  }
0x139: {  	v0 =	vadd.s32 v56, v0;
	v8 =	vsel vm1, $0x1, v6;
	vm1 =	vle.f32 v21, v60  }
0x13a: {  	[tilespmem:$0x104E0] =	vst v1;
	v0 =	vadd.s32 v57, v0;
	v9 =	vsel vm1, $0x1, v6;
	vm1 =	vle.f32 v22, v60  }
0x13b: {  	v10 =	vld.idx.msk [tilespmem:v2+s22+$0x0], $0xffff;
	v0 =	vadd.s32 v58, v0;
	v11 =	vsel vm1, $0x1, v6;
	vm1 =	vle.f32 v23, v60  }
0x13c: {  	v0 =	vadd.s32 v59, v0;
	v12 =	vsel vm1, $0x1, v6;
	vm1 =	vle.f32 v24, v60  }
0x13d: {  	v34 =	vadd.s32 v62, v61;
	v13 =	vsel vm1, $0x1, v6;
	vm1 =	vle.f32 v25, v60  }
0x13e: {  	v33 =	vadd.s32 v63, v34;
	v14 =	vsel vm1, $0x1, v6;
	vm1 =	vle.f32 v26, v60  }
0x13f: {  	v33 =	vadd.s32 v8, v33;
	v15 =	vsel vm1, $0x1, v6;
	vm1 =	vle.f32 v27, v60  }
0x140: {  	v45 =	vld [tilespmem:$0x1FFB0];
	[tilespmem:$0x103F0] =	vst v10;
	v1 =	vadd.s32 v9, v33;
	v16 =	vsel vm1, $0x1, v6;
	vm1 =	vle.f32 v28, v60  }
0x141: {  	v2 =	vld.idx.msk [tilespmem:v2+s23+$0x0], $0xffff;
	v1 =	vadd.s32 v11, v1;
	v40 =	vsel vm1, $0x1, v6;
	vm1 =	vle.f32 v29, v60  }
0x142: {  	v1 =	vadd.s32 v12, v1;
	v41 =	vsel vm1, $0x1, v6;
	vm1 =	vle.f32 v30, v60  }
0x143: {  	v1 =	vadd.s32 v13, v1;
	v42 =	vsel vm1, $0x1, v6;
	vm1 =	vle.f32 v32, v60  }
0x144: {  	v1 =	vadd.s32 v14, v1;
	v43 =	vsel vm1, $0x1, v6;
	vm1 =	vle.f32 v31, v60  }
0x145: {  	v1 =	vadd.s32 v15, v1;
	v44 =	vsel vm1, $0x1, v6;
	vm1 =	vle.f32 v17, v45  }
0x146: {  	[tilespmem:$0x104F0] =	vst v2;
	v1 =	vadd.s32 v16, v1;
	v46 =	vsel vm1, $0x1, v6;
	vm1 =	vle.f32 v18, v45  }
0x147: {  	v47 =	vld.idx.msk [tilespmem:v3+s22+$0x0], $0xffff;
	v1 =	vadd.s32 v40, v1;
	v48 =	vsel vm1, $0x1, v6;
	vm1 =	vle.f32 v19, v45  }
0x148: {  	v1 =	vadd.s32 v41, v1;
	v49 =	vsel vm1, $0x1, v6;
	vm1 =	vle.f32 v20, v45  }
0x149: {  	v1 =	vadd.s32 v42, v1;
	v50 =	vsel vm1, $0x1, v6;
	vm1 =	vle.f32 v21, v45  }
0x14a: {  	v1 =	vadd.s32 v43, v1;
	v51 =	vsel vm1, $0x1, v6;
	vm1 =	vle.f32 v22, v45  }
0x14b: {  	v1 =	vadd.s32 v44, v1;
	v52 =	vsel vm1, $0x1, v6;
	vm1 =	vle.f32 v23, v45  }
0x14c: {  	[tilespmem:$0x10400] =	vst v47;
	v2 =	vadd.s32 v48, v46;
	v53 =	vsel vm1, $0x1, v6;
	vm1 =	vle.f32 v24, v45  }
0x14d: {  	v3 =	vld.idx.msk [tilespmem:v3+s23+$0x0], $0xffff;
	v2 =	vadd.s32 v49, v2;
	v54 =	vsel vm1, $0x1, v6;
	vm1 =	vle.f32 v25, v45  }
0x14e: {  	v2 =	vadd.s32 v50, v2;
	v55 =	vsel vm1, $0x1, v6;
	vm1 =	vle.f32 v26, v45  }
0x14f: {  	v2 =	vadd.s32 v51, v2;
	v56 =	vsel vm1, $0x1, v6;
	vm1 =	vle.f32 v27, v45  }
0x150: {  	v8 =	vld [tilespmem:$0x1FFC0];
	v2 =	vadd.s32 v52, v2;
	v57 =	vsel vm1, $0x1, v6;
	vm1 =	vle.f32 v28, v45  }
0x151: {  	v2 =	vadd.s32 v53, v2;
	v58 =	vsel vm1, $0x1, v6;
	vm1 =	vle.f32 v29, v45  }
0x152: {  	[tilespmem:$0x10500] =	vst v3;
	v2 =	vadd.s32 v54, v2;
	v59 =	vsel vm1, $0x1, v6;
	vm1 =	vle.f32 v30, v45  }
0x153: {  	v60 =	vld.idx.msk [tilespmem:v0+s22+$0x0], $0xffff;
	v2 =	vadd.s32 v55, v2;
	v61 =	vsel vm1, $0x1, v6;
	vm1 =	vle.f32 v32, v45  }
0x154: {  	v2 =	vadd.s32 v56, v2;
	v62 =	vsel vm1, $0x1, v6;
	vm1 =	vle.f32 v31, v45  }
0x155: {  	v2 =	vadd.s32 v57, v2;
	v63 =	vsel vm1, $0x1, v6;
	vm1 =	vle.f32 v17, v8  }
0x156: {  	v2 =	vadd.s32 v58, v2;
	v9 =	vsel vm1, $0x1, v6;
	vm1 =	vle.f32 v18, v8  }
0x157: {  	v2 =	vadd.s32 v59, v2;
	v10 =	vsel vm1, $0x1, v6;
	vm1 =	vle.f32 v19, v8  }
0x158: {  	[tilespmem:$0x10410] =	vst v60;
	v2 =	vadd.s32 v61, v2;
	v11 =	vsel vm1, $0x1, v6;
	vm1 =	vle.f32 v20, v8  }
0x159: {  	v0 =	vld.idx.msk [tilespmem:v0+s23+$0x0], $0xffff;
	v2 =	vadd.s32 v62, v2;
	v12 =	vsel vm1, $0x1, v6;
	vm1 =	vle.f32 v21, v8  }
0x15a: {  	v2 =	vadd.s32 v63, v2;
	v13 =	vsel vm1, $0x1, v6;
	vm1 =	vle.f32 v22, v8  }
0x15b: {  	v3 =	vadd.s32 v10, v9;
	v14 =	vsel vm1, $0x1, v6;
	vm1 =	vle.f32 v23, v8  }
0x15c: {  	v3 =	vadd.s32 v11, v3;
	v15 =	vsel vm1, $0x1, v6;
	vm1 =	vle.f32 v24, v8  }
0x15d: {  	v3 =	vadd.s32 v12, v3;
	v16 =	vsel vm1, $0x1, v6;
	vm1 =	vle.f32 v25, v8  }
0x15e: {  	[tilespmem:$0x10510] =	vst v0;
	v36 =	vadd.s32 v13, v3;
	v37 =	vsel vm1, $0x1, v6;
	vm1 =	vle.f32 v26, v8  }
0x15f: {  	v38 =	vld.idx.msk [tilespmem:v1+s22+$0x0], $0xffff;
	v0 =	vadd.s32 v14, v36;
	v39 =	vsel vm1, $0x1, v6;
	vm1 =	vle.f32 v27, v8  }
0x160: {  	v46 =	vld [tilespmem:$0x1FFD0];
	v0 =	vadd.s32 v15, v0;
	v40 =	vsel vm1, $0x1, v6;
	vm1 =	vle.f32 v28, v8  }
0x161: {  	v0 =	vadd.s32 v16, v0;
	v41 =	vsel vm1, $0x1, v6;
	vm1 =	vle.f32 v29, v8  }
0x162: {  	v0 =	vadd.s32 v37, v0;
	v42 =	vsel vm1, $0x1, v6;
	vm1 =	vle.f32 v30, v8  }
0x163: {  	v0 =	vadd.s32 v39, v0;
	v43 =	vsel vm1, $0x1, v6;
	vm1 =	vle.f32 v32, v8  }
0x164: {  	[tilespmem:$0x10420] =	vst v38;
	v0 =	vadd.s32 v40, v0;
	v44 =	vsel vm1, $0x1, v6;
	vm1 =	vle.f32 v31, v8  }
0x165: {  	v1 =	vld.idx.msk [tilespmem:v1+s23+$0x0], $0xffff;
	v0 =	vadd.s32 v41, v0;
	v45 =	vsel vm1, $0x1, v6;
	vm1 =	vle.f32 v17, v46  }
0x166: {  	v0 =	vadd.s32 v42, v0;
	v47 =	vsel vm1, $0x1, v6;
	vm1 =	vle.f32 v18, v46  }
0x167: {  	v0 =	vadd.s32 v43, v0;
	v48 =	vsel vm1, $0x1, v6;
	vm1 =	vle.f32 v19, v46  }
0x168: {  	v0 =	vadd.s32 v44, v0;
	v49 =	vsel vm1, $0x1, v6;
	vm1 =	vle.f32 v20, v46  }
0x169: {  	v0 =	vadd.s32 v45, v0;
	v50 =	vsel vm1, $0x1, v6;
	vm1 =	vle.f32 v21, v46  }
0x16a: {  	[tilespmem:$0x10520] =	vst v1;
	v51 =	vadd.s32 v48, v47;
	v52 =	vsel vm1, $0x1, v6;
	vm1 =	vle.f32 v22, v46  }
0x16b: {  	v53 =	vld.idx.msk [tilespmem:v2+s22+$0x0], $0xffff;
	v1 =	vadd.s32 v49, v51;
	v54 =	vsel vm1, $0x1, v6;
	vm1 =	vle.f32 v23, v46  }
0x16c: {  	v1 =	vadd.s32 v50, v1;
	v55 =	vsel vm1, $0x1, v6;
	vm1 =	vle.f32 v24, v46  }
0x16d: {  	v1 =	vadd.s32 v52, v1;
	v56 =	vsel vm1, $0x1, v6;
	vm1 =	vle.f32 v25, v46  }
0x16e: {  	v1 =	vadd.s32 v54, v1;
	v57 =	vsel vm1, $0x1, v6;
	vm1 =	vle.f32 v26, v46  }
0x16f: {  	v1 =	vadd.s32 v55, v1;
	v58 =	vsel vm1, $0x1, v6;
	vm1 =	vle.f32 v27, v46  }
0x170: {  	v9 =	vld [tilespmem:$0x1FFE0];
	[tilespmem:$0x10430] =	vst v53;
	v1 =	vadd.s32 v56, v1;
	v59 =	vsel vm1, $0x1, v6;
	vm1 =	vle.f32 v28, v46  }
0x171: {  	v2 =	vld.idx.msk [tilespmem:v2+s23+$0x0], $0xffff;
	v1 =	vadd.s32 v57, v1;
	v60 =	vsel vm1, $0x1, v6;
	vm1 =	vle.f32 v29, v46  }
0x172: {  	v1 =	vadd.s32 v58, v1;
	v61 =	vsel vm1, $0x1, v6;
	vm1 =	vle.f32 v30, v46  }
0x173: {  	v1 =	vadd.s32 v59, v1;
	v62 =	vsel vm1, $0x1, v6;
	vm1 =	vle.f32 v32, v46  }
0x174: {  	v1 =	vadd.s32 v60, v1;
	v63 =	vsel vm1, $0x1, v6;
	vm1 =	vle.f32 v31, v46  }
0x175: {  	v1 =	vadd.s32 v61, v1;
	v8 =	vsel vm1, $0x1, v6;
	vm1 =	vle.f32 v17, v9  }
0x176: {  	[tilespmem:$0x10530] =	vst v2;
	v1 =	vadd.s32 v62, v1;
	v10 =	vsel vm1, $0x1, v6;
	vm1 =	vle.f32 v18, v9  }
0x177: {  	v11 =	vld.idx.msk [tilespmem:v0+s22+$0x0], $0xffff;
	v1 =	vadd.s32 v63, v1;
	v12 =	vsel vm1, $0x1, v6;
	vm1 =	vle.f32 v19, v9  }
0x178: {  	v1 =	vadd.s32 v8, v1;
	v13 =	vsel vm1, $0x1, v6;
	vm1 =	vle.f32 v20, v9  }
0x179: {  	v2 =	vadd.s32 v12, v10;
	v14 =	vsel vm1, $0x1, v6;
	vm1 =	vle.f32 v21, v9  }
0x17a: {  	v2 =	vadd.s32 v13, v2;
	v15 =	vsel vm1, $0x1, v6;
	vm1 =	vle.f32 v22, v9  }
0x17b: {  	v2 =	vadd.s32 v14, v2;
	v16 =	vsel vm1, $0x1, v6;
	vm1 =	vle.f32 v23, v9  }
0x17c: {  	[tilespmem:$0x10440] =	vst v11;
	v2 =	vadd.s32 v15, v2;
	v33 =	vsel vm1, $0x1, v6;
	vm1 =	vle.f32 v24, v9  }
0x17d: {  	v0 =	vld.idx.msk [tilespmem:v0+s23+$0x0], $0xffff;
	v2 =	vadd.s32 v16, v2;
	v34 =	vsel vm1, $0x1, v6;
	vm1 =	vle.f32 v25, v9  }
0x17e: {  	v2 =	vadd.s32 v33, v2;
	v35 =	vsel vm1, $0x1, v6;
	vm1 =	vle.f32 v26, v9  }
0x17f: {  	v2 =	vadd.s32 v34, v2;
	v36 =	vsel vm1, $0x1, v6;
	vm1 =	vle.f32 v27, v9  }
0x180: {  	v45 =	vld [tilespmem:$0x1FFF0];
	v2 =	vadd.s32 v35, v2;
	v37 =	vsel vm1, $0x1, v6;
	vm1 =	vle.f32 v28, v9  }
0x181: {  	v2 =	vadd.s32 v36, v2;
	v38 =	vsel vm1, $0x1, v6;
	vm1 =	vle.f32 v29, v9  }
0x182: {  	[tilespmem:$0x10540] =	vst v0;
	v39 =	vadd.s32 v37, v2;
	v40 =	vsel vm1, $0x1, v6;
	vm1 =	vle.f32 v30, v9  }
0x183: {  	v41 =	vld.idx.msk [tilespmem:v1+s22+$0x0], $0xffff;
	v0 =	vadd.s32 v38, v39;
	v42 =	vsel vm1, $0x1, v6;
	vm1 =	vle.f32 v32, v9  }
0x184: {  	v0 =	vadd.s32 v40, v0;
	v43 =	vsel vm1, $0x1, v6;
	vm1 =	vle.f32 v31, v9  }
0x185: {  	v0 =	vadd.s32 v42, v0;
	v44 =	vsel vm1, $0x1, v6;
	vm1 =	vle.f32 v17, v45  }
0x186: {  	v0 =	vadd.s32 v43, v0;
	v46 =	vsel vm1, $0x1, v6;
	vm1 =	vle.f32 v18, v45  }
0x187: {  	v0 =	vadd.s32 v44, v0;
	v47 =	vsel vm1, $0x1, v6;
	vm1 =	vle.f32 v19, v45  }
0x188: {  	[tilespmem:$0x10450] =	vst v41;
	v2 =	vadd.s32 v47, v46;
	v48 =	vsel vm1, $0x1, v6;
	vm1 =	vle.f32 v20, v45  }
0x189: {  	v1 =	vld.idx.msk [tilespmem:v1+s23+$0x0], $0xffff;
	v2 =	vadd.s32 v48, v2;
	v49 =	vsel vm1, $0x1, v6;
	vm1 =	vle.f32 v21, v45  }
0x18a: {  	v2 =	vadd.s32 v49, v2;
	v50 =	vsel vm1, $0x1, v6;
	vm1 =	vle.f32 v22, v45  }
0x18b: {  	v2 =	vadd.s32 v50, v2;
	v51 =	vsel vm1, $0x1, v6;
	vm1 =	vle.f32 v23, v45  }
0x18c: {  	v2 =	vadd.s32 v51, v2;
	v52 =	vsel vm1, $0x1, v6;
	vm1 =	vle.f32 v24, v45  }
0x18d: {  	v2 =	vadd.s32 v52, v2;
	v53 =	vsel vm1, $0x1, v6;
	vm1 =	vle.f32 v25, v45  }
0x18e: {  	[tilespmem:$0x10550] =	vst v1;
	v54 =	vadd.s32 v53, v2;
	v55 =	vsel vm1, $0x1, v6;
	vm1 =	vle.f32 v26, v45  }
0x18f: {  	v56 =	vld.idx.msk [tilespmem:v0+s22+$0x0], $0xffff;
	v1 =	vadd.s32 v55, v54;
	v57 =	vsel vm1, $0x1, v6;
	vm1 =	vle.f32 v27, v45  }
0x190: {  	v1 =	vadd.s32 v57, v1;
	v58 =	vsel vm1, $0x1, v6;
	vm1 =	vle.f32 v28, v45  }
0x191: {  	v1 =	vadd.s32 v58, v1;
	v59 =	vsel vm1, $0x1, v6;
	vm1 =	vle.f32 v29, v45  }
0x192: {  	v1 =	vadd.s32 v59, v1;
	v60 =	vsel vm1, $0x1, v6;
	vm1 =	vle.f32 v30, v45  }
0x193: {  	v1 =	vadd.s32 v60, v1;
	v61 =	vsel vm1, $0x1, v6;
	vm1 =	vle.f32 v32, v45  }
0x194: {  	[tilespmem:$0x10460] =	vst v56;
	v1 =	vadd.s32 v61, v1;
	v62 =	vsel vm1, $0x1, v6;
	vm1 =	vle.f32 v31, v45  }
0x195: {  	v0 =	vld.idx.msk [tilespmem:v0+s23+$0x0], $0xffff;
	v63 =	vsel vm1, $0x1, v6;
	v1 =	vadd.s32 v62, v1  }
0x196: {  	v1 =	vadd.s32 v63, v1;
	_ =	sdelay $0x3  }
0x197: {  	[tilespmem:$0x10560] =	vst v0  }
0x198: {  	v0 =	vld.idx.msk [tilespmem:v1+s22+$0x0], $0xffff;
	_ =	sdelay $0x4  }
0x199: {  	[tilespmem:$0x10470] =	vst v0  }
0x19a: {  	v0 =	vld.idx.msk [tilespmem:v1+s23+$0x0], $0xffff;
	_ =	sdelay $0x4  }
0x19b: {  	[tilespmem:$0x10570] =	vst v0  }
0x19c: {  	[tilespmem:s5], [sflag:$0x1] =	stream.linear.gather [hbm4b:s10+s5], $0x4000, $0x38;
	[tilespmem:$0x10580] =	vst v63  }
0x19d: {  	s16 =	simm.s32 $0x0  }
0x19e: {  	[tilespmem:s24], [sflag:$0x2] =	stream.linear.gather [hbm4b:s12+s5], $0x4000, $0x38;
	[tilespmem:$0x10580] =	vst v63  }
.LBB2_2:
0x19f: {  	_ =	swait.ge [sflag:s25], $0x4000  }
0x1a0: {  	p0 =	seq.s32 s16, $0x0;
	[sflag:s25] =	ssyncset.done $0x0  }
0x1a1: {  	s6 =	simm.s32 @!p0 $0x3;
	[sflag:s25] =	ssyncadd.s32 $0xFFFFC000  }
0x1a2: {  	_ =	swait.ge @!p0 [sflag:s6], $0x4000  }
0x1a3: {  	[sflag:s6] =	ssyncset.done @!p0 $0x0  }
0x1a4: {  	s19 =	simm.s32 $0x40;
	[sflag:s6] =	ssyncadd.s32 @!p0 $0xFFFFC000  }
0x1a5: {  	v0 =	vld [tilespmem:s19+$0x30]  }
0x1a6: {  	v1 =	vld [tilespmem:s19+$0xFFFFFFD0]  }
0x1a7: {  	v2 =	vld [tilespmem:s19+$0xFFFFFFE0]  }
0x1a8: {  	v3 =	vld [tilespmem:s19+$0xFFFFFFF0]  }
0x1a9: {  	v4 =	vld [tilespmem:s19+$0x0]  }
0x1aa: {  	v20 =	vld [tilespmem:s19+$0x20]  }
0x1ab: {  	s20 =	simm.s32 $0xC0;
	v21 =	vld [tilespmem:s19+$0xFFFFFFC0]  }
0x1ac: {  	v13 =	vld [tilespmem:s20+$0xFFFFFFC0];
	_ =	sdelay $0x2  }
0x1ad: {  	v17 =	vand.u32 $0x7F800000, v0;
	v19 =	vand.u32 $0x7F800000, v1;
	v22 =	vand.u32 $0x7F800000, v2  }
0x1ae: {  	v24 =	vand.u32 $0x7F800000, v3;
	v26 =	vand.u32 $0x7F800000, v4;
	v28 =	vand.u32 $0x7F800000, v20  }
0x1af: {  	v29 =	vand.u32 $0x7F800000, v21;
	v45 =	vand.u32 $0x7F800000, v13;
	v17 =	vmax.u32 v17, $0x3F000000  }
0x1b0: {  	v19 =	vmax.u32 v19, $0x3F000000;
	v22 =	vmax.u32 v22, $0x3F000000;
	v24 =	vmax.u32 v24, $0x3F000000  }
0x1b1: {  	v26 =	vmax.u32 v26, $0x3F000000;
	v28 =	vmax.u32 v28, $0x3F000000;
	v29 =	vmax.u32 v29, $0x3F000000  }
0x1b2: {  	v45 =	vmax.u32 v45, $0x3F000000;
	v23 =	vmin.u32 v17, $0x42800000;
	v27 =	vmin.u32 v19, $0x42800000  }
0x1b3: {  	v30 =	vmin.u32 v22, $0x42800000;
	v31 =	vmin.u32 v24, $0x42800000;
	v32 =	vmin.u32 v29, $0x42800000  }
0x1b4: {  	v33 =	vmin.u32 v26, $0x42800000;
	v35 =	vmin.u32 v28, $0x42800000;
	v17 =	vmin.u32 v17, $0x40800000  }
0x1b5: {  	v29 =	vmin.u32 v29, $0x40800000;
	v19 =	vmin.u32 v19, $0x40800000;
	v22 =	vmin.u32 v22, $0x40800000  }
0x1b6: {  	v24 =	vmin.u32 v24, $0x40800000;
	v26 =	vmin.u32 v26, $0x40800000;
	v28 =	vmin.u32 v28, $0x40800000  }
0x1b7: {  	v47 =	vmin.u32 v45, $0x42800000;
	v45 =	vmin.u32 v45, $0x40800000;
	v25 =	vsub.s32 $0x82000000, v23  }
0x1b8: {  	v36 =	vsub.s32 $0x82000000, v32;
	v17 =	vadd.s32 $0xFF000000, v17;
	v37 =	vsub.s32 $0x82000000, v27  }
0x1b9: {  	v18 =	vld [tilespmem:s19+$0x10];
	v38 =	vsub.s32 $0x82000000, v30;
	v39 =	vsub.s32 $0x82000000, v31;
	v40 =	vsub.s32 $0x82000000, v33  }
0x1ba: {  	v60 =	vsub.s32 $0x82000000, v35;
	v23 =	vadd.s32 $0xFD000000, v23;
	v19 =	vadd.s32 $0xFF000000, v19  }
0x1bb: {  	v8 =	vadd.s32 $0xFD000000, v27;
	v10 =	vadd.s32 $0xFD000000, v31;
	v11 =	vadd.s32 $0xFD000000, v33  }
0x1bc: {  	v35 =	vadd.s32 $0xFD000000, v35;
	v0 =	vmul.f32 v25, v0;
	v21 =	vmul.f32 v36, v21  }
0x1bd: {  	v48 =	vsub.s32 $0x82000000, v47;
	v1 =	vmul.f32 v37, v1;
	v2 =	vmul.f32 v38, v2  }
0x1be: {  	v25 =	vand.u32 $0x7F800000, v18;
	v3 =	vmul.f32 v39, v3;
	v4 =	vmul.f32 v40, v4  }
0x1bf: {  	v20 =	vmul.f32 v60, v20;
	v0 =	vadd.f32 $1.258291200e+07, v0;
	v21 =	vadd.f32 $1.258291200e+07, v21  }
0x1c0: {  	v36 =	vmul.f32 v48, v13;
	v1 =	vadd.f32 $1.258291200e+07, v1;
	v2 =	vadd.f32 $1.258291200e+07, v2  }
0x1c1: {  	v25 =	vmax.u32 v25, $0x3F000000;
	v3 =	vadd.f32 $1.258291200e+07, v3;
	v4 =	vadd.f32 $1.258291200e+07, v4  }
0x1c2: {  	v34 =	vmin.u32 v25, $0x42800000;
	v20 =	vadd.f32 $1.258291200e+07, v20;
	v36 =	vadd.f32 $1.258291200e+07, v36  }
0x1c3: {  	v25 =	vmin.u32 v25, $0x40800000;
	v0 =	vadd.f32 $-1.258291200e+07, v0;
	v21 =	vadd.f32 $-1.258291200e+07, v21  }
0x1c4: {  	v41 =	vsub.s32 $0x82000000, v34;
	v1 =	vadd.f32 $-1.258291200e+07, v1;
	v2 =	vadd.f32 $-1.258291200e+07, v2  }
0x1c5: {  	v18 =	vmul.f32 v41, v18;
	v3 =	vadd.f32 $-1.258291200e+07, v3;
	v4 =	vadd.f32 $-1.258291200e+07, v4  }
0x1c6: {  	v12 =	vadd.s32 $0xFD000000, v34;
	v20 =	vadd.f32 $-1.258291200e+07, v20;
	v36 =	vadd.f32 $-1.258291200e+07, v36  }
0x1c7: {  	v0 =	vmax.f32 v0, $-1.280000000e+02;
	v18 =	vadd.f32 $1.258291200e+07, v18;
	v21 =	vmax.f32 v21, $-1.280000000e+02  }
0x1c8: {  	v1 =	vmax.f32 v1, $-1.280000000e+02;
	v2 =	vmax.f32 v2, $-1.280000000e+02;
	v3 =	vmax.f32 v3, $-1.280000000e+02  }
0x1c9: {  	v20 =	vmax.f32 v20, $-1.280000000e+02;
	v0 =	vmin.f32 v0, $1.270000000e+02;
	v2 =	vmin.f32 v2, $1.270000000e+02  }
0x1ca: {  	v63 =	vmin.f32 v20, $1.270000000e+02;
	v20 =	vadd.s32 $0xFF000000, v22;
	v22 =	vadd.s32 $0xFF000000, v24  }
0x1cb: {  	v24 =	vadd.s32 $0xFF000000, v25;
	v25 =	vadd.s32 $0xFF000000, v28;
	v17 =	vmul.f32 v17, v0  }
0x1cc: {  	v4 =	vmax.f32 v4, $-1.280000000e+02;
	v20 =	vmul.f32 v20, v2;
	v25 =	vmul.f32 v25, v63  }
0x1cd: {  	v4 =	vmin.f32 v4, $1.270000000e+02;
	v0 =	vmul.f32 v23, v0;
	v17 =	vadd.f32 $1.280000000e+02, v17  }
0x1ce: {  	v23 =	vadd.s32 $0xFF000000, v26;
	v20 =	vadd.f32 $1.280000000e+02, v20;
	v25 =	vadd.f32 $1.280000000e+02, v25  }
0x1cf: {  	v36 =	vmax.f32 v36, $-1.280000000e+02;
	v23 =	vmul.f32 v23, v4;
	v17 =	vtrunc.f32 v17  }
0x1d0: {  	v21 =	vmin.f32 v21, $1.270000000e+02;
	v28 =	vtrunc.f32 v20;
	v25 =	vtrunc.f32 v25  }
0x1d1: {  	v1 =	vmin.f32 v1, $1.270000000e+02;
	v17 =	vcvt.f32.s32 v17;
	v31 =	vcvt.f32.s32 v28  }
0x1d2: {  	v3 =	vmin.f32 v3, $1.270000000e+02;
	v28 =	vcvt.f32.s32 v25;
	v25 =	vmul.f32 v11, v4;
	v4 =	vld [tilespmem:s20+$0x20]  }
0x1d3: {  	v36 =	vmin.f32 v36, $1.270000000e+02;
	v18 =	vadd.f32 $-1.258291200e+07, v18;
	v19 =	vmul.f32 v19, v1  }
0x1d4: {  	v26 =	vadd.s32 $0xFD000000, v32;
	v22 =	vmul.f32 v22, v3;
	v33 =	vmul.f32 v8, v1  }
0x1d5: {  	v1 =	vld [tilespmem:s20+$0x10];
	v35 =	vmul.f32 v35, v63;
	v26 =	vmul.f32 v26, v21;
	v18 =	vmax.f32 v18, $-1.280000000e+02  }
0x1d6: {  	v19 =	vadd.f32 $1.280000000e+02, v19;
	v22 =	vadd.f32 $1.280000000e+02, v22;
	v62 =	vmin.f32 v18, $1.270000000e+02  }
0x1d7: {  	v23 =	vadd.f32 $1.280000000e+02, v23;
	v24 =	vmul.f32 v24, v62;
	v44 =	vand.u32 $0x7F800000, v4;
	v61 =	vld.idx.msk [tilespmem:v17+s26+$0x0], $0xffff  }
0x1d8: {  	v19 =	vtrunc.f32 v19;
	v22 =	vtrunc.f32 v22;
	v44 =	vmax.u32 v44, $0x3F000000  }
0x1d9: {  	v32 =	vmul.f32 v12, v62;
	v23 =	vtrunc.f32 v23;
	v52 =	vmin.u32 v44, $0x42800000  }
0x1da: {  	v43 =	vand.u32 $0x7F800000, v1;
	v24 =	vadd.f32 $1.280000000e+02, v24;
	v59 =	vsub.s32 $0x82000000, v52  }
0x1db: {  	v19 =	vcvt.f32.s32 v19;
	v43 =	vmax.u32 v43, $0x3F000000;
	v4 =	vmul.f32 v59, v4  }
0x1dc: {  	v24 =	vtrunc.f32 v24;
	v18 =	vmul.f32 v0, v61;
	v0 =	vadd.s32 $0xFF000000, v29  }
0x1dd: {  	v29 =	vcvt.f32.s32 v24;
	v24 =	vld [tilespmem:s20+$0xFFFFFFE0];
	v4 =	vadd.f32 $1.258291200e+07, v4;
	v0 =	vmul.f32 v0, v21  }
0x1de: {  	v27 =	vcvt.f32.s32 v23;
	v23 =	vmul.f32 v10, v3;
	v51 =	vmin.u32 v43, $0x42800000;
	v21 =	vld [tilespmem:s20+$0xFFFFFFF0]  }
0x1df: {  	v43 =	vmin.u32 v43, $0x40800000;
	v4 =	vadd.f32 $-1.258291200e+07, v4;
	v0 =	vadd.f32 $1.280000000e+02, v0  }
0x1e0: {  	v9 =	vld [tilespmem:s20+$0x30];
	v43 =	vadd.s32 $0xFF000000, v43;
	v13 =	vadd.s32 $0xFD000000, v51;
	v44 =	vmin.u32 v44, $0x40800000  }
0x1e1: {  	v44 =	vadd.s32 $0xFF000000, v44;
	v4 =	vmax.f32 v4, $-1.280000000e+02;
	v0 =	vtrunc.f32 v0  }
0x1e2: {  	v55 =	vand.u32 $0x7F800000, v24;
	v4 =	vmin.f32 v4, $1.270000000e+02;
	v20 =	vcvt.f32.s32 v0  }
0x1e3: {  	v0 =	vadd.s32 $0xFD000000, v30;
	v30 =	vcvt.f32.s32 v22;
	v56 =	vand.u32 $0x7F800000, v21  }
0x1e4: {  	v39 =	vmax.u32 v55, $0x3F000000;
	v63 =	vmul.f32 v44, v4;
	v34 =	vmul.f32 v0, v2  }
0x1e5: {  	v2 =	vand.u32 $0x7F800000, v9;
	v40 =	vmax.u32 v56, $0x3F000000;
	v46 =	vmin.u32 v39, $0x42800000  }
0x1e6: {  	v22 =	vld [tilespmem:s20+$0xFFFFFFD0];
	v39 =	vmin.u32 v39, $0x40800000;
	v2 =	vmax.u32 v2, $0x3F000000;
	v49 =	vmin.u32 v40, $0x42800000  }
0x1e7: {  	v54 =	vsub.s32 $0x82000000, v46;
	v40 =	vmin.u32 v40, $0x40800000;
	v39 =	vadd.s32 $0xFF000000, v39  }
0x1e8: {  	v0 =	vld [tilespmem:s20+$0x0];
	v14 =	vmin.u32 v2, $0x42800000;
	v2 =	vmin.u32 v2, $0x40800000;
	v55 =	vsub.s32 $0x82000000, v49  }
0x1e9: {  	v24 =	vmul.f32 v54, v24;
	v40 =	vadd.s32 $0xFF000000, v40;
	v11 =	vadd.s32 $0xFD000000, v49  }
0x1ea: {  	v57 =	vsub.s32 $0x82000000, v14;
	v2 =	vadd.s32 $0xFF000000, v2;
	v21 =	vmul.f32 v55, v21  }
0x1eb: {  	v37 =	vadd.s32 $0xFD000000, v14;
	v3 =	vand.u32 $0x7F800000, v22;
	v38 =	vmul.f32 v57, v9  }
0x1ec: {  	v57 =	vsub.s32 $0x82000000, v51;
	v24 =	vadd.f32 $1.258291200e+07, v24;
	v3 =	vmax.u32 v3, $0x3F000000  }
0x1ed: {  	v58 =	vand.u32 $0x7F800000, v0;
	v1 =	vmul.f32 v57, v1;
	v21 =	vadd.f32 $1.258291200e+07, v21  }
0x1ee: {  	v42 =	vmin.u32 v3, $0x42800000;
	v41 =	vmax.u32 v58, $0x3F000000;
	v38 =	vadd.f32 $1.258291200e+07, v38  }
0x1ef: {  	v3 =	vmin.u32 v3, $0x40800000;
	v24 =	vadd.f32 $-1.258291200e+07, v24;
	v50 =	vmin.u32 v41, $0x42800000  }
0x1f0: {  	v53 =	vsub.s32 $0x82000000, v42;
	v1 =	vadd.f32 $1.258291200e+07, v1;
	v21 =	vadd.f32 $-1.258291200e+07, v21  }
0x1f1: {  	v41 =	vmin.u32 v41, $0x40800000;
	v3 =	vadd.s32 $0xFF000000, v3;
	v38 =	vadd.f32 $-1.258291200e+07, v38  }
0x1f2: {  	v56 =	vsub.s32 $0x82000000, v50;
	v22 =	vmul.f32 v53, v22;
	v24 =	vmax.f32 v24, $-1.280000000e+02  }
0x1f3: {  	v41 =	vadd.s32 $0xFF000000, v41;
	v0 =	vmul.f32 v56, v0;
	v1 =	vadd.f32 $-1.258291200e+07, v1  }
0x1f4: {  	v21 =	vmax.f32 v21, $-1.280000000e+02;
	v38 =	vmax.f32 v38, $-1.280000000e+02;
	v22 =	vadd.f32 $1.258291200e+07, v22  }
0x1f5: {  	v21 =	vmin.f32 v21, $1.270000000e+02;
	v38 =	vmin.f32 v38, $1.270000000e+02;
	v0 =	vadd.f32 $1.258291200e+07, v0  }
0x1f6: {  	v1 =	vmax.f32 v1, $-1.280000000e+02;
	v2 =	vmul.f32 v2, v38;
	v22 =	vadd.f32 $-1.258291200e+07, v22  }
0x1f7: {  	v37 =	vmul.f32 v37, v38;
	v38 =	vmin.f32 v24, $1.270000000e+02;
	v1 =	vmin.f32 v1, $1.270000000e+02  }
0x1f8: {  	v24 =	vadd.s32 $0xFF000000, v45;
	v45 =	vld.idx.msk [tilespmem:v17+s28+$0x0], $0xffff;
	v17 =	vmul.f32 v40, v21;
	v21 =	vmul.f32 v11, v21  }
0x1f9: {  	v0 =	vadd.f32 $-1.258291200e+07, v0;
	v24 =	vmul.f32 v24, v36;
	v39 =	vmul.f32 v39, v38  }
0x1fa: {  	v62 =	vmul.f32 v43, v1;
	v2 =	vadd.f32 $1.280000000e+02, v2;
	v22 =	vmax.f32 v22, $-1.280000000e+02  }
0x1fb: {  	v8 =	vld.idx.msk [tilespmem:v30+s26+$0x0], $0xffff;
	v17 =	vadd.f32 $1.280000000e+02, v17;
	v0 =	vmax.f32 v0, $-1.280000000e+02;
	v22 =	vmin.f32 v22, $1.270000000e+02  }
0x1fc: {  	v24 =	vadd.f32 $1.280000000e+02, v24;
	v39 =	vadd.f32 $1.280000000e+02, v39;
	v2 =	vtrunc.f32 v2  }
0x1fd: {  	v12 =	vld.idx.msk [tilespmem:v19+s28+$0x0], $0xffff;
	v0 =	vmin.f32 v0, $1.270000000e+02;
	v3 =	vmul.f32 v3, v22;
	v17 =	vtrunc.f32 v17  }
0x1fe: {  	v10 =	vld.idx.msk [tilespmem:v27+s26+$0x0], $0xffff;
	v59 =	vadd.s32 $0xFD000000, v47;
	v2 =	vcvt.f32.s32 v2;
	v61 =	vmul.f32 v41, v0  }
0x1ff: {  	v54 =	vld.idx.msk [tilespmem:v19+s26+$0x0], $0xffff;
	v43 =	vadd.f32 $1.280000000e+02, v63;
	v24 =	vtrunc.f32 v24;
	v9 =	vtrunc.f32 v39  }
0x200: {  	s21 =	simm.s32 $0x140;
	v55 =	vld.idx.msk [tilespmem:v31+s26+$0x0], $0xffff;
	v44 =	vcvt.f32.s32 v17;
	v51 =	vadd.f32 v18, v45;
	v45 =	vmul.f32 v23, v8  }
0x201: {  	v14 =	vld [tilespmem:s21+$0x30];
	v3 =	vadd.f32 $1.280000000e+02, v3;
	v39 =	vcvt.f32.s32 v24;
	v24 =	vtrunc.f32 v43  }
0x202: {  	v58 =	vld.idx.msk [tilespmem:v29+s26+$0x0], $0xffff;
	v47 =	vcvt.f32.s32 v9;
	v40 =	vadd.f32 $1.280000000e+02, v61;
	v61 =	vadd.s32 $0xFD000000, v42  }
0x203: {  	v53 =	vld.idx.msk [tilespmem:v20+s26+$0x0], $0xffff;
	v42 =	vcvt.f32.s32 v24;
	v24 =	vmul.f32 v59, v36;
	v59 =	vadd.s32 $0xFD000000, v52  }
0x204: {  	v41 =	vadd.f32 $1.280000000e+02, v62;
	v18 =	vmul.f32 v59, v4;
	v4 =	vmul.f32 v33, v54;
	v33 =	vld [tilespmem:s21+$0x0]  }
0x205: {  	v19 =	vadd.s32 $0xFD000000, v50;
	v3 =	vtrunc.f32 v3;
	v54 =	vmul.f32 v34, v55;
	v34 =	vld [tilespmem:s21+$0x20]  }
0x206: {  	v41 =	vtrunc.f32 v41;
	v48 =	vcvt.f32.s32 v3;
	v3 =	vld.idx.msk [tilespmem:v20+s28+$0x0], $0xffff;
	v20 =	vadd.s32 $0xFD000000, v46  }
0x207: {  	v17 =	vmul.f32 v20, v38;
	v20 =	vmul.f32 v19, v0;
	v0 =	vld [tilespmem:s21+$0xFFFFFFE0]  }
0x208: {  	v41 =	vcvt.f32.s32 v41;
	v40 =	vtrunc.f32 v40;
	v59 =	vadd.f32 v4, v12;
	v4 =	vld [tilespmem:s21+$0xFFFFFFC0]  }
0x209: {  	v22 =	vmul.f32 v61, v22;
	v43 =	vcvt.f32.s32 v40;
	v60 =	vld.idx.msk [tilespmem:v2+s26+$0x0], $0xffff  }
0x20a: {  	v19 =	vmul.f32 v13, v1;
	v1 =	vmul.f32 v26, v53  }
0x20b: {  	v26 =	vmul.f32 v25, v10;
	v25 =	vmul.f32 v32, v58;
	v2 =	vld.idx.msk [tilespmem:v2+s28+$0x0], $0xffff;
	v9 =	vand.u32 $0x7F800000, v33  }
0x20c: {  	v11 =	vand.u32 $0x7F800000, v34;
	v50 =	vadd.f32 v1, v3;
	v1 =	vld [tilespmem:s21+$0x10];
	v3 =	vand.u32 $0x7F800000, v14  }
0x20d: {  	v40 =	vld [tilespmem:s21+$0xFFFFFFD0];
	v46 =	vmax.u32 v9, $0x3F000000;
	v55 =	vmax.u32 v11, $0x3F000000;
	v3 =	vmax.u32 v3, $0x3F000000  }
0x20e: {  	v62 =	vand.u32 $0x7F800000, v0;
	v12 =	vand.u32 $0x7F800000, v4;
	v37 =	vmul.f32 v37, v60;
	v60 =	vld.idx.msk [tilespmem:v28+s26+$0x0], $0xffff  }
0x20f: {  	v6 =	vmin.u32 v55, $0x42800000;
	v36 =	vmin.u32 v3, $0x42800000;
	v56 =	vmax.u32 v12, $0x3F000000  }
0x210: {  	v3 =	vmin.u32 v3, $0x40800000;
	v12 =	vsub.s32 $0x82000000, v6;
	v8 =	vsub.s32 $0x82000000, v36  }
0x211: {  	v49 =	vadd.f32 v37, v2;
	v2 =	vld [tilespmem:s21+$0xFFFFFFF0];
	v38 =	vmul.f32 v8, v14;
	v10 =	vand.u32 $0x7F800000, v1  }
0x212: {  	v3 =	vadd.s32 $0xFF000000, v3;
	v11 =	vmin.u32 v56, $0x40800000;
	v53 =	vmax.u32 v10, $0x3F000000  }
0x213: {  	v38 =	vadd.f32 $1.258291200e+07, v38;
	v23 =	vmul.f32 v35, v60;
	v60 =	vand.u32 $0x7F800000, v40  }
0x214: {  	v35 =	vmax.u32 v62, $0x3F000000;
	v62 =	vmin.u32 v56, $0x42800000;
	v5 =	vmin.u32 v53, $0x42800000  }
0x215: {  	v32 =	vmax.u32 v60, $0x3F000000;
	v60 =	vmin.u32 v35, $0x42800000;
	v38 =	vadd.f32 $-1.258291200e+07, v38  }
0x216: {  	v13 =	vsub.s32 $0x82000000, v62;
	v10 =	vsub.s32 $0x82000000, v5;
	v63 =	vand.u32 $0x7F800000, v2  }
0x217: {  	v52 =	vmin.u32 v32, $0x42800000;
	v7 =	vsub.s32 $0x82000000, v60;
	v4 =	vmul.f32 v13, v4  }
0x218: {  	v1 =	vmul.f32 v10, v1;
	v10 =	vmin.u32 v32, $0x40800000;
	v37 =	vmax.u32 v63, $0x3F000000  }
0x219: {  	v63 =	vmin.u32 v46, $0x42800000;
	v38 =	vmax.f32 v38, $-1.280000000e+02;
	v14 =	vsub.s32 $0x82000000, v52  }
0x21a: {  	v0 =	vmul.f32 v7, v0;
	v15 =	vadd.s32 $0xFD000000, v52;
	v61 =	vmin.u32 v37, $0x42800000  }
0x21b: {  	v38 =	vmin.f32 v38, $1.270000000e+02;
	v9 =	vsub.s32 $0x82000000, v63;
	v40 =	vmul.f32 v14, v40  }
0x21c: {  	v4 =	vadd.f32 $1.258291200e+07, v4;
	v14 =	vmul.f32 v12, v34;
	v1 =	vadd.f32 $1.258291200e+07, v1  }
0x21d: {  	v12 =	vld.idx.msk [tilespmem:v31+s28+$0x0], $0xffff;
	v31 =	vadd.s32 $0xFD000000, v36;
	v3 =	vmul.f32 v3, v38;
	v8 =	vsub.s32 $0x82000000, v61  }
0x21e: {  	v13 =	vmul.f32 v9, v33;
	v0 =	vadd.f32 $1.258291200e+07, v0;
	v33 =	vmin.u32 v35, $0x40800000  }
0x21f: {  	v35 =	vmin.u32 v46, $0x40800000;
	v61 =	vadd.s32 $0xFD000000, v61;
	v7 =	vadd.f32 $1.258291200e+07, v40  }
0x220: {  	v2 =	vmul.f32 v8, v2;
	v9 =	vadd.f32 $1.258291200e+07, v14;
	v4 =	vadd.f32 $-1.258291200e+07, v4  }
0x221: {  	v40 =	vmin.u32 v37, $0x40800000;
	v1 =	vadd.f32 $-1.258291200e+07, v1;
	v3 =	vadd.f32 $1.280000000e+02, v3  }
0x222: {  	v37 =	vmin.u32 v53, $0x40800000;
	v8 =	vadd.f32 $1.258291200e+07, v13;
	v0 =	vadd.f32 $-1.258291200e+07, v0  }
0x223: {  	v13 =	vld.idx.msk [tilespmem:v30+s28+$0x0], $0xffff;
	v30 =	vmul.f32 v31, v38;
	v38 =	vadd.s32 $0xFF000000, v33;
	v40 =	vadd.s32 $0xFF000000, v40  }
0x224: {  	v53 =	vadd.s32 $0xFF000000, v37;
	v2 =	vadd.f32 $1.258291200e+07, v2;
	v3 =	vtrunc.f32 v3  }
0x225: {  	v7 =	vadd.f32 $-1.258291200e+07, v7;
	v4 =	vmax.f32 v4, $-1.280000000e+02;
	v3 =	vcvt.f32.s32 v3  }
0x226: {  	v9 =	vadd.f32 $-1.258291200e+07, v9;
	v1 =	vmax.f32 v1, $-1.280000000e+02;
	v8 =	vadd.f32 $-1.258291200e+07, v8  }
0x227: {  	v27 =	vld.idx.msk [tilespmem:v27+s28+$0x0], $0xffff;
	v0 =	vmax.f32 v0, $-1.280000000e+02;
	v14 =	vmin.f32 v4, $1.270000000e+02;
	v4 =	vmin.u32 v55, $0x40800000  }
0x228: {  	v32 =	vld.idx.msk [tilespmem:v39+s26+$0x0], $0xffff;
	v56 =	vmin.f32 v1, $1.270000000e+02;
	v1 =	vadd.s32 $0xFF000000, v11;
	v11 =	vadd.s32 $0xFD000000, v62  }
0x229: {  	v34 =	vld.idx.msk [tilespmem:v44+s26+$0x0], $0xffff;
	v62 =	vadd.s32 $0xFD000000, v63;
	v2 =	vadd.f32 $-1.258291200e+07, v2;
	v7 =	vmax.f32 v7, $-1.280000000e+02  }
0x22a: {  	v36 =	vld.idx.msk [tilespmem:v41+s26+$0x0], $0xffff;
	v9 =	vmax.f32 v9, $-1.280000000e+02;
	v57 =	vmin.f32 v0, $1.270000000e+02;
	v1 =	vmul.f32 v1, v14  }
0x22b: {  	v8 =	vmax.f32 v8, $-1.280000000e+02;
	v7 =	vmin.f32 v7, $1.270000000e+02;
	v2 =	vmax.f32 v2, $-1.280000000e+02;
	v46 =	vld.idx.msk [tilespmem:v3+s26+$0x0], $0xffff  }
0x22c: {  	v41 =	vld.idx.msk [tilespmem:v41+s28+$0x0], $0xffff;
	v55 =	vmin.f32 v8, $1.270000000e+02;
	v8 =	vmul.f32 v38, v57;
	v1 =	vadd.f32 $1.280000000e+02, v1  }
0x22d: {  	v58 =	vmin.f32 v2, $1.270000000e+02;
	v2 =	vadd.s32 $0xFF000000, v10;
	v10 =	vmul.f32 v53, v56;
	v3 =	vld.idx.msk [tilespmem:v3+s28+$0x0], $0xffff  }
0x22e: {  	v31 =	vld.idx.msk [tilespmem:v29+s28+$0x0], $0xffff;
	v2 =	vmul.f32 v2, v7;
	v8 =	vadd.f32 $1.280000000e+02, v8;
	v1 =	vtrunc.f32 v1  }
0x22f: {  	v33 =	vld.idx.msk [tilespmem:v48+s26+$0x0], $0xffff;
	v4 =	vadd.s32 $0xFF000000, v4;
	v10 =	vadd.f32 $1.280000000e+02, v10;
	v52 =	vcvt.f32.s32 v1  }
0x230: {  	s6 =	simm.s32 $0x8040;
	v37 =	vld.idx.msk [tilespmem:v43+s26+$0x0], $0xffff;
	v2 =	vadd.f32 $1.280000000e+02, v2;
	v8 =	vtrunc.f32 v8;
	v0 =	vmul.f32 v30, v46  }
0x231: {  	[tilespmem:s6+$0x30] =	vst v51;
	v29 =	vld.idx.msk [tilespmem:v44+s28+$0x0], $0xffff;
	v10 =	vtrunc.f32 v10;
	v51 =	vcvt.f32.s32 v8;
	v46 =	vmin.f32 v9, $1.270000000e+02  }
0x232: {  	v43 =	vld.idx.msk [tilespmem:v43+s28+$0x0], $0xffff;
	v9 =	vmul.f32 v40, v58;
	v0 =	vadd.f32 v0, v3;
	v3 =	vadd.s32 $0xFF000000, v35  }
0x233: {  	s19 =	simm.s32 $0x80C0;
	v38 =	vld.idx.msk [tilespmem:v42+s26+$0x0], $0xffff;
	v44 =	vadd.f32 v45, v13;
	v4 =	vmul.f32 v4, v46;
	v3 =	vmul.f32 v3, v55  }
0x234: {  	[tilespmem:s19+$0x30] =	vst v49;
	v53 =	vtrunc.f32 v2;
	v49 =	vcvt.f32.s32 v10;
	v30 =	vld.idx.msk [tilespmem:v28+s28+$0x0], $0xffff;
	v9 =	vadd.f32 $1.280000000e+02, v9  }
0x235: {  	s20 =	simm.s32 $0x8140;
	v53 =	vcvt.f32.s32 v53;
	v40 =	vld.idx.msk [tilespmem:v39+s28+$0x0], $0xffff;
	v4 =	vadd.f32 $1.280000000e+02, v4;
	v3 =	vadd.f32 $1.280000000e+02, v3  }
0x236: {  	v2 =	vadd.s32 $0xFD000000, v60;
	v28 =	vld.idx.msk [tilespmem:v47+s28+$0x0], $0xffff;
	v9 =	vtrunc.f32 v9;
	[tilespmem:s20+$0x30] =	vst v0;
	v0 =	vmul.f32 v15, v7  }
0x237: {  	v60 =	vadd.s32 $0xFD000000, v6;
	v35 =	vld.idx.msk [tilespmem:v47+s26+$0x0], $0xffff;
	v1 =	vtrunc.f32 v4;
	v47 =	vtrunc.f32 v3  }
0x238: {  	s18 =	sshll.u32 s16, $0xF;
	[tilespmem:s6+$0xFFFFFFC0] =	vst v50;
	v39 =	vld.idx.msk [tilespmem:v48+s28+$0x0], $0xffff;
	v50 =	vcvt.f32.s32 v9;
	v4 =	vadd.f32 v54, v12;
	v48 =	vcvt.f32.s32 v47  }
0x239: {  	s8 =	simm.s32 $0x100;
	s9 =	simm.s32 $0x1C0;
	[tilespmem:s6+$0xFFFFFFD0] =	vst v59;
	s21 =	sor.u32 s7, s18;
	v42 =	vld.idx.msk [tilespmem:v42+s28+$0x0], $0xffff;
	v3 =	vadd.s32 $0xFD000000, v5;
	v47 =	vcvt.f32.s32 v1;
	v1 =	vmul.f32 v11, v14  }
.LBB2_3:
0x23a: {  	v5 =	vld [tilespmem:s9+$0x30];
	s8 =	sadd.s32 $0x80, s8;
	v2 =	vmul.f32 v2, v57;
	v6 =	vmul.f32 v61, v58;
	[tilespmem:s6+$0xFFFFFFE0] =	vst v4;
	v4 =	vadd.f32 v26, v27  }
0x23b: {  	v8 =	vmul.f32 v62, v55;
	v3 =	vmul.f32 v3, v56;
	v9 =	vadd.f32 v25, v31;
	v7 =	vld [tilespmem:s9+$0xFFFFFFD0];
	p1 =	slt.u32 s8, $0x3F80;
	[tilespmem:s6+$0xFFFFFFF0] =	vst v44  }
0x23c: {  	v11 =	vmul.f32 v60, v46;
	v12 =	vmul.f32 v24, v32;
	v10 =	vld [tilespmem:s9+$0xFFFFFFE0];
	[tilespmem:s6+$0x0] =	vst v4;
	v4 =	vadd.f32 v23, v30  }
0x23d: {  	v14 =	vmul.f32 v22, v33;
	v27 =	vmovc v43;
	v44 =	vmul.f32 v17, v35;
	v17 =	vmov v2;
	v13 =	vld [tilespmem:s9+$0xFFFFFFF0];
	[tilespmem:s6+$0x10] =	vst v9  }
0x23e: {  	v45 =	vmul.f32 v21, v34;
	v26 =	vmul.f32 v20, v37;
	v9 =	vadd.f32 v12, v40;
	v2 =	vld [tilespmem:s9+$0x0];
	[tilespmem:s6+$0x20] =	vst v4;
	s6 =	smov.u32 s19;
	s19 =	smov.u32 s20  }
0x23f: {  	v25 =	vmul.f32 v19, v36;
	v23 =	vmul.f32 v18, v38;
	v21 =	vmovc v6;
	v20 =	vmovc v8;
	v4 =	vld [tilespmem:s9+$0x10];
	v12 =	vand.u32 $0x7F800000, v5  }
0x240: {  	v19 =	vmovc v3;
	v18 =	vmovc v11;
	v6 =	vand.u32 $0x7F800000, v7;
	v8 =	vld [tilespmem:s9+$0x20];
	v12 =	vmax.u32 v12, $0x3F000000;
	[tilespmem:s6+$0xFFFFFFC0] =	vst v9;
	v9 =	vadd.f32 v14, v39  }
0x241: {  	v31 =	vmovc v41;
	v30 =	vmovc v42;
	v3 =	vld [tilespmem:s9+$0xFFFFFFC0];
	v6 =	vmax.u32 v6, $0x3F000000;
	v11 =	vand.u32 $0x7F800000, v10;
	v14 =	vmin.u32 v12, $0x42800000  }
0x242: {  	v24 =	vmovc v1;
	v22 =	vmovc v0;
	v11 =	vmax.u32 v11, $0x3F000000;
	v15 =	vand.u32 $0x7F800000, v13;
	v33 =	vsub.s32 $0x82000000, v14;
	v32 =	vld.idx.msk [tilespmem:v52+s26+$0x0], $0xffff;
	[tilespmem:s6+$0xFFFFFFD0] =	vst v9  }
0x243: {  	v9 =	vmax.u32 v15, $0x3F000000;
	v0 =	vand.u32 $0x7F800000, v2;
	v5 =	vmul.f32 v33, v5;
	v33 =	vld.idx.msk [tilespmem:v53+s26+$0x0], $0xffff  }
0x244: {  	v1 =	vmin.u32 v6, $0x42800000;
	v15 =	vmax.u32 v0, $0x3F000000;
	v0 =	vand.u32 $0x7F800000, v4;
	v35 =	vld.idx.msk [tilespmem:v51+s26+$0x0], $0xffff  }
0x245: {  	v46 =	vmax.u32 v0, $0x3F000000;
	v0 =	vand.u32 $0x7F800000, v8;
	v5 =	vadd.f32 $1.258291200e+07, v5;
	v34 =	vld.idx.msk [tilespmem:v50+s26+$0x0], $0xffff  }
0x246: {  	v60 =	vmin.u32 v11, $0x42800000;
	v36 =	vand.u32 $0x7F800000, v3;
	v55 =	vmax.u32 v0, $0x3F000000;
	v37 =	vld.idx.msk [tilespmem:v48+s26+$0x0], $0xffff  }
0x247: {  	v61 =	vmin.u32 v9, $0x42800000;
	v41 =	vmax.u32 v36, $0x3F000000;
	v0 =	vadd.f32 $-1.258291200e+07, v5;
	v36 =	vld.idx.msk [tilespmem:v49+s26+$0x0], $0xffff  }
0x248: {  	v62 =	vmin.u32 v15, $0x42800000;
	v59 =	vmin.u32 v46, $0x42800000;
	v5 =	vmin.u32 v41, $0x42800000;
	v38 =	vld.idx.msk [tilespmem:v47+s26+$0x0], $0xffff  }
0x249: {  	v12 =	vmin.u32 v12, $0x40800000;
	v54 =	vmin.u32 v55, $0x42800000;
	v0 =	vmax.f32 v0, $-1.280000000e+02;
	v40 =	vld.idx.msk [tilespmem:v52+s28+$0x0], $0xffff  }
0x24a: {  	v42 =	vsub.s32 $0x82000000, v5;
	v52 =	vmin.f32 v0, $1.270000000e+02;
	v0 =	vadd.s32 $0xFF000000, v12;
	v39 =	vld.idx.msk [tilespmem:v53+s28+$0x0], $0xffff  }
0x24b: {  	v12 =	vsub.s32 $0x82000000, v1;
	v53 =	vsub.s32 $0x82000000, v60;
	v43 =	vmul.f32 v0, v52;
	v0 =	vld.idx.msk [tilespmem:v51+s28+$0x0], $0xffff  }
0x24c: {  	v56 =	vsub.s32 $0x82000000, v62;
	v57 =	vsub.s32 $0x82000000, v59;
	v51 =	vsub.s32 $0x82000000, v61;
	v63 =	vld.idx.msk [tilespmem:v50+s28+$0x0], $0xffff  }
0x24d: {  	v3 =	vmul.f32 v42, v3;
	v50 =	vsub.s32 $0x82000000, v54;
	v42 =	vadd.f32 $1.280000000e+02, v43;
	v43 =	vld.idx.msk [tilespmem:v48+s28+$0x0], $0xffff  }
0x24e: {  	v7 =	vmul.f32 v12, v7;
	v10 =	vmul.f32 v53, v10;
	v48 =	vmin.u32 v41, $0x40800000;
	v41 =	vld.idx.msk [tilespmem:v49+s28+$0x0], $0xffff  }
0x24f: {  	v3 =	vadd.f32 $1.258291200e+07, v3;
	v12 =	vmul.f32 v51, v13;
	v13 =	vtrunc.f32 v42;
	v42 =	vld.idx.msk [tilespmem:v47+s28+$0x0], $0xffff  }
0x250: {  	v2 =	vmul.f32 v56, v2;
	v7 =	vadd.f32 $1.258291200e+07, v7;
	v13 =	vcvt.f32.s32 v13  }
0x251: {  	v4 =	vmul.f32 v57, v4;
	v10 =	vadd.f32 $1.258291200e+07, v10;
	v8 =	vmul.f32 v50, v8  }
0x252: {  	v6 =	vmin.u32 v6, $0x40800000;
	v2 =	vadd.f32 $1.258291200e+07, v2;
	v12 =	vadd.f32 $1.258291200e+07, v12  }
0x253: {  	v11 =	vmin.u32 v11, $0x40800000;
	v4 =	vadd.f32 $1.258291200e+07, v4;
	v8 =	vadd.f32 $1.258291200e+07, v8  }
0x254: {  	v9 =	vmin.u32 v9, $0x40800000;
	v3 =	vadd.f32 $-1.258291200e+07, v3;
	v7 =	vadd.f32 $-1.258291200e+07, v7  }
0x255: {  	v15 =	vmin.u32 v15, $0x40800000;
	v10 =	vadd.f32 $-1.258291200e+07, v10;
	v12 =	vadd.f32 $-1.258291200e+07, v12  }
0x256: {  	v2 =	vadd.f32 $-1.258291200e+07, v2;
	v4 =	vadd.f32 $-1.258291200e+07, v4;
	v3 =	vmax.f32 v3, $-1.280000000e+02;
	v47 =	vld.idx.msk [tilespmem:v13+s26+$0x0], $0xffff  }
0x257: {  	v7 =	vmax.f32 v7, $-1.280000000e+02;
	v10 =	vmax.f32 v10, $-1.280000000e+02;
	v8 =	vadd.f32 $-1.258291200e+07, v8  }
0x258: {  	v2 =	vmax.f32 v2, $-1.280000000e+02;
	v4 =	vmax.f32 v4, $-1.280000000e+02;
	v12 =	vmax.f32 v12, $-1.280000000e+02;
	v13 =	vld.idx.msk [tilespmem:v13+s28+$0x0], $0xffff  }
0x259: {  	v14 =	vadd.s32 $0xFD000000, v14;
	v49 =	vmin.u32 v46, $0x40800000;
	v8 =	vmax.f32 v8, $-1.280000000e+02  }
0x25a: {  	v14 =	vmul.f32 v14, v52;
	v16 =	vmin.f32 v3, $1.270000000e+02;
	v3 =	vmin.u32 v55, $0x40800000  }
0x25b: {  	v7 =	vmin.f32 v7, $1.270000000e+02;
	v57 =	vmin.f32 v10, $1.270000000e+02;
	v58 =	vmin.f32 v12, $1.270000000e+02  }
0x25c: {  	v56 =	vmin.f32 v4, $1.270000000e+02;
	v55 =	vmin.f32 v2, $1.270000000e+02;
	v2 =	vmul.f32 v14, v47  }
0x25d: {  	v6 =	vadd.s32 $0xFF000000, v6;
	v4 =	vadd.s32 $0xFF000000, v48;
	v46 =	vmin.f32 v8, $1.270000000e+02  }
0x25e: {  	v9 =	vadd.s32 $0xFF000000, v9;
	v8 =	vadd.s32 $0xFF000000, v11;
	v2 =	vadd.f32 v2, v13  }
0x25f: {  	s20 =	sadd.s32 $0x80, s20;
	v10 =	vadd.s32 $0xFF000000, v15;
	v3 =	vadd.s32 $0xFF000000, v3;
	v11 =	vadd.s32 $0xFF000000, v49  }
0x260: {  	v5 =	vadd.s32 $0xFD000000, v5;
	v4 =	vmul.f32 v4, v16;
	v6 =	vmul.f32 v6, v7;
	[tilespmem:s20+$0x30] =	vst v2  }
0x261: {  	v12 =	vadd.s32 $0xFD000000, v1;
	v1 =	vmul.f32 v8, v57;
	v2 =	vmul.f32 v9, v58  }
0x262: {  	v4 =	vadd.f32 $1.280000000e+02, v4;
	v8 =	vmul.f32 v10, v55;
	v9 =	vmul.f32 v11, v56  }
0x263: {  	v6 =	vadd.f32 $1.280000000e+02, v6;
	v3 =	vmul.f32 v3, v46;
	v1 =	vadd.f32 $1.280000000e+02, v1  }
0x264: {  	v4 =	vtrunc.f32 v4;
	v8 =	vadd.f32 $1.280000000e+02, v8;
	v10 =	vadd.f32 $1.280000000e+02, v2  }
0x265: {  	v6 =	vtrunc.f32 v6;
	v3 =	vadd.f32 $1.280000000e+02, v3;
	v9 =	vadd.f32 $1.280000000e+02, v9  }
0x266: {  	v1 =	vtrunc.f32 v1;
	v2 =	vadd.s32 $0xFD000000, v60;
	v10 =	vtrunc.f32 v10  }
0x267: {  	v61 =	vadd.s32 $0xFD000000, v61;
	v8 =	vtrunc.f32 v8;
	v9 =	vtrunc.f32 v9  }
.Ltmp2:
0x268: {  	v62 =	vadd.s32 $0xFD000000, v62;
	v52 =	vcvt.f32.s32 v4;
	v4 =	vtrunc.f32 v3;
	(pc) =	sbr.rel @p1 .LBB2_3-.Ltmp2, $4  }
0x269: {  	v53 =	vcvt.f32.s32 v6;
	v3 =	vadd.s32 $0xFD000000, v59;
	v51 =	vcvt.f32.s32 v1  }
0x26a: {  	v48 =	vcvt.f32.s32 v8;
	v60 =	vadd.s32 $0xFD000000, v54;
	v50 =	vcvt.f32.s32 v10  }
0x26b: {  	v47 =	vcvt.f32.s32 v4;
	v4 =	vadd.f32 v44, v28;
	v28 =	vmovc v0;
	v49 =	vcvt.f32.s32 v9  }
0x26c: {  	s9 =	sadd.s32 $0x80, s9;
	v1 =	vmul.f32 v5, v16;
	v0 =	vmul.f32 v12, v7;
	v44 =	vadd.f32 v45, v29;
	v29 =	vmovc v63  }
0x26d: {  	_ =	sdelay $0x3  }
0x26e: {  	v5 =	vld.idx.msk [tilespmem:v52+s26+$0x0], $0xffff  }
0x26f: {  	v2 =	vmul.f32 v2, v57;
	v6 =	vmul.f32 v61, v58;
	[tilespmem:s6+$0xFFFFFFE0] =	vst v4;
	v63 =	vld.idx.msk [tilespmem:v53+s26+$0x0], $0xffff  }
0x270: {  	v7 =	vadd.f32 v26, v27;
	v8 =	vmul.f32 v62, v55;
	v3 =	vmul.f32 v3, v56;
	v9 =	vld.idx.msk [tilespmem:v51+s26+$0x0], $0xffff  }
0x271: {  	v10 =	vadd.f32 v25, v31;
	v11 =	vmul.f32 v24, v32;
	v12 =	vld.idx.msk [tilespmem:v50+s26+$0x0], $0xffff;
	[tilespmem:s6+$0xFFFFFFF0] =	vst v44  }
0x272: {  	v31 =	vadd.f32 v23, v30;
	v13 =	vmul.f32 v22, v33;
	v14 =	vld.idx.msk [tilespmem:v48+s26+$0x0], $0xffff;
	[tilespmem:s6+$0x0] =	vst v7  }
0x273: {  	v15 =	vmul.f32 v17, v35;
	v33 =	vld.idx.msk [tilespmem:v49+s26+$0x0], $0xffff;
	[tilespmem:s6+$0x10] =	vst v10;
	v32 =	vadd.f32 v11, v40  }
0x274: {  	v16 =	vmul.f32 v21, v34;
	v35 =	vld.idx.msk [tilespmem:v47+s26+$0x0], $0xffff;
	[tilespmem:s6+$0x20] =	vst v31;
	v34 =	vadd.f32 v13, v39  }
0x275: {  	v37 =	vmul.f32 v20, v37;
	v39 =	vld.idx.msk [tilespmem:v52+s28+$0x0], $0xffff;
	v15 =	vadd.f32 v15, v28;
	[tilespmem:s19+$0xFFFFFFC0] =	vst v32  }
0x276: {  	v19 =	vmul.f32 v19, v36;
	v40 =	vld.idx.msk [tilespmem:v53+s28+$0x0], $0xffff;
	v16 =	vadd.f32 v16, v29;
	[tilespmem:s19+$0xFFFFFFD0] =	vst v34  }
0x277: {  	v18 =	vmul.f32 v18, v38;
	v44 =	vld.idx.msk [tilespmem:v51+s28+$0x0], $0xffff;
	v45 =	vadd.f32 v37, v43;
	[tilespmem:s19+$0xFFFFFFE0] =	vst v15  }
0x278: {  	v50 =	vld.idx.msk [tilespmem:v50+s28+$0x0], $0xffff;
	v51 =	vadd.f32 v19, v41;
	[tilespmem:s19+$0xFFFFFFF0] =	vst v16;
	v1 =	vmul.f32 v1, v5  }
0x279: {  	v52 =	vld.idx.msk [tilespmem:v48+s28+$0x0], $0xffff;
	v53 =	vadd.f32 v18, v42;
	[tilespmem:s19+$0x0] =	vst v45;
	v0 =	vmul.f32 v0, v63  }
0x27a: {  	v54 =	vld.idx.msk [tilespmem:v49+s28+$0x0], $0xffff;
	[tilespmem:s19+$0x10] =	vst v51;
	v2 =	vmul.f32 v2, v9;
	v1 =	vadd.f32 v1, v39  }
0x27b: {  	v55 =	vld.idx.msk [tilespmem:v47+s28+$0x0], $0xffff;
	[tilespmem:s19+$0x20] =	vst v53;
	v6 =	vmul.f32 v6, v12;
	v0 =	vadd.f32 v0, v40  }
0x27c: {  	v56 =	vmul.f32 v60, v46;
	v8 =	vmul.f32 v8, v14;
	v57 =	vadd.f32 v2, v44;
	[tilespmem:s20+$0xFFFFFFC0] =	vst v1  }
0x27d: {  	v58 =	vmul.f32 v3, v33;
	v59 =	vadd.f32 v6, v50;
	[tilespmem:s20+$0xFFFFFFD0] =	vst v0  }
0x27e: {  	p1 =	sne.s32 s16, $0x1F;
	v60 =	vmul.f32 v56, v35;
	v61 =	vadd.f32 v8, v52;
	[tilespmem:s20+$0xFFFFFFE0] =	vst v57  }
.Ltmp3:
0x27f: {  	v62 =	vadd.f32 v58, v54;
	[tilespmem:s20+$0xFFFFFFF0] =	vst v59;
	(pc) =	sbr.rel @p1 .LBB2_6-.Ltmp3, $4  }
0x280: {  	v63 =	vadd.f32 v60, v55;
	[tilespmem:s20+$0x0] =	vst v61  }
0x281: {  	s19 =	sshrl.u32 s21, $0x3;
	[tilespmem:s20+$0x10] =	vst v62  }
0x282: {  	s21 =	sadd.s32 s3, s19;
	[tilespmem:s20+$0x20] =	vst v63  }
0x283: {  	[hbm4b:s21+s5] =	stream.linear.scatter [tilespmem:s29], [sflag:$0x3], $0x4000, $0x38;
	[tilespmem:$0x10580] =	vst v63  }
.Ltmp4:
0x284: {  	(pc) =	sbr.rel .LBB2_7-.Ltmp4, $4  }
0x285: {  	_ = 	snop  }
0x286: {  	_ =	swait.ge [sflag:s30], $0x4000  }
0x287: {  	[sflag:s30] =	ssyncset.done $0x0  }
0x288: {  	[sflag:s30] =	ssyncadd.s32 $0xFFFFC000  }
.LBB2_6:
0x289: {  	s6 =	sadd.s32 s18, s13  }
0x28a: {  	s6 =	sshrl.u32 s6, $0x3  }
.Ltmp5:
0x28b: {  	s6 =	sadd.s32 s0, s6;
	(pc) =	sbr.rel @p0 .LBB2_8-.Ltmp5, $4  }
0x28c: {  	[tilespmem:s5], [sflag:$0x1] =	stream.linear.gather [hbm4b:s6+s5], $0x4000, $0x38;
	[tilespmem:$0x10580] =	vst v63  }
0x28d: {  	_ =	swait.ge [sflag:s30], $0x4000  }
0x28e: {  	[sflag:s30] =	ssyncset.done $0x0  }
0x28f: {  	[sflag:s30] =	ssyncadd.s32 $0xFFFFC000  }
.LBB2_7:
0x290: {  	_ =	swait.ge [sflag:s31], $0x4000  }
0x291: {  	[sflag:s31] =	ssyncset.done $0x0  }
0x292: {  	[sflag:s31] =	ssyncadd.s32 $0xFFFFC000  }
.LBB2_8:
0x293: {  	s6 =	simm.s32 $0x4040  }
0x294: {  	v0 =	vld [tilespmem:s6+$0x30]  }
0x295: {  	v1 =	vld [tilespmem:s6+$0xFFFFFFD0]  }
0x296: {  	v2 =	vld [tilespmem:s6+$0xFFFFFFE0]  }
0x297: {  	v3 =	vld [tilespmem:s6+$0xFFFFFFF0]  }
0x298: {  	v4 =	vld [tilespmem:s6+$0x0]  }
0x299: {  	v5 =	vld [tilespmem:s6+$0x10]  }
0x29a: {  	v8 =	vld [tilespmem:s6+$0x20]  }
0x29b: {  	s20 =	simm.s32 $0x40C0;
	v9 =	vld [tilespmem:s6+$0xFFFFFFC0]  }
0x29c: {  	v49 =	vld [tilespmem:s20+$0xFFFFFFE0];
	_ =	sdelay $0x2  }
0x29d: {  	v6 =	vand.u32 $0x7F800000, v0;
	v7 =	vand.u32 $0x7F800000, v1;
	v10 =	vand.u32 $0x7F800000, v2  }
0x29e: {  	v12 =	vand.u32 $0x7F800000, v3;
	v14 =	vand.u32 $0x7F800000, v4;
	v54 =	vand.u32 $0x7F800000, v5  }
0x29f: {  	v16 =	vand.u32 $0x7F800000, v8;
	v17 =	vand.u32 $0x7F800000, v9;
	v53 =	vand.u32 $0x7F800000, v49  }
0x2a0: {  	v6 =	vmax.u32 v6, $0x3F000000;
	v7 =	vmax.u32 v7, $0x3F000000;
	v10 =	vmax.u32 v10, $0x3F000000  }
0x2a1: {  	v12 =	vmax.u32 v12, $0x3F000000;
	v14 =	vmax.u32 v14, $0x3F000000;
	v16 =	vmax.u32 v16, $0x3F000000  }
0x2a2: {  	v17 =	vmax.u32 v17, $0x3F000000;
	v11 =	vmin.u32 v6, $0x42800000;
	v15 =	vmin.u32 v7, $0x42800000  }
0x2a3: {  	v19 =	vmin.u32 v10, $0x42800000;
	v21 =	vmin.u32 v12, $0x42800000;
	v20 =	vmin.u32 v17, $0x42800000  }
0x2a4: {  	v22 =	vmin.u32 v14, $0x42800000;
	v24 =	vmin.u32 v16, $0x42800000;
	v6 =	vmin.u32 v6, $0x40800000  }
0x2a5: {  	v7 =	vmin.u32 v7, $0x40800000;
	v55 =	vmin.u32 v10, $0x40800000;
	v56 =	vmin.u32 v12, $0x40800000  }
0x2a6: {  	v57 =	vmin.u32 v14, $0x40800000;
	v16 =	vmin.u32 v16, $0x40800000;
	v13 =	vsub.s32 $0x82000000, v11  }
0x2a7: {  	v18 =	vsub.s32 $0x82000000, v20;
	v6 =	vadd.s32 $0xFF000000, v6;
	v25 =	vsub.s32 $0x82000000, v15  }
0x2a8: {  	v26 =	vsub.s32 $0x82000000, v19;
	v27 =	vsub.s32 $0x82000000, v21;
	v28 =	vsub.s32 $0x82000000, v22  }
0x2a9: {  	v11 =	vadd.s32 $0xFD000000, v11;
	v7 =	vadd.s32 $0xFF000000, v7;
	v10 =	vadd.s32 $0xFF000000, v56  }
0x2aa: {  	v51 =	vld [tilespmem:s20+$0xFFFFFFF0];
	v59 =	vadd.s32 $0xFF000000, v57;
	v61 =	vadd.s32 $0xFF000000, v16;
	v62 =	vadd.s32 $0xFD000000, v20  }
0x2ab: {  	v15 =	vadd.s32 $0xFD000000, v15;
	v16 =	vadd.s32 $0xFD000000, v21;
	v48 =	vadd.s32 $0xFD000000, v22  }
0x2ac: {  	v52 =	vadd.s32 $0xFD000000, v24;
	v0 =	vmul.f32 v13, v0;
	v13 =	vmax.u32 v54, $0x3F000000  }
0x2ad: {  	v9 =	vmul.f32 v18, v9;
	v18 =	vsub.s32 $0x82000000, v24;
	v1 =	vmul.f32 v25, v1  }
0x2ae: {  	v25 =	vmin.u32 v17, $0x40800000;
	v2 =	vmul.f32 v26, v2;
	v3 =	vmul.f32 v27, v3  }
0x2af: {  	v4 =	vmul.f32 v28, v4;
	v54 =	vand.u32 $0x7F800000, v51;
	v0 =	vadd.f32 $1.258291200e+07, v0  }
0x2b0: {  	v23 =	vmin.u32 v13, $0x42800000;
	v9 =	vadd.f32 $1.258291200e+07, v9;
	v1 =	vadd.f32 $1.258291200e+07, v1  }
0x2b1: {  	v13 =	vmin.u32 v13, $0x40800000;
	v2 =	vadd.f32 $1.258291200e+07, v2;
	v3 =	vadd.f32 $1.258291200e+07, v3  }
0x2b2: {  	v29 =	vsub.s32 $0x82000000, v23;
	v4 =	vadd.f32 $1.258291200e+07, v4;
	v0 =	vadd.f32 $-1.258291200e+07, v0  }
0x2b3: {  	v5 =	vmul.f32 v29, v5;
	v9 =	vadd.f32 $-1.258291200e+07, v9;
	v1 =	vadd.f32 $-1.258291200e+07, v1  }
0x2b4: {  	v60 =	vadd.s32 $0xFF000000, v13;
	v2 =	vadd.f32 $-1.258291200e+07, v2;
	v3 =	vadd.f32 $-1.258291200e+07, v3  }
0x2b5: {  	v50 =	vadd.s32 $0xFD000000, v23;
	v4 =	vadd.f32 $-1.258291200e+07, v4;
	v5 =	vadd.f32 $1.258291200e+07, v5  }
0x2b6: {  	v0 =	vmax.f32 v0, $-1.280000000e+02;
	v9 =	vmax.f32 v9, $-1.280000000e+02;
	v1 =	vmax.f32 v1, $-1.280000000e+02  }
0x2b7: {  	v63 =	vld [tilespmem:s20+$0xFFFFFFD0];
	v2 =	vmax.f32 v2, $-1.280000000e+02;
	v3 =	vmax.f32 v3, $-1.280000000e+02;
	v4 =	vmax.f32 v4, $-1.280000000e+02  }
0x2b8: {  	v0 =	vmin.f32 v0, $1.270000000e+02;
	v5 =	vadd.f32 $-1.258291200e+07, v5;
	v9 =	vmin.f32 v9, $1.270000000e+02  }
0x2b9: {  	v1 =	vmin.f32 v1, $1.270000000e+02;
	v3 =	vmin.f32 v3, $1.270000000e+02;
	v6 =	vmul.f32 v6, v0  }
0x2ba: {  	v4 =	vmin.f32 v4, $1.270000000e+02;
	v0 =	vmul.f32 v11, v0;
	v7 =	vmul.f32 v7, v1  }
0x2bb: {  	v2 =	vmin.f32 v2, $1.270000000e+02;
	v10 =	vmul.f32 v10, v3;
	v11 =	vmul.f32 v59, v4  }
0x2bc: {  	v26 =	vmul.f32 v62, v9;
	v23 =	vmul.f32 v16, v3;
	v3 =	vand.u32 $0x7F800000, v63  }
0x2bd: {  	v33 =	vmul.f32 v15, v1;
	v5 =	vmax.f32 v5, $-1.280000000e+02;
	v3 =	vmax.u32 v3, $0x3F000000  }
0x2be: {  	v6 =	vadd.f32 $1.280000000e+02, v6;
	v5 =	vmin.f32 v5, $1.270000000e+02;
	v7 =	vadd.f32 $1.280000000e+02, v7  }
0x2bf: {  	v1 =	vld [tilespmem:s20+$0x10];
	v10 =	vadd.f32 $1.280000000e+02, v10;
	v11 =	vadd.f32 $1.280000000e+02, v11;
	v14 =	vmin.u32 v3, $0x42800000  }
0x2c0: {  	v3 =	vmin.u32 v3, $0x40800000;
	v12 =	vmul.f32 v60, v5;
	v32 =	vmul.f32 v50, v5  }
0x2c1: {  	v41 =	vsub.s32 $0x82000000, v14;
	v6 =	vtrunc.f32 v6;
	v7 =	vtrunc.f32 v7  }
0x2c2: {  	v3 =	vadd.s32 $0xFF000000, v3;
	v10 =	vtrunc.f32 v10;
	v11 =	vtrunc.f32 v11  }
0x2c3: {  	v5 =	vld [tilespmem:s20+$0xFFFFFFC0];
	v14 =	vadd.s32 $0xFD000000, v14;
	v17 =	vcvt.f32.s32 v6;
	v6 =	vmul.f32 v18, v8  }
0x2c4: {  	v8 =	vadd.s32 $0xFF000000, v55;
	v12 =	vadd.f32 $1.280000000e+02, v12;
	v59 =	vand.u32 $0x7F800000, v1  }
0x2c5: {  	v27 =	vcvt.f32.s32 v11;
	v8 =	vmul.f32 v8, v2;
	v15 =	vmax.u32 v59, $0x3F000000  }
0x2c6: {  	v6 =	vadd.f32 $1.258291200e+07, v6;
	v12 =	vtrunc.f32 v12;
	v38 =	vmin.u32 v15, $0x42800000  }
0x2c7: {  	v15 =	vmin.u32 v15, $0x40800000;
	v8 =	vadd.f32 $1.280000000e+02, v8;
	v57 =	vcvt.f32.s32 v12  }
0x2c8: {  	v12 =	vmax.u32 v54, $0x3F000000;
	v21 =	vand.u32 $0x7F800000, v5;
	v45 =	vsub.s32 $0x82000000, v38  }
0x2c9: {  	v15 =	vadd.s32 $0xFF000000, v15;
	v6 =	vadd.f32 $-1.258291200e+07, v6;
	v21 =	vmax.u32 v21, $0x3F000000  }
0x2ca: {  	v24 =	vmin.u32 v12, $0x42800000;
	v1 =	vmul.f32 v45, v1;
	v12 =	vmin.u32 v12, $0x40800000  }
0x2cb: {  	v8 =	vtrunc.f32 v8;
	v36 =	vmin.u32 v21, $0x42800000;
	v43 =	vsub.s32 $0x82000000, v24  }
0x2cc: {  	v21 =	vmin.u32 v21, $0x40800000;
	v12 =	vadd.s32 $0xFF000000, v12;
	v6 =	vmax.f32 v6, $-1.280000000e+02  }
0x2cd: {  	v58 =	vld.idx.msk [tilespmem:v17+s26+$0x0], $0xffff;
	v31 =	vcvt.f32.s32 v8;
	v39 =	vsub.s32 $0x82000000, v36;
	v8 =	vmul.f32 v41, v63  }
0x2ce: {  	v1 =	vadd.f32 $1.258291200e+07, v1;
	v6 =	vmin.f32 v6, $1.270000000e+02;
	v5 =	vmul.f32 v39, v5  }
0x2cf: {  	v63 =	vadd.s32 $0xFF000000, v21;
	v13 =	vmul.f32 v61, v6;
	v8 =	vadd.f32 $1.258291200e+07, v8  }
0x2d0: {  	v46 =	vld.idx.msk [tilespmem:v17+s28+$0x0], $0xffff;
	v17 =	vadd.s32 $0xFD000000, v36;
	v1 =	vadd.f32 $-1.258291200e+07, v1;
	v5 =	vadd.f32 $1.258291200e+07, v5  }
0x2d1: {  	v35 =	vmul.f32 v52, v6;
	v13 =	vadd.f32 $1.280000000e+02, v13;
	v8 =	vadd.f32 $-1.258291200e+07, v8  }
0x2d2: {  	v1 =	vmax.f32 v1, $-1.280000000e+02;
	v18 =	vmul.f32 v0, v58;
	v0 =	vadd.s32 $0xFF000000, v25  }
0x2d3: {  	v58 =	vcvt.f32.s32 v10;
	v25 =	vmul.f32 v48, v4;
	v10 =	vmax.u32 v53, $0x3F000000  }
0x2d4: {  	v5 =	vadd.f32 $-1.258291200e+07, v5;
	v1 =	vmin.f32 v1, $1.270000000e+02;
	v0 =	vmul.f32 v0, v9  }
0x2d5: {  	v4 =	vld [tilespmem:s20+$0x20];
	v13 =	vtrunc.f32 v13;
	v22 =	vmin.u32 v10, $0x42800000;
	v9 =	vmul.f32 v43, v51  }
0x2d6: {  	v10 =	vmin.u32 v10, $0x40800000;
	v8 =	vmax.f32 v8, $-1.280000000e+02;
	v15 =	vmul.f32 v15, v1  }
0x2d7: {  	v30 =	vcvt.f32.s32 v13;
	v42 =	vsub.s32 $0x82000000, v22;
	v5 =	vmax.f32 v5, $-1.280000000e+02  }
0x2d8: {  	v10 =	vadd.s32 $0xFF000000, v10;
	v54 =	vadd.s32 $0xFD000000, v22;
	v0 =	vadd.f32 $1.280000000e+02, v0  }
0x2d9: {  	v11 =	vmul.f32 v42, v49;
	v9 =	vadd.f32 $1.258291200e+07, v9;
	v15 =	vadd.f32 $1.280000000e+02, v15  }
0x2da: {  	v5 =	vmin.f32 v5, $1.270000000e+02;
	v0 =	vtrunc.f32 v0;
	v16 =	vand.u32 $0x7F800000, v4  }
0x2db: {  	v11 =	vadd.f32 $1.258291200e+07, v11;
	v9 =	vadd.f32 $-1.258291200e+07, v9;
	v15 =	vtrunc.f32 v15  }
0x2dc: {  	v20 =	vcvt.f32.s32 v0;
	v0 =	vadd.s32 $0xFD000000, v19;
	v19 =	vcvt.f32.s32 v7  }
0x2dd: {  	v7 =	vld [tilespmem:s20+$0x30];
	v16 =	vmax.u32 v16, $0x3F000000;
	v41 =	vcvt.f32.s32 v15;
	v34 =	vmul.f32 v0, v2  }
0x2de: {  	v40 =	vmin.u32 v16, $0x42800000;
	v11 =	vadd.f32 $-1.258291200e+07, v11;
	v9 =	vmax.f32 v9, $-1.280000000e+02  }
0x2df: {  	v0 =	vld [tilespmem:s20+$0x0];
	v16 =	vmin.u32 v16, $0x40800000;
	v60 =	vsub.s32 $0x82000000, v40;
	v9 =	vmin.f32 v9, $1.270000000e+02  }
0x2e0: {  	v16 =	vadd.s32 $0xFF000000, v16;
	v4 =	vmul.f32 v60, v4;
	v11 =	vmax.f32 v11, $-1.280000000e+02  }
0x2e1: {  	v15 =	vadd.s32 $0xFD000000, v40;
	v12 =	vmul.f32 v12, v9;
	v62 =	vmin.f32 v11, $1.270000000e+02  }
0x2e2: {  	v11 =	vmul.f32 v63, v5;
	v2 =	vand.u32 $0x7F800000, v7;
	v4 =	vadd.f32 $1.258291200e+07, v4  }
0x2e3: {  	v10 =	vmul.f32 v10, v62;
	v12 =	vadd.f32 $1.280000000e+02, v12;
	v2 =	vmax.u32 v2, $0x3F000000  }
0x2e4: {  	v56 =	vand.u32 $0x7F800000, v0;
	v11 =	vadd.f32 $1.280000000e+02, v11;
	v6 =	vmin.u32 v2, $0x42800000  }
0x2e5: {  	v13 =	vmax.u32 v56, $0x3F000000;
	v2 =	vmin.u32 v2, $0x40800000;
	v4 =	vadd.f32 $-1.258291200e+07, v4  }
0x2e6: {  	v10 =	vadd.f32 $1.280000000e+02, v10;
	v12 =	vtrunc.f32 v12;
	v55 =	vsub.s32 $0x82000000, v6  }
0x2e7: {  	v53 =	vld.idx.msk [tilespmem:v27+s26+$0x0], $0xffff;
	v37 =	vmin.u32 v13, $0x42800000;
	v2 =	vadd.s32 $0xFF000000, v2;
	v13 =	vmin.u32 v13, $0x40800000  }
0x2e8: {  	v51 =	vld.idx.msk [tilespmem:v31+s26+$0x0], $0xffff;
	v6 =	vadd.s32 $0xFD000000, v6;
	v11 =	vtrunc.f32 v11;
	v29 =	vcvt.f32.s32 v12  }
0x2e9: {  	v52 =	vld.idx.msk [tilespmem:v58+s26+$0x0], $0xffff;
	v7 =	vmul.f32 v55, v7;
	v44 =	vsub.s32 $0x82000000, v37;
	v4 =	vmax.f32 v4, $-1.280000000e+02  }
0x2ea: {  	v48 =	vld.idx.msk [tilespmem:v20+s26+$0x0], $0xffff;
	v13 =	vadd.s32 $0xFF000000, v13;
	v10 =	vtrunc.f32 v10;
	v39 =	vcvt.f32.s32 v11  }
0x2eb: {  	v49 =	vld.idx.msk [tilespmem:v19+s26+$0x0], $0xffff;
	v55 =	vadd.s32 $0xFD000000, v24;
	v63 =	vadd.s32 $0xFD000000, v37;
	v24 =	vmul.f32 v17, v5  }
0x2ec: {  	v59 =	vld.idx.msk [tilespmem:v19+s28+$0x0], $0xffff;
	v5 =	vadd.s32 $0xFD000000, v38;
	v0 =	vmul.f32 v44, v0;
	v45 =	vcvt.f32.s32 v10  }
0x2ed: {  	v56 =	vld.idx.msk [tilespmem:v57+s26+$0x0], $0xffff;
	v4 =	vmin.f32 v4, $1.270000000e+02;
	v44 =	vmul.f32 v54, v62;
	v21 =	vmul.f32 v55, v9  }
0x2ee: {  	v17 =	vld.idx.msk [tilespmem:v31+s28+$0x0], $0xffff;
	v19 =	vmul.f32 v5, v1;
	v62 =	vadd.f32 v18, v46;
	v55 =	vmul.f32 v34, v51  }
0x2ef: {  	v54 =	vmul.f32 v23, v52;
	v7 =	vadd.f32 $1.258291200e+07, v7;
	v16 =	vmul.f32 v16, v4  }
0x2f0: {  	v18 =	vmul.f32 v15, v4;
	v1 =	vmul.f32 v26, v48;
	v0 =	vadd.f32 $1.258291200e+07, v0  }
0x2f1: {  	s21 =	simm.s32 $0x4140;
	v4 =	vmul.f32 v33, v49;
	v26 =	vmul.f32 v25, v53;
	v7 =	vadd.f32 $-1.258291200e+07, v7  }
0x2f2: {  	v5 =	vld [tilespmem:s21+$0x0];
	v25 =	vmul.f32 v32, v56;
	v16 =	vadd.f32 $1.280000000e+02, v16;
	v0 =	vadd.f32 $-1.258291200e+07, v0  }
0x2f3: {  	v60 =	vadd.f32 v4, v59;
	v4 =	vld [tilespmem:s21+$0xFFFFFFC0];
	v55 =	vadd.f32 v55, v17;
	v7 =	vmax.f32 v7, $-1.280000000e+02  }
0x2f4: {  	v36 =	vtrunc.f32 v16;
	v7 =	vmin.f32 v7, $1.270000000e+02;
	v0 =	vmax.f32 v0, $-1.280000000e+02  }
0x2f5: {  	v16 =	vld.idx.msk [tilespmem:v30+s26+$0x0], $0xffff;
	v2 =	vmul.f32 v2, v7;
	v6 =	vmul.f32 v6, v7;
	v7 =	vmin.f32 v8, $1.270000000e+02  }
0x2f6: {  	v42 =	vcvt.f32.s32 v36;
	v0 =	vmin.f32 v0, $1.270000000e+02;
	v3 =	vmul.f32 v3, v7  }
0x2f7: {  	v38 =	vand.u32 $0x7F800000, v5;
	v13 =	vmul.f32 v13, v0;
	v22 =	vmul.f32 v14, v7  }
0x2f8: {  	v14 =	vmax.u32 v38, $0x3F000000;
	v43 =	vand.u32 $0x7F800000, v4;
	v2 =	vadd.f32 $1.280000000e+02, v2  }
0x2f9: {  	v8 =	vld [tilespmem:s21+$0x20];
	v32 =	vmax.u32 v43, $0x3F000000;
	v53 =	vmin.u32 v14, $0x42800000;
	v14 =	vmin.u32 v14, $0x40800000  }
0x2fa: {  	v3 =	vadd.f32 $1.280000000e+02, v3;
	v13 =	vadd.f32 $1.280000000e+02, v13;
	v23 =	vmul.f32 v35, v16  }
0x2fb: {  	v34 =	vmin.u32 v32, $0x42800000;
	v59 =	vsub.s32 $0x82000000, v53;
	v2 =	vtrunc.f32 v2  }
0x2fc: {  	v7 =	vld [tilespmem:s21+$0x30];
	v32 =	vmin.u32 v32, $0x40800000;
	v5 =	vmul.f32 v59, v5;
	v3 =	vtrunc.f32 v3  }
0x2fd: {  	v33 =	vsub.s32 $0x82000000, v34;
	v2 =	vcvt.f32.s32 v2;
	v47 =	vcvt.f32.s32 v3;
	v3 =	vld.idx.msk [tilespmem:v20+s28+$0x0], $0xffff  }
0x2fe: {  	v13 =	vtrunc.f32 v13;
	v16 =	vand.u32 $0x7F800000, v8;
	v4 =	vmul.f32 v33, v4  }
0x2ff: {  	s6 =	simm.s32 $0xC040;
	v20 =	vmul.f32 v63, v0;
	v0 =	vld [tilespmem:s21+$0xFFFFFFE0];
	v16 =	vmax.u32 v16, $0x3F000000;
	v5 =	vadd.f32 $1.258291200e+07, v5  }
0x300: {  	[tilespmem:s6+$0x30] =	vst v62;
	v62 =	vadd.s32 $0xFD000000, v53;
	v50 =	vcvt.f32.s32 v13;
	v63 =	vmin.u32 v16, $0x42800000  }
0x301: {  	v4 =	vadd.f32 $1.258291200e+07, v4;
	v43 =	vsub.s32 $0x82000000, v63;
	v5 =	vadd.f32 $-1.258291200e+07, v5  }
0x302: {  	v8 =	vmul.f32 v43, v8;
	v43 =	vld.idx.msk [tilespmem:v58+s28+$0x0], $0xffff;
	v49 =	vadd.f32 v1, v3;
	v3 =	vand.u32 $0x7F800000, v7  }
0x303: {  	v4 =	vadd.f32 $-1.258291200e+07, v4;
	v5 =	vmax.f32 v5, $-1.280000000e+02;
	v61 =	vld.idx.msk [tilespmem:v2+s26+$0x0], $0xffff;
	v3 =	vmax.u32 v3, $0x3F000000  }
0x304: {  	v2 =	vld.idx.msk [tilespmem:v2+s28+$0x0], $0xffff;
	v35 =	vand.u32 $0x7F800000, v0;
	v8 =	vadd.f32 $1.258291200e+07, v8;
	v11 =	vmin.u32 v3, $0x42800000  }
0x305: {  	v1 =	vld [tilespmem:s21+$0x10];
	v4 =	vmax.f32 v4, $-1.280000000e+02;
	v10 =	vmax.u32 v35, $0x3F000000;
	v37 =	vsub.s32 $0x82000000, v11  }
0x306: {  	v51 =	vmin.u32 v10, $0x42800000;
	v3 =	vmin.u32 v3, $0x40800000;
	v7 =	vmul.f32 v37, v7  }
0x307: {  	v9 =	vld [tilespmem:s21+$0xFFFFFFD0];
	v10 =	vmin.u32 v10, $0x40800000;
	v8 =	vadd.f32 $-1.258291200e+07, v8;
	v3 =	vadd.s32 $0xFF000000, v3  }
0x308: {  	v46 =	vsub.s32 $0x82000000, v51;
	v6 =	vmul.f32 v6, v61;
	v7 =	vadd.f32 $1.258291200e+07, v7  }
0x309: {  	v11 =	vadd.s32 $0xFD000000, v11;
	v43 =	vadd.f32 v54, v43;
	v0 =	vmul.f32 v46, v0  }
0x30a: {  	v40 =	vand.u32 $0x7F800000, v1;
	v48 =	vadd.f32 v6, v2;
	v2 =	vld [tilespmem:s21+$0xFFFFFFF0];
	v7 =	vadd.f32 $-1.258291200e+07, v7  }
0x30b: {  	v8 =	vmax.f32 v8, $-1.280000000e+02;
	v15 =	vmax.u32 v40, $0x3F000000;
	v0 =	vadd.f32 $1.258291200e+07, v0  }
0x30c: {  	v6 =	vand.u32 $0x7F800000, v9;
	v61 =	vmin.u32 v15, $0x42800000;
	v7 =	vmax.f32 v7, $-1.280000000e+02  }
0x30d: {  	v15 =	vmin.u32 v15, $0x40800000;
	v6 =	vmax.u32 v6, $0x3F000000;
	v7 =	vmin.f32 v7, $1.270000000e+02  }
0x30e: {  	v13 =	vsub.s32 $0x82000000, v61;
	v0 =	vadd.f32 $-1.258291200e+07, v0;
	v3 =	vmul.f32 v3, v7  }
0x30f: {  	v28 =	vmin.u32 v6, $0x42800000;
	v1 =	vmul.f32 v13, v1;
	v36 =	vand.u32 $0x7F800000, v2  }
0x310: {  	v35 =	vsub.s32 $0x82000000, v28;
	v12 =	vmax.u32 v36, $0x3F000000;
	v3 =	vadd.f32 $1.280000000e+02, v3  }
0x311: {  	v6 =	vmin.u32 v6, $0x40800000;
	v9 =	vmul.f32 v35, v9;
	v52 =	vmin.u32 v12, $0x42800000  }
0x312: {  	v1 =	vadd.f32 $1.258291200e+07, v1;
	v56 =	vsub.s32 $0x82000000, v52;
	v3 =	vtrunc.f32 v3  }
0x313: {  	v13 =	vmin.f32 v4, $1.270000000e+02;
	v2 =	vmul.f32 v56, v2;
	v3 =	vcvt.f32.s32 v3  }
0x314: {  	v0 =	vmax.f32 v0, $-1.280000000e+02;
	v9 =	vadd.f32 $1.258291200e+07, v9;
	v1 =	vadd.f32 $-1.258291200e+07, v1  }
0x315: {  	v4 =	vmin.u32 v16, $0x40800000;
	v58 =	vmin.f32 v0, $1.270000000e+02;
	v2 =	vadd.f32 $1.258291200e+07, v2  }
0x316: {  	v27 =	vld.idx.msk [tilespmem:v27+s28+$0x0], $0xffff;
	v12 =	vmin.u32 v12, $0x40800000;
	v9 =	vadd.f32 $-1.258291200e+07, v9;
	v1 =	vmax.f32 v1, $-1.280000000e+02  }
0x317: {  	v31 =	vld.idx.msk [tilespmem:v57+s28+$0x0], $0xffff;
	v56 =	vmin.f32 v5, $1.270000000e+02;
	v57 =	vmin.f32 v1, $1.270000000e+02;
	v2 =	vadd.f32 $-1.258291200e+07, v2  }
0x318: {  	v30 =	vld.idx.msk [tilespmem:v30+s28+$0x0], $0xffff;
	v1 =	vadd.s32 $0xFF000000, v32;
	v5 =	vadd.s32 $0xFF000000, v10;
	v9 =	vmax.f32 v9, $-1.280000000e+02  }
0x319: {  	v1 =	vmul.f32 v1, v13;
	v5 =	vmul.f32 v5, v58;
	v2 =	vmax.f32 v2, $-1.280000000e+02;
	v46 =	vld.idx.msk [tilespmem:v3+s26+$0x0], $0xffff  }
0x31a: {  	v38 =	vld.idx.msk [tilespmem:v42+s26+$0x0], $0xffff;
	v9 =	vmin.f32 v9, $1.270000000e+02;
	v59 =	vmin.f32 v2, $1.270000000e+02;
	v2 =	vadd.s32 $0xFF000000, v6  }
0x31b: {  	v42 =	vld.idx.msk [tilespmem:v42+s28+$0x0], $0xffff;
	v1 =	vadd.f32 $1.280000000e+02, v1;
	v6 =	vadd.s32 $0xFF000000, v12;
	v2 =	vmul.f32 v2, v9  }
0x31c: {  	v7 =	vmul.f32 v11, v7;
	v5 =	vadd.f32 $1.280000000e+02, v5;
	v3 =	vld.idx.msk [tilespmem:v3+s28+$0x0], $0xffff;
	v6 =	vmul.f32 v6, v59  }
0x31d: {  	v33 =	vld.idx.msk [tilespmem:v47+s26+$0x0], $0xffff;
	v4 =	vadd.s32 $0xFF000000, v4;
	v1 =	vtrunc.f32 v1;
	v2 =	vadd.f32 $1.280000000e+02, v2  }
0x31e: {  	v37 =	vld.idx.msk [tilespmem:v50+s26+$0x0], $0xffff;
	v5 =	vtrunc.f32 v5;
	v6 =	vadd.f32 $1.280000000e+02, v6;
	v0 =	vmul.f32 v7, v46  }
0x31f: {  	v40 =	vld.idx.msk [tilespmem:v39+s28+$0x0], $0xffff;
	v46 =	vmin.f32 v8, $1.270000000e+02;
	v7 =	vadd.s32 $0xFF000000, v15;
	v12 =	vtrunc.f32 v2  }
0x320: {  	v35 =	vld.idx.msk [tilespmem:v45+s26+$0x0], $0xffff;
	v2 =	vadd.s32 $0xFD000000, v51;
	v6 =	vtrunc.f32 v6;
	v51 =	vcvt.f32.s32 v5  }
0x321: {  	v36 =	vld.idx.msk [tilespmem:v41+s26+$0x0], $0xffff;
	v7 =	vmul.f32 v7, v57;
	v0 =	vadd.f32 v0, v3;
	v3 =	vadd.s32 $0xFF000000, v14  }
0x322: {  	v10 =	vadd.s32 $0xFD000000, v28;
	v28 =	vld.idx.msk [tilespmem:v45+s28+$0x0], $0xffff;
	v4 =	vmul.f32 v4, v46;
	v3 =	vmul.f32 v3, v56  }
0x323: {  	s20 =	simm.s32 $0xC140;
	v45 =	vld.idx.msk [tilespmem:v50+s28+$0x0], $0xffff;
	v53 =	vcvt.f32.s32 v12;
	v50 =	vcvt.f32.s32 v6;
	v7 =	vadd.f32 $1.280000000e+02, v7  }
0x324: {  	v41 =	vld.idx.msk [tilespmem:v41+s28+$0x0], $0xffff;
	v4 =	vadd.f32 $1.280000000e+02, v4;
	[tilespmem:s20+$0x30] =	vst v0;
	v0 =	vmul.f32 v10, v9;
	v11 =	vadd.f32 $1.280000000e+02, v3  }
0x325: {  	s21 =	simm.s32 $0xC0C0;
	v32 =	vld.idx.msk [tilespmem:v39+s26+$0x0], $0xffff;
	v3 =	vadd.s32 $0xFD000000, v52;
	v7 =	vtrunc.f32 v7;
	v52 =	vcvt.f32.s32 v1  }
0x326: {  	[tilespmem:s21+$0x30] =	vst v48;
	v39 =	vld.idx.msk [tilespmem:v47+s28+$0x0], $0xffff;
	v8 =	vadd.s32 $0xFD000000, v34;
	v1 =	vtrunc.f32 v4;
	v48 =	vcvt.f32.s32 v7  }
0x327: {  	[tilespmem:s6+$0xFFFFFFD0] =	vst v60;
	v34 =	vld.idx.msk [tilespmem:v29+s26+$0x0], $0xffff;
	v4 =	vadd.s32 $0xFD000000, v61;
	v47 =	vcvt.f32.s32 v1;
	v11 =	vtrunc.f32 v11  }
0x328: {  	s8 =	simm.s32 $0x100;
	s9 =	simm.s32 $0x41C0;
	[tilespmem:s6+$0xFFFFFFC0] =	vst v49;
	v29 =	vld.idx.msk [tilespmem:v29+s28+$0x0], $0xffff;
	v61 =	vadd.s32 $0xFD000000, v63;
	v1 =	vmul.f32 v8, v13;
	v49 =	vcvt.f32.s32 v11  }
.LBB2_9:
0x329: {  	v2 =	vmul.f32 v2, v58  }
0x32a: {  	v5 =	vld [tilespmem:s9+$0x30];
	v3 =	vmul.f32 v3, v59;
	v8 =	vmul.f32 v62, v56  }
0x32b: {  	v7 =	vld [tilespmem:s9+$0xFFFFFFD0];
	v4 =	vmul.f32 v4, v57;
	v11 =	vmul.f32 v61, v46;
	[tilespmem:s6+$0xFFFFFFE0] =	vst v55  }
0x32c: {  	v6 =	vadd.f32 v26, v27;
	v12 =	vmul.f32 v24, v32;
	v14 =	vmul.f32 v22, v33;
	[tilespmem:s6+$0xFFFFFFF0] =	vst v43;
	v10 =	vld [tilespmem:s9+$0xFFFFFFE0]  }
0x32d: {  	v9 =	vadd.f32 v25, v31;
	v15 =	vmul.f32 v44, v35;
	v27 =	vmovc v45;
	v26 =	vmul.f32 v20, v37;
	v13 =	vld [tilespmem:s9+$0xFFFFFFF0]  }
0x32e: {  	v25 =	vmul.f32 v19, v36;
	v43 =	vmul.f32 v21, v34;
	[tilespmem:s6+$0x0] =	vst v6;
	v6 =	vadd.f32 v23, v30  }
0x32f: {  	v44 =	vmovc v2;
	v45 =	vadd.f32 v12, v40;
	v23 =	vmul.f32 v18, v38;
	v54 =	vadd.f32 v14, v39;
	v2 =	vld [tilespmem:s9+$0x0]  }
0x330: {  	[tilespmem:s6+$0x10] =	vst v9;
	v21 =	vmovc v3;
	v43 =	vadd.f32 v43, v29;
	v46 =	vand.u32 $0x7F800000, v5;
	v3 =	vand.u32 $0x7F800000, v7  }
0x331: {  	[tilespmem:s6+$0x20] =	vst v6;
	v6 =	vld [tilespmem:s9+$0x10];
	v12 =	vmax.u32 v46, $0x3F000000;
	v3 =	vmax.u32 v3, $0x3F000000;
	v55 =	vand.u32 $0x7F800000, v10  }
0x332: {  	v24 =	vmovc v1;
	v14 =	vmin.u32 v12, $0x42800000;
	v56 =	vand.u32 $0x7F800000, v13;
	v1 =	vmin.u32 v3, $0x42800000  }
0x333: {  	v20 =	vmovc v8;
	v18 =	vmovc v11;
	s6 =	smov.u32 s21;
	v8 =	vld [tilespmem:s9+$0x20];
	v12 =	vmin.u32 v12, $0x40800000;
	v3 =	vmin.u32 v3, $0x40800000;
	v11 =	vmax.u32 v55, $0x3F000000  }
0x334: {  	v22 =	vmovc v0;
	[tilespmem:s6+$0xFFFFFFC0] =	vst v45;
	v16 =	vsub.s32 $0x82000000, v14;
	v9 =	vmax.u32 v56, $0x3F000000;
	v0 =	vand.u32 $0x7F800000, v2  }
0x335: {  	v19 =	vmovc v4;
	v4 =	vld [tilespmem:s9+$0xFFFFFFC0];
	v14 =	vadd.s32 $0xFD000000, v14;
	v3 =	vadd.s32 $0xFF000000, v3;
	v5 =	vmul.f32 v16, v5  }
0x336: {  	[tilespmem:$0x1FEF0] =	vst v15;
	v15 =	vmax.u32 v0, $0x3F000000;
	v0 =	vand.u32 $0x7F800000, v6;
	v60 =	vmin.u32 v11, $0x42800000  }
0x337: {  	[tilespmem:s6+$0xFFFFFFD0] =	vst v54;
	v61 =	vmin.u32 v9, $0x42800000;
	v11 =	vmin.u32 v11, $0x40800000;
	v9 =	vmin.u32 v9, $0x40800000  }
0x338: {  	v33 =	vld.idx.msk [tilespmem:v53+s26+$0x0], $0xffff;
	v16 =	vmax.u32 v0, $0x3F000000;
	v0 =	vand.u32 $0x7F800000, v8;
	v62 =	vmin.u32 v15, $0x42800000  }
0x339: {  	v39 =	vld.idx.msk [tilespmem:v53+s28+$0x0], $0xffff;
	v53 =	vsub.s32 $0x82000000, v60;
	v15 =	vmin.u32 v15, $0x40800000;
	v9 =	vadd.s32 $0xFF000000, v9  }
0x33a: {  	v5 =	vadd.f32 $1.258291200e+07, v5;
	v57 =	vand.u32 $0x7F800000, v4;
	v46 =	vmax.u32 v0, $0x3F000000  }
0x33b: {  	v55 =	vmin.u32 v16, $0x42800000;
	v56 =	vsub.s32 $0x82000000, v62;
	v10 =	vmul.f32 v53, v10  }
0x33c: {  	v31 =	vmovc v41;
	v16 =	vmin.u32 v16, $0x40800000;
	v62 =	vadd.s32 $0xFD000000, v62;
	v41 =	vmax.u32 v57, $0x3F000000  }
0x33d: {  	v54 =	vmin.u32 v46, $0x42800000;
	v57 =	vsub.s32 $0x82000000, v55;
	v2 =	vmul.f32 v56, v2  }
0x33e: {  	v34 =	vld.idx.msk [tilespmem:v50+s26+$0x0], $0xffff;
	v53 =	vadd.s32 $0xFF000000, v16;
	v0 =	vadd.f32 $-1.258291200e+07, v5;
	v5 =	vmin.u32 v41, $0x42800000  }
0x33f: {  	v63 =	vld.idx.msk [tilespmem:v50+s28+$0x0], $0xffff;
	v50 =	vsub.s32 $0x82000000, v54;
	v10 =	vadd.f32 $1.258291200e+07, v10;
	v6 =	vmul.f32 v57, v6  }
0x340: {  	v30 =	vmovc v42;
	v35 =	vld.idx.msk [tilespmem:v51+s26+$0x0], $0xffff;
	v42 =	vsub.s32 $0x82000000, v5;
	v8 =	vmul.f32 v50, v8;
	v2 =	vadd.f32 $1.258291200e+07, v2  }
0x341: {  	v32 =	vld.idx.msk [tilespmem:v52+s26+$0x0], $0xffff;
	v0 =	vmax.f32 v0, $-1.280000000e+02;
	v4 =	vmul.f32 v42, v4;
	v6 =	vadd.f32 $1.258291200e+07, v6  }
0x342: {  	v40 =	vld.idx.msk [tilespmem:v52+s28+$0x0], $0xffff;
	v10 =	vadd.f32 $-1.258291200e+07, v10;
	v52 =	vmin.f32 v0, $1.270000000e+02;
	v0 =	vadd.s32 $0xFF000000, v12  }
0x343: {  	v37 =	vld.idx.msk [tilespmem:v49+s26+$0x0], $0xffff;
	v12 =	vsub.s32 $0x82000000, v1;
	v8 =	vadd.f32 $1.258291200e+07, v8;
	v45 =	vmul.f32 v0, v52  }
0x344: {  	v2 =	vadd.f32 $-1.258291200e+07, v2;
	v0 =	vld.idx.msk [tilespmem:v51+s28+$0x0], $0xffff;
	v51 =	vsub.s32 $0x82000000, v61;
	v4 =	vadd.f32 $1.258291200e+07, v4  }
0x345: {  	v36 =	vld.idx.msk [tilespmem:v48+s26+$0x0], $0xffff;
	v7 =	vmul.f32 v12, v7;
	v6 =	vadd.f32 $-1.258291200e+07, v6;
	v58 =	vadd.f32 $1.280000000e+02, v45  }
0x346: {  	v10 =	vmax.f32 v10, $-1.280000000e+02;
	v14 =	vmul.f32 v14, v52;
	v52 =	vadd.s32 $0xFF000000, v15;
	v45 =	vld.idx.msk [tilespmem:v49+s28+$0x0], $0xffff  }
0x347: {  	v59 =	vmul.f32 v51, v13;
	v49 =	vmin.u32 v41, $0x40800000;
	v41 =	vld.idx.msk [tilespmem:v48+s28+$0x0], $0xffff;
	v48 =	vtrunc.f32 v58  }
0x348: {  	v8 =	vadd.f32 $-1.258291200e+07, v8;
	v2 =	vmax.f32 v2, $-1.280000000e+02;
	v13 =	vcvt.f32.s32 v48  }
0x349: {  	v51 =	vadd.s32 $0xFF000000, v11;
	v7 =	vadd.f32 $1.258291200e+07, v7;
	v4 =	vadd.f32 $-1.258291200e+07, v4  }
0x34a: {  	v6 =	vmax.f32 v6, $-1.280000000e+02;
	v56 =	vmin.f32 v2, $1.270000000e+02;
	v12 =	vadd.f32 $1.258291200e+07, v59  }
0x34b: {  	v38 =	vld.idx.msk [tilespmem:v47+s26+$0x0], $0xffff;
	v8 =	vmax.f32 v8, $-1.280000000e+02;
	v57 =	vmin.f32 v6, $1.270000000e+02;
	v6 =	vadd.s32 $0xFF000000, v49  }
0x34c: {  	v42 =	vld.idx.msk [tilespmem:v47+s28+$0x0], $0xffff;
	v47 =	vmul.f32 v52, v56;
	v4 =	vmax.f32 v4, $-1.280000000e+02;
	v12 =	vadd.f32 $-1.258291200e+07, v12  }
0x34d: {  	v7 =	vadd.f32 $-1.258291200e+07, v7;
	v58 =	vmin.f32 v10, $1.270000000e+02;
	v17 =	vmin.f32 v4, $1.270000000e+02  }
0x34e: {  	v4 =	vmin.u32 v46, $0x40800000;
	v46 =	vmin.f32 v8, $1.270000000e+02;
	v12 =	vmax.f32 v12, $-1.280000000e+02;
	v50 =	vld.idx.msk [tilespmem:v13+s26+$0x0], $0xffff  }
0x34f: {  	v59 =	vmin.f32 v12, $1.270000000e+02;
	v12 =	vadd.s32 $0xFD000000, v1;
	v1 =	vmul.f32 v51, v58  }
0x350: {  	v48 =	vmul.f32 v53, v57;
	v7 =	vmax.f32 v7, $-1.280000000e+02;
	v4 =	vadd.s32 $0xFF000000, v4;
	v13 =	vld.idx.msk [tilespmem:v13+s28+$0x0], $0xffff  }
0x351: {  	v6 =	vmul.f32 v6, v17;
	v7 =	vmin.f32 v7, $1.270000000e+02;
	v1 =	vadd.f32 $1.280000000e+02, v1  }
0x352: {  	v8 =	vadd.f32 $1.280000000e+02, v47;
	v4 =	vmul.f32 v4, v46;
	v3 =	vmul.f32 v3, v7  }
0x353: {  	v6 =	vadd.f32 $1.280000000e+02, v6;
	v1 =	vtrunc.f32 v1;
	v2 =	vmul.f32 v14, v50  }
0x354: {  	v8 =	vtrunc.f32 v8;
	v4 =	vadd.f32 $1.280000000e+02, v4;
	v51 =	vcvt.f32.s32 v1;
	v1 =	vld [tilespmem:$0x1FEF0]  }
0x355: {  	v3 =	vadd.f32 $1.280000000e+02, v3;
	v6 =	vtrunc.f32 v6;
	v2 =	vadd.f32 v2, v13  }
0x356: {  	s8 =	sadd.s32 $0x80, s8;
	s21 =	smov.u32 s20;
	s20 =	sadd.s32 $0x80, s20;
	v5 =	vadd.s32 $0xFD000000, v5;
	v52 =	vcvt.f32.s32 v6;
	v6 =	vtrunc.f32 v4  }
0x357: {  	p0 =	slt.u32 s8, $0x3F80;
	v4 =	vadd.s32 $0xFD000000, v55;
	v50 =	vtrunc.f32 v3;
	[tilespmem:s20+$0x30] =	vst v2;
	v2 =	vmul.f32 v9, v59  }
.Ltmp6:
0x358: {  	v47 =	vcvt.f32.s32 v6;
	v53 =	vcvt.f32.s32 v50;
	v9 =	vadd.f32 $1.280000000e+02, v48;
	(pc) =	sbr.rel @p0 .LBB2_9-.Ltmp6, $4  }
0x359: {  	v55 =	vadd.f32 v1, v28;
	v1 =	vmul.f32 v5, v17;
	v49 =	vadd.f32 $1.280000000e+02, v2  }
0x35a: {  	v3 =	vadd.s32 $0xFD000000, v61;
	v28 =	vmovc v0;
	v0 =	vmul.f32 v12, v7;
	v9 =	vtrunc.f32 v9  }
0x35b: {  	v61 =	vadd.s32 $0xFD000000, v54;
	v48 =	vcvt.f32.s32 v9;
	v10 =	vtrunc.f32 v49  }
0x35c: {  	s9 =	sadd.s32 $0x80, s9;
	v29 =	vmovc v63;
	v2 =	vadd.s32 $0xFD000000, v60;
	v49 =	vcvt.f32.s32 v8;
	v50 =	vcvt.f32.s32 v10  }
0x35d: {  	_ =	sdelay $0x3  }
0x35e: {  	v5 =	vld.idx.msk [tilespmem:v52+s26+$0x0], $0xffff  }
0x35f: {  	v2 =	vmul.f32 v2, v58;
	v3 =	vmul.f32 v3, v59;
	[tilespmem:s6+$0xFFFFFFE0] =	vst v55;
	v6 =	vld.idx.msk [tilespmem:v53+s26+$0x0], $0xffff  }
0x360: {  	v7 =	vadd.f32 v26, v27;
	v8 =	vmul.f32 v62, v56;
	v9 =	vld.idx.msk [tilespmem:v51+s26+$0x0], $0xffff;
	[tilespmem:s6+$0xFFFFFFF0] =	vst v43  }
0x361: {  	v10 =	vadd.f32 v25, v31;
	v11 =	vmul.f32 v24, v32;
	v13 =	vmul.f32 v22, v33;
	v33 =	vld.idx.msk [tilespmem:v48+s26+$0x0], $0xffff  }
0x362: {  	v4 =	vmul.f32 v4, v57;
	v31 =	vadd.f32 v23, v30;
	v43 =	vld.idx.msk [tilespmem:v53+s28+$0x0], $0xffff;
	[tilespmem:s6+$0x0] =	vst v7  }
0x363: {  	v15 =	vmul.f32 v44, v35;
	v44 =	vld.idx.msk [tilespmem:v51+s28+$0x0], $0xffff;
	[tilespmem:s6+$0x10] =	vst v10;
	v32 =	vadd.f32 v11, v40  }
0x364: {  	v16 =	vmul.f32 v21, v34;
	v54 =	vld.idx.msk [tilespmem:v48+s28+$0x0], $0xffff;
	[tilespmem:s6+$0x20] =	vst v31;
	v35 =	vadd.f32 v13, v39  }
0x365: {  	v17 =	vmul.f32 v20, v37;
	v40 =	vld.idx.msk [tilespmem:v52+s28+$0x0], $0xffff;
	v15 =	vadd.f32 v15, v28;
	[tilespmem:s21+$0xFFFFFFC0] =	vst v32  }
0x366: {  	v19 =	vmul.f32 v19, v36;
	v12 =	vld.idx.msk [tilespmem:v50+s26+$0x0], $0xffff;
	v16 =	vadd.f32 v16, v29;
	[tilespmem:s21+$0xFFFFFFD0] =	vst v35  }
0x367: {  	v18 =	vmul.f32 v18, v38;
	v14 =	vld.idx.msk [tilespmem:v49+s26+$0x0], $0xffff;
	v45 =	vadd.f32 v17, v45;
	[tilespmem:s21+$0xFFFFFFE0] =	vst v15  }
0x368: {  	v50 =	vld.idx.msk [tilespmem:v50+s28+$0x0], $0xffff;
	v51 =	vadd.f32 v19, v41;
	[tilespmem:s21+$0xFFFFFFF0] =	vst v16;
	v1 =	vmul.f32 v1, v5  }
0x369: {  	v39 =	vld.idx.msk [tilespmem:v47+s26+$0x0], $0xffff;
	v53 =	vadd.f32 v18, v42;
	[tilespmem:s21+$0x0] =	vst v45;
	v0 =	vmul.f32 v0, v6  }
0x36a: {  	v52 =	vld.idx.msk [tilespmem:v49+s28+$0x0], $0xffff;
	[tilespmem:s21+$0x10] =	vst v51;
	v2 =	vmul.f32 v2, v9;
	v1 =	vadd.f32 v1, v40  }
0x36b: {  	v55 =	vld.idx.msk [tilespmem:v47+s28+$0x0], $0xffff;
	[tilespmem:s21+$0x20] =	vst v53;
	v58 =	vmul.f32 v4, v33;
	v0 =	vadd.f32 v0, v43  }
0x36c: {  	v56 =	vmul.f32 v61, v46;
	v3 =	vmul.f32 v3, v12;
	v57 =	vadd.f32 v2, v44;
	[tilespmem:s20+$0xFFFFFFC0] =	vst v1  }
0x36d: {  	v8 =	vmul.f32 v8, v14;
	v62 =	vadd.f32 v58, v54;
	[tilespmem:s20+$0xFFFFFFD0] =	vst v0  }
0x36e: {  	p0 =	seq.s32 s16, $0x1F;
	v60 =	vmul.f32 v56, v39;
	v59 =	vadd.f32 v3, v50;
	[tilespmem:s20+$0xFFFFFFE0] =	vst v57  }
.Ltmp7:
0x36f: {  	v61 =	vadd.f32 v8, v52;
	[tilespmem:s20+$0x10] =	vst v62;
	(pc) =	sbr.rel @p0 .LBB2_12-.Ltmp7, $4  }
0x370: {  	v63 =	vadd.f32 v60, v55;
	[tilespmem:s20+$0xFFFFFFF0] =	vst v59  }
0x371: {  	s21 =	sadd.s32 s19, s3;
	[tilespmem:s20+$0x0] =	vst v61  }
0x372: {  	s6 =	sadd.s32 $0x800, s21;
	[tilespmem:s20+$0x20] =	vst v63  }
0x373: {  	[hbm4b:s6+s5] =	stream.linear.scatter [tilespmem:s2], [sflag:$0x4], $0x4000, $0x38;
	[tilespmem:$0x10580] =	vst v63  }
.Ltmp8:
0x374: {  	(pc) =	sbr.rel .LBB2_2-.Ltmp8, $4  }
0x375: {  	s6 =	sadd.s32 s18, s14  }
0x376: {  	s6 =	sshrl.u32 s6, $0x3  }
0x377: {  	s16 =	sadd.s32 $0x1, s16;
	s6 =	sadd.s32 s0, s6  }
0x378: {  	[tilespmem:s24], [sflag:$0x2] =	stream.linear.gather [hbm4b:s6+s5], $0x4000, $0x38;
	[tilespmem:$0x10580] =	vst v63  }
.LBB2_13:
0x379: {  	_ =	sfence.sel $0x180000  }
0x37a: {  	[bflag:$0x0] =	sbarrier.arrive $0xFFFF  }
0x37b: {  	_ =	strace $0x90000047  }
0x37c: {  	s0 =	stileid.u32;
	[bflag:$0x2] =	sbarrier.arrive $0xFFFF  }
0x37d: {  	p0 =	sne.s32 s0, $0x0;
	s0 =	rddreg [dreg:$0x4]  }
0x37e: {  	s0 =	sadd.s32 @!p0 $0x100000, s0  }
0x37f: {  	[sflag:s0] =	ssyncadd.tile.s32 @!p0 $0x1;
	_ =	shalt  }
.Lfunc_end2:
_tile_overlayer_lowered:
.L_overlay_start_2:
0x380: {  	(tag) =	ssettag $0x2  }
0x381: {  	s0 =	rddreg [dreg:$0x0];
	s2 =	stileid.u32  }
0x382: {  	s1 =	rddreg [dreg:$0x1];
	p0 =	sne.s32 s2, $0x0  }
0x383: {  	s3 =	rddreg [dreg:$0x2];
	[bflag:$0x3] =	sbarrier.arrive $0xFFFF;
	s2 =	simm.s32 @!p0 $0x1C05  }
0x384: {  	[timem:s3], [sflag:s2] =	dma.local @!p0 [hbm:s0], s1  }
0x385: {  	s0 =	simm.s32 @!p0 $0x5  }
0x386: {  	_ =	swait.ge @!p0 [sflag:s0], s1  }
0x387: {  	s1 =	ssub.s32 @!p0 $0x0, s1;
	[sflag:s0] =	ssyncset.done @!p0 $0x0  }
0x388: {  	[sflag:s0] =	ssyncadd.s32 @!p0 s1  }
0x389: {  	[bflag:$0x3] =	sbarrier.arrive $0xFFFF  }
0x38a: {  	_ =	shalt  }

</sc_bundles>
